<compile_context>
chip_gen: v7x
topology: tpu7x:2x2x1
jax: 0.10.2.dev20260603
libtpu: 0.0.44.dev20260713+nightly
codegen_flags: <defaults>
</compile_context>

<pallas_src>
import functools

import jax
import jax.numpy as jnp
from jax import lax
from jax.experimental import pallas as pl
from jax.experimental.pallas import tpu as pltpu
from jax.experimental.pallas import tpu_sc as plsc

N = 10000
E = 320000
D = 128
G = 64

NC = 2
NS = 16
DH = D // NC

C = 128
NCH = 160
NB = 4
EPAD = NS * NCH * C
CW = 8
ROWS_PT = 632
NPAD = NS * ROWS_PT


def _make_sc_agg(with_counts):
  mesh = plsc.VectorSubcoreMesh(core_axis_name="c", subcore_axis_name="s")
  s_type = jax.ShapeDtypeStruct((NC, NPAD, DH), jnp.float32)
  if with_counts:
    out_type = [s_type, jax.ShapeDtypeStruct((NPAD, CW), jnp.float32)]
  else:
    out_type = s_type

  @functools.partial(
      pl.kernel,
      out_type=out_type,
      mesh=mesh,
      compiler_params=pltpu.CompilerParams(use_tc_tiling_on_sc=False),
      scratch_types=[
          pltpu.VMEM((NCH, C), jnp.int32),
          pltpu.VMEM((NCH, C), jnp.int32),
      ] + [pltpu.VMEM((C, DH), jnp.float32)] * NB + [
          pltpu.VMEM((C, CW), jnp.float32),
          pltpu.VMEM_SHARED((NPAD, DH), jnp.float32),
          pltpu.VMEM_SHARED((NPAD, CW), jnp.float32),
      ] + [pltpu.SemaphoreType.DMA] * NB,
  )
  def sc_agg(h0_hbm, h1_hbm, srcp_hbm, dstp_hbm, zrow_hbm, zcnt_hbm, ones_hbm,
             s_out, *rest):
    if with_counts:
      cnt_out = rest[0]
      scratch = rest[1:]
    else:
      cnt_out = None
      scratch = rest
    idx_s = scratch[0]
    idx_d = scratch[1]
    bufs = scratch[2:2 + NB]
    ones_v, sh_s, sh_cnt = scratch[2 + NB:5 + NB]
    gsems = scratch[5 + NB:5 + 2 * NB]

    cid = lax.axis_index("c")
    sid = lax.axis_index("s")
    rbase = sid * ROWS_PT

    pltpu.sync_copy(zrow_hbm, sh_s.at[pl.ds(rbase, ROWS_PT)])
    if with_counts:
      pltpu.sync_copy(zcnt_hbm, sh_cnt.at[pl.ds(rbase, ROWS_PT)])
      pltpu.sync_copy(ones_hbm, ones_v)

    pltpu.sync_copy(srcp_hbm.at[sid], idx_s)
    pltpu.sync_copy(dstp_hbm.at[sid], idx_d)

    plsc.subcore_barrier()

    def run(table, do_counts):
      def gstart(j, buf, sem):
        pltpu.make_async_copy(table.at[idx_s.at[j]], buf, sem).start()

      def chunk(j, buf, sem):
        pltpu.make_async_copy(table.at[idx_s.at[j]], buf, sem).wait()
        pltpu.sync_copy(buf, sh_s.at[idx_d.at[j]], add=True)
        if do_counts:
          pltpu.sync_copy(ones_v, sh_cnt.at[idx_d.at[j]], add=True)

        @pl.when(j + NB < NCH)
        def _():
          gstart(j + NB, buf, sem)

      for b in range(NB):
        gstart(b, bufs[b], gsems[b])

      def body(i, carry):
        for b in range(NB):
          chunk(NB * i + b, bufs[b], gsems[b])
        return carry

      lax.fori_loop(0, NCH // NB, body, 0)

    @pl.when(cid == 0)
    def _():
      run(h0_hbm, with_counts)

    @pl.when(cid == 1)
    def _():
      run(h1_hbm, False)

    plsc.subcore_barrier()

    pltpu.sync_copy(sh_s.at[pl.ds(rbase, ROWS_PT)],
                    s_out.at[cid, pl.ds(rbase, ROWS_PT)])
    if with_counts:
      @pl.when(cid == 0)
      def _():
        pltpu.sync_copy(sh_cnt.at[pl.ds(rbase, ROWS_PT)],
                        cnt_out.at[pl.ds(rbase, ROWS_PT)])

  return sc_agg


_sc_agg_counts = _make_sc_agg(True)
_sc_agg_plain = _make_sc_agg(False)


def _sage_bn_relu(s0, s1, cnt, h, Wl, b, Wr, g, be):
  agg = jnp.concatenate([s0, s1], axis=1) / jnp.maximum(cnt, 1.0)
  lin = lax.dot_general(agg, Wl, (((1,), (1,)), ((), ())),
                        preferred_element_type=jnp.float32)
  lin = lin + lax.dot_general(h, Wr, (((1,), (1,)), ((), ())),
                              preferred_element_type=jnp.float32) + b
  mu = jnp.mean(lin, axis=0, keepdims=True)
  var = jnp.mean((lin - mu) ** 2, axis=0, keepdims=True)
  xn = (lin - mu) * lax.rsqrt(var + 1e-5)
  return jnp.maximum(g * xn + be, 0.0)


def _tc_layer1_body(s0, s1, cnt, h, Wl, b, Wr, g, be, o):
  o[...] = _sage_bn_relu(s0[...], s1[...], cnt[...], h[...],
                         Wl[...], b[...], Wr[...], g[...], be[...])


def _tc_layer2_body(s0, s1, cnt, x1, Wl, b, Wr, g, be, batch2, o):
  x2 = _sage_bn_relu(s0[...], s1[...], cnt[...], x1[...],
                     Wl[...], b[...], Wr[...], g[...], be[...])
  hh = x1[...] + x2
  gid = lax.broadcasted_iota(jnp.int32, (N, G), 1)
  mask = (batch2[...] == gid).astype(jnp.float32)
  psum = lax.dot_general(mask, hh, (((0,), (0,)), ((), ())),
                         preferred_element_type=jnp.float32)
  cntg = jnp.sum(mask, axis=0)[:, None]
  o[...] = psum / jnp.maximum(cntg, 1.0)


_tc_layer1 = pl.pallas_call(
    _tc_layer1_body, out_shape=jax.ShapeDtypeStruct((N, D), jnp.float32))
_tc_layer2 = pl.pallas_call(
    _tc_layer2_body, out_shape=jax.ShapeDtypeStruct((G, D), jnp.float32))


@jax.jit
def kernel(x, edge_index, batch, W1l, b1, W1r, gamma1, beta1,
           W2l, b2, W2r, gamma2, beta2):
  src = edge_index[0].astype(jnp.int32)
  dst = edge_index[1].astype(jnp.int32)
  pad = EPAD - E
  srcp = jnp.concatenate([src, jnp.zeros((pad,), jnp.int32)]).reshape(
      NS, NCH, C)
  dstp = jnp.concatenate([dst, jnp.full((pad,), N, jnp.int32)]).reshape(
      NS, NCH, C)
  zrow = jnp.zeros((ROWS_PT, DH), jnp.float32)
  zcnt = jnp.zeros((ROWS_PT, CW), jnp.float32)
  ones = jnp.ones((C, CW), jnp.float32)
  batch2 = batch.astype(jnp.int32)[:, None]

  s1p, c1p = _sc_agg_counts(x[:, :DH], x[:, DH:], srcp, dstp,
                            zrow, zcnt, ones)
  cnt = c1p[:N, :1]
  x1 = _tc_layer1(s1p[0, :N], s1p[1, :N], cnt, x,
                  W1l, b1, W1r, gamma1, beta1)
  s2p = _sc_agg_plain(x1[:, :DH], x1[:, DH:], srcp, dstp,
                      zrow, zcnt, ones)
  return _tc_layer2(s2p[0, :N], s2p[1, :N], cnt, x1,
                    W2l, b2, W2r, gamma2, beta2, batch2)

# --- scband reference (transcript-rebuilt; emitter-appended) ---
"""Pipeline reference for scband-enhanced-graph-encoder-78658031059101 (READ-ONLY COPY).

The authoritative reference and input builder live on the scoring server;
editing this copy changes nothing except your own understanding.
"""

import jax, jax.numpy as jnp
import numpy as np

N = 10000
E = 320000
D_IN = 128
D_H = 128
G = 64


def setup_inputs(seed: int = 0):
    key = jax.random.key(seed)
    ks = jax.random.split(key, 10)
    x = jax.random.normal(ks[0], (N, D_IN), dtype=jnp.float32)
    edge_index = jax.random.randint(ks[1], (2, E), 0, N).astype(jnp.int64)
    batch = jnp.sort(jax.random.randint(ks[2], (N,), 0, G)).astype(jnp.int64)
    s1 = 1.0 / np.sqrt(D_IN)
    s2 = 1.0 / np.sqrt(D_H)
    W1l = jax.random.normal(ks[3], (D_H, D_IN), dtype=jnp.float32) * s1
    b1 = jnp.zeros((D_H,), dtype=jnp.float32)
    W1r = jax.random.normal(ks[4], (D_H, D_IN), dtype=jnp.float32) * s1
    gamma1 = jnp.ones((D_H,), dtype=jnp.float32)
    beta1 = jnp.zeros((D_H,), dtype=jnp.float32)
    W2l = jax.random.normal(ks[5], (D_H, D_H), dtype=jnp.float32) * s2
    b2 = jnp.zeros((D_H,), dtype=jnp.float32)
    W2r = jax.random.normal(ks[6], (D_H, D_H), dtype=jnp.float32) * s2
    gamma2 = jnp.ones((D_H,), dtype=jnp.float32)
    beta2 = jnp.zeros((D_H,), dtype=jnp.float32)
    return {"x": x, "edge_index": edge_index, "batch": batch,
            "W1l": W1l, "b1": b1, "W1r": W1r, "gamma1": gamma1, "beta1": beta1,
            "W2l": W2l, "b2": b2, "W2r": W2r, "gamma2": gamma2, "beta2": beta2}


def reference(x, edge_index, batch, W1l, b1, W1r, gamma1, beta1, W2l, b2, W2r, gamma2, beta2):
    src = edge_index[0]
    dst = edge_index[1]

    def sage(h, Wl, bl, Wr):
        # SAGEConv with mean aggregation: out = lin_l(mean_j h_j) + lin_r(h_i)
        msg = h[src]
        s = jax.ops.segment_sum(msg, dst, num_segments=N)
        cnt = jax.ops.segment_sum(jnp.ones((E, 1), dtype=h.dtype), dst, num_segments=N)
        agg = s / jnp.maximum(cnt, 1.0)
        return agg @ Wl.T + bl + h @ Wr.T

    def bn(h, g, b):
        # BatchNorm over nodes (training-mode batch statistics, biased var)
        mu = jnp.mean(h, axis=0)
        var = jnp.mean((h - mu) ** 2, axis=0)
        return g * (h - mu) / jnp.sqrt(var + 1e-5) + b

    x1 = jax.nn.relu(bn(sage(x, W1l, b1, W1r), gamma1, beta1))
    x2 = jax.nn.relu(bn(sage(x1, W2l, b2, W2r), gamma2, beta2))
    h = x1 + x2  # dropout is identity in eval mode
    sums = jax.ops.segment_sum(h, batch, num_segments=G)
    cnts = jax.ops.segment_sum(jnp.ones((N, 1), dtype=h.dtype), batch, num_segments=G)
    return sums / jnp.maximum(cnts, 1.0)

if __name__ == "__main__":
    import jax
    _d = setup_inputs()
    print(jax.jit(kernel)(*tuple(_d.values())))

</pallas_src>

<mosaic_0001>
#map = affine_map<(d0, d1) -> (0, 0)>
#map1 = affine_map<(d0, d1) -> (0, 0, 0)>
module attributes {stable_mosaic.version = 14 : i64} {
  func.func @sc_agg(%arg0: i32, %arg1: i32, %arg2: memref<10000x64xf32, #tpu.memory_space<hbm>>, %arg3: memref<10000x64xf32, #tpu.memory_space<hbm>>, %arg4: memref<16x160x128xi32, #tpu.memory_space<hbm>>, %arg5: memref<16x160x128xi32, #tpu.memory_space<hbm>>, %arg6: memref<632x64xf32, #tpu.memory_space<hbm>>, %arg7: memref<632x8xf32, #tpu.memory_space<hbm>>, %arg8: memref<128x8xf32, #tpu.memory_space<hbm>>, %arg9: memref<2x10112x64xf32, #tpu.memory_space<hbm>>, %arg10: memref<10112x8xf32, #tpu.memory_space<hbm>>, %arg11: memref<160x128xi32, #tpu.memory_space<vmem>>, %arg12: memref<160x128xi32, #tpu.memory_space<vmem>>, %arg13: memref<128x64xf32, #tpu.memory_space<vmem>>, %arg14: memref<128x64xf32, #tpu.memory_space<vmem>>, %arg15: memref<128x64xf32, #tpu.memory_space<vmem>>, %arg16: memref<128x64xf32, #tpu.memory_space<vmem>>, %arg17: memref<128x8xf32, #tpu.memory_space<vmem>>, %arg18: memref<10112x64xf32, #tpu.memory_space<vmem_shared>>, %arg19: memref<10112x8xf32, #tpu.memory_space<vmem_shared>>, %arg20: memref<!tpu.dma_semaphore, #tpu.memory_space<semaphore_mem>>, %arg21: memref<!tpu.dma_semaphore, #tpu.memory_space<semaphore_mem>>, %arg22: memref<!tpu.dma_semaphore, #tpu.memory_space<semaphore_mem>>, %arg23: memref<!tpu.dma_semaphore, #tpu.memory_space<semaphore_mem>>) attributes {dimension_semantics = [#tpu.dimension_semantics<core_parallel>, #tpu.dimension_semantics<subcore_parallel>], iteration_bounds = array<i64: 2, 16>, scalar_prefetch = 0 : i64, scratch_operands = 13 : i64, tpu.core_type = #tpu.core_type<sc_vector_subcore>, window_params = [{transform_indices = #map}, {transform_indices = #map}, {transform_indices = #map1}, {transform_indices = #map1}, {transform_indices = #map}, {transform_indices = #map}, {transform_indices = #map}, {transform_indices = #map1}, {transform_indices = #map}]} {
    %mul3A = arith.constant 632 : i32
    %mul3A_0 = arith.muli %arg1, %mul3A : i32
    "tpu.region"() ({
      %run_scoped3A = tpu.sem_alloc : memref<!tpu.dma_semaphore, #tpu.memory_space<semaphore_mem>>
      %dma_start3A = arith.constant 0 : i32
      %dma_start3A_14 = tpu.memref_slice %arg18[%mul3A_0, %dma_start3A] : memref<10112x64xf32, #tpu.memory_space<vmem_shared>> -> memref<632x64xf32, #tpu.memory_space<vmem_shared>>
      tpu.enqueue_dma source(%arg6 : memref<632x64xf32, #tpu.memory_space<hbm>>) target(%dma_start3A_14 : memref<632x64xf32, #tpu.memory_space<vmem_shared>>) target_semaphore(%run_scoped3A : memref<!tpu.dma_semaphore, #tpu.memory_space<semaphore_mem>>)
      %dma_wait3A = arith.constant 0 : i32
      %dma_wait3A_15 = tpu.memref_slice %arg18[%mul3A_0, %dma_wait3A] : memref<10112x64xf32, #tpu.memory_space<vmem_shared>> -> memref<632x64xf32, #tpu.memory_space<vmem_shared>>
      tpu.wait_dma2 semaphore(%run_scoped3A : memref<!tpu.dma_semaphore, #tpu.memory_space<semaphore_mem>>) src(%arg6 : memref<632x64xf32, #tpu.memory_space<hbm>>) dst(%dma_wait3A_15 : memref<632x64xf32, #tpu.memory_space<vmem_shared>>)
      tpu.yield
    }) : () -> ()
    "tpu.region"() ({
      %run_scoped3A = tpu.sem_alloc : memref<!tpu.dma_semaphore, #tpu.memory_space<semaphore_mem>>
      %dma_start3A = arith.constant 0 : i32
      %dma_start3A_14 = tpu.memref_slice %arg19[%mul3A_0, %dma_start3A] : memref<10112x8xf32, #tpu.memory_space<vmem_shared>> -> memref<632x8xf32, #tpu.memory_space<vmem_shared>>
      tpu.enqueue_dma source(%arg7 : memref<632x8xf32, #tpu.memory_space<hbm>>) target(%dma_start3A_14 : memref<632x8xf32, #tpu.memory_space<vmem_shared>>) target_semaphore(%run_scoped3A : memref<!tpu.dma_semaphore, #tpu.memory_space<semaphore_mem>>)
      %dma_wait3A = arith.constant 0 : i32
      %dma_wait3A_15 = tpu.memref_slice %arg19[%mul3A_0, %dma_wait3A] : memref<10112x8xf32, #tpu.memory_space<vmem_shared>> -> memref<632x8xf32, #tpu.memory_space<vmem_shared>>
      tpu.wait_dma2 semaphore(%run_scoped3A : memref<!tpu.dma_semaphore, #tpu.memory_space<semaphore_mem>>) src(%arg7 : memref<632x8xf32, #tpu.memory_space<hbm>>) dst(%dma_wait3A_15 : memref<632x8xf32, #tpu.memory_space<vmem_shared>>)
      tpu.yield
    }) : () -> ()
    "tpu.region"() ({
      %run_scoped3A = tpu.sem_alloc : memref<!tpu.dma_semaphore, #tpu.memory_space<semaphore_mem>>
      tpu.enqueue_dma source(%arg8 : memref<128x8xf32, #tpu.memory_space<hbm>>) target(%arg17 : memref<128x8xf32, #tpu.memory_space<vmem>>) target_semaphore(%run_scoped3A : memref<!tpu.dma_semaphore, #tpu.memory_space<semaphore_mem>>)
      tpu.wait_dma2 semaphore(%run_scoped3A : memref<!tpu.dma_semaphore, #tpu.memory_space<semaphore_mem>>) src(%arg8 : memref<128x8xf32, #tpu.memory_space<hbm>>) dst(%arg17 : memref<128x8xf32, #tpu.memory_space<vmem>>)
      tpu.yield
    }) : () -> ()
    "tpu.region"() ({
      %run_scoped3A = tpu.sem_alloc : memref<!tpu.dma_semaphore, #tpu.memory_space<semaphore_mem>>
      %dma_start3A = arith.constant 0 : i32
      %dma_start3A_14 = arith.constant 0 : i32
      %dma_start3A_15 = tpu.memref_slice %arg4[%arg1, %dma_start3A, %dma_start3A_14] : memref<16x160x128xi32, #tpu.memory_space<hbm>> -> memref<1x160x128xi32, #tpu.memory_space<hbm>>
      %dma_start3A_16 = tpu.memref_squeeze %dma_start3A_15 : memref<1x160x128xi32, #tpu.memory_space<hbm>> -> memref<160x128xi32, #tpu.memory_space<hbm>>
      %dma_start3A_17 = arith.constant 0 : i32
      %dma_start3A_18 = arith.constant 0 : i32
      %dma_start3A_19 = tpu.memref_slice %arg4[%arg1, %dma_start3A_17, %dma_start3A_18] : memref<16x160x128xi32, #tpu.memory_space<hbm>> -> memref<1x160x128xi32, #tpu.memory_space<hbm>>
      %dma_start3A_20 = tpu.memref_squeeze %dma_start3A_19 : memref<1x160x128xi32, #tpu.memory_space<hbm>> -> memref<160x128xi32, #tpu.memory_space<hbm>>
      tpu.enqueue_dma source(%dma_start3A_20 : memref<160x128xi32, #tpu.memory_space<hbm>>) target(%arg11 : memref<160x128xi32, #tpu.memory_space<vmem>>) target_semaphore(%run_scoped3A : memref<!tpu.dma_semaphore, #tpu.memory_space<semaphore_mem>>)
      %dma_wait3A = arith.constant 0 : i32
      %dma_wait3A_21 = arith.constant 0 : i32
      %dma_wait3A_22 = tpu.memref_slice %arg4[%arg1, %dma_wait3A, %dma_wait3A_21] : memref<16x160x128xi32, #tpu.memory_space<hbm>> -> memref<1x160x128xi32, #tpu.memory_space<hbm>>
      %dma_wait3A_23 = tpu.memref_squeeze %dma_wait3A_22 : memref<1x160x128xi32, #tpu.memory_space<hbm>> -> memref<160x128xi32, #tpu.memory_space<hbm>>
      %dma_wait3A_24 = arith.constant 0 : i32
      %dma_wait3A_25 = arith.constant 0 : i32
      %dma_wait3A_26 = tpu.memref_slice %arg4[%arg1, %dma_wait3A_24, %dma_wait3A_25] : memref<16x160x128xi32, #tpu.memory_space<hbm>> -> memref<1x160x128xi32, #tpu.memory_space<hbm>>
      %dma_wait3A_27 = tpu.memref_squeeze %dma_wait3A_26 : memref<1x160x128xi32, #tpu.memory_space<hbm>> -> memref<160x128xi32, #tpu.memory_space<hbm>>
      tpu.wait_dma2 semaphore(%run_scoped3A : memref<!tpu.dma_semaphore, #tpu.memory_space<semaphore_mem>>) src(%dma_wait3A_27 : memref<160x128xi32, #tpu.memory_space<hbm>>) dst(%arg11 : memref<160x128xi32, #tpu.memory_space<vmem>>)
      tpu.yield
    }) : () -> ()
    "tpu.region"() ({
      %run_scoped3A = tpu.sem_alloc : memref<!tpu.dma_semaphore, #tpu.memory_space<semaphore_mem>>
      %dma_start3A = arith.constant 0 : i32
      %dma_start3A_14 = arith.constant 0 : i32
      %dma_start3A_15 = tpu.memref_slice %arg5[%arg1, %dma_start3A, %dma_start3A_14] : memref<16x160x128xi32, #tpu.memory_space<hbm>> -> memref<1x160x128xi32, #tpu.memory_space<hbm>>
      %dma_start3A_16 = tpu.memref_squeeze %dma_start3A_15 : memref<1x160x128xi32, #tpu.memory_space<hbm>> -> memref<160x128xi32, #tpu.memory_space<hbm>>
      %dma_start3A_17 = arith.constant 0 : i32
      %dma_start3A_18 = arith.constant 0 : i32
      %dma_start3A_19 = tpu.memref_slice %arg5[%arg1, %dma_start3A_17, %dma_start3A_18] : memref<16x160x128xi32, #tpu.memory_space<hbm>> -> memref<1x160x128xi32, #tpu.memory_space<hbm>>
      %dma_start3A_20 = tpu.memref_squeeze %dma_start3A_19 : memref<1x160x128xi32, #tpu.memory_space<hbm>> -> memref<160x128xi32, #tpu.memory_space<hbm>>
      tpu.enqueue_dma source(%dma_start3A_20 : memref<160x128xi32, #tpu.memory_space<hbm>>) target(%arg12 : memref<160x128xi32, #tpu.memory_space<vmem>>) target_semaphore(%run_scoped3A : memref<!tpu.dma_semaphore, #tpu.memory_space<semaphore_mem>>)
      %dma_wait3A = arith.constant 0 : i32
      %dma_wait3A_21 = arith.constant 0 : i32
      %dma_wait3A_22 = tpu.memref_slice %arg5[%arg1, %dma_wait3A, %dma_wait3A_21] : memref<16x160x128xi32, #tpu.memory_space<hbm>> -> memref<1x160x128xi32, #tpu.memory_space<hbm>>
      %dma_wait3A_23 = tpu.memref_squeeze %dma_wait3A_22 : memref<1x160x128xi32, #tpu.memory_space<hbm>> -> memref<160x128xi32, #tpu.memory_space<hbm>>
      %dma_wait3A_24 = arith.constant 0 : i32
      %dma_wait3A_25 = arith.constant 0 : i32
      %dma_wait3A_26 = tpu.memref_slice %arg5[%arg1, %dma_wait3A_24, %dma_wait3A_25] : memref<16x160x128xi32, #tpu.memory_space<hbm>> -> memref<1x160x128xi32, #tpu.memory_space<hbm>>
      %dma_wait3A_27 = tpu.memref_squeeze %dma_wait3A_26 : memref<1x160x128xi32, #tpu.memory_space<hbm>> -> memref<160x128xi32, #tpu.memory_space<hbm>>
      tpu.wait_dma2 semaphore(%run_scoped3A : memref<!tpu.dma_semaphore, #tpu.memory_space<semaphore_mem>>) src(%dma_wait3A_27 : memref<160x128xi32, #tpu.memory_space<hbm>>) dst(%arg12 : memref<160x128xi32, #tpu.memory_space<vmem>>)
      tpu.yield
    }) : () -> ()
    %barrier3A = arith.constant 0 : index
    tpu.barrier barrier_id(%barrier3A)
    %eq3A = arith.constant 0 : i32
    %eq3A_1 = arith.cmpi eq, %arg0, %eq3A : i32
    %convert_element_type3A = arith.extui %eq3A_1 : i1 to i32
    %cond3A = arith.constant 0 : i32
    %cond3A_2 = arith.cmpi ne, %convert_element_type3A, %cond3A : i32
    scf.if %cond3A_2 {
      %dma_start3A = arith.constant 0 : i32
      %dma_start3A_14 = arith.constant 0 : i32
      %dma_start3A_15 = tpu.memref_slice %arg11[%dma_start3A, %dma_start3A_14] : memref<160x128xi32, #tpu.memory_space<vmem>> -> memref<1x128xi32, #tpu.memory_space<vmem>>
      %dma_start3A_16 = tpu.memref_squeeze %dma_start3A_15 : memref<1x128xi32, #tpu.memory_space<vmem>> -> memref<128xi32, #tpu.memory_space<vmem>>
      %dma_start3A_17 = arith.constant 0 : i32
      %dma_start3A_18 = arith.constant 0 : i32
      %dma_start3A_19 = tpu.memref_slice %arg2[%dma_start3A_17, %dma_start3A_18] : memref<10000x64xf32, #tpu.memory_space<hbm>> -> memref<10000x64xf32, #tpu.memory_space<hbm>>
      tpu.enqueue_indirect_dma source(%dma_start3A_19 : memref<10000x64xf32, #tpu.memory_space<hbm>>) target(%arg13 : memref<128x64xf32, #tpu.memory_space<vmem>>) offsets(%dma_start3A_16 : memref<128xi32, #tpu.memory_space<vmem>>) semaphore(%arg20 : memref<!tpu.dma_semaphore, #tpu.memory_space<semaphore_mem>>)
      %dma_start3A_20 = arith.constant 1 : i32
      %dma_start3A_21 = arith.constant 0 : i32
      %dma_start3A_22 = tpu.memref_slice %arg11[%dma_start3A_20, %dma_start3A_21] : memref<160x128xi32, #tpu.memory_space<vmem>> -> memref<1x128xi32, #tpu.memory_space<vmem>>
      %dma_start3A_23 = tpu.memref_squeeze %dma_start3A_22 : memref<1x128xi32, #tpu.memory_space<vmem>> -> memref<128xi32, #tpu.memory_space<vmem>>
      %dma_start3A_24 = arith.constant 0 : i32
      %dma_start3A_25 = arith.constant 0 : i32
      %dma_start3A_26 = tpu.memref_slice %arg2[%dma_start3A_24, %dma_start3A_25] : memref<10000x64xf32, #tpu.memory_space<hbm>> -> memref<10000x64xf32, #tpu.memory_space<hbm>>
      tpu.enqueue_indirect_dma source(%dma_start3A_26 : memref<10000x64xf32, #tpu.memory_space<hbm>>) target(%arg14 : memref<128x64xf32, #tpu.memory_space<vmem>>) offsets(%dma_start3A_23 : memref<128xi32, #tpu.memory_space<vmem>>) semaphore(%arg21 : memref<!tpu.dma_semaphore, #tpu.memory_space<semaphore_mem>>)
      %dma_start3A_27 = arith.constant 2 : i32
      %dma_start3A_28 = arith.constant 0 : i32
      %dma_start3A_29 = tpu.memref_slice %arg11[%dma_start3A_27, %dma_start3A_28] : memref<160x128xi32, #tpu.memory_space<vmem>> -> memref<1x128xi32, #tpu.memory_space<vmem>>
      %dma_start3A_30 = tpu.memref_squeeze %dma_start3A_29 : memref<1x128xi32, #tpu.memory_space<vmem>> -> memref<128xi32, #tpu.memory_space<vmem>>
      %dma_start3A_31 = arith.constant 0 : i32
      %dma_start3A_32 = arith.constant 0 : i32
      %dma_start3A_33 = tpu.memref_slice %arg2[%dma_start3A_31, %dma_start3A_32] : memref<10000x64xf32, #tpu.memory_space<hbm>> -> memref<10000x64xf32, #tpu.memory_space<hbm>>
      tpu.enqueue_indirect_dma source(%dma_start3A_33 : memref<10000x64xf32, #tpu.memory_space<hbm>>) target(%arg15 : memref<128x64xf32, #tpu.memory_space<vmem>>) offsets(%dma_start3A_30 : memref<128xi32, #tpu.memory_space<vmem>>) semaphore(%arg22 : memref<!tpu.dma_semaphore, #tpu.memory_space<semaphore_mem>>)
      %dma_start3A_34 = arith.constant 3 : i32
      %dma_start3A_35 = arith.constant 0 : i32
      %dma_start3A_36 = tpu.memref_slice %arg11[%dma_start3A_34, %dma_start3A_35] : memref<160x128xi32, #tpu.memory_space<vmem>> -> memref<1x128xi32, #tpu.memory_space<vmem>>
      %dma_start3A_37 = tpu.memref_squeeze %dma_start3A_36 : memref<1x128xi32, #tpu.memory_space<vmem>> -> memref<128xi32, #tpu.memory_space<vmem>>
      %dma_start3A_38 = arith.constant 0 : i32
      %dma_start3A_39 = arith.constant 0 : i32
      %dma_start3A_40 = tpu.memref_slice %arg2[%dma_start3A_38, %dma_start3A_39] : memref<10000x64xf32, #tpu.memory_space<hbm>> -> memref<10000x64xf32, #tpu.memory_space<hbm>>
      tpu.enqueue_indirect_dma source(%dma_start3A_40 : memref<10000x64xf32, #tpu.memory_space<hbm>>) target(%arg16 : memref<128x64xf32, #tpu.memory_space<vmem>>) offsets(%dma_start3A_37 : memref<128xi32, #tpu.memory_space<vmem>>) semaphore(%arg23 : memref<!tpu.dma_semaphore, #tpu.memory_space<semaphore_mem>>)
      %scan3A = arith.constant 0 : i32
      %scan3A_41 = arith.constant 0 : i32
      %scan3A_42 = arith.constant 40 : i32
      %scan3A_43 = arith.addi %scan3A_41, %scan3A_42 : i32
      %scan3A_44 = arith.constant 1 : i32
      scf.for %scan3A_46 = %scan3A_41 to %scan3A_43 step %scan3A_44  : i32 {
        %mul3A_47 = arith.constant 4 : i32
        %mul3A_48 = arith.muli %mul3A_47, %scan3A_46 : i32
        %add3A = arith.constant 0 : i32
        %add3A_49 = arith.addi %mul3A_48, %add3A : i32
        %dma_wait3A = arith.constant 0 : i32
        %dma_wait3A_50 = tpu.memref_slice %arg11[%add3A_49, %dma_wait3A] : memref<160x128xi32, #tpu.memory_space<vmem>> -> memref<1x128xi32, #tpu.memory_space<vmem>>
        %dma_wait3A_51 = tpu.memref_squeeze %dma_wait3A_50 : memref<1x128xi32, #tpu.memory_space<vmem>> -> memref<128xi32, #tpu.memory_space<vmem>>
        %dma_wait3A_52 = arith.constant 0 : i32
        %dma_wait3A_53 = arith.constant 0 : i32
        %dma_wait3A_54 = tpu.memref_slice %arg2[%dma_wait3A_52, %dma_wait3A_53] : memref<10000x64xf32, #tpu.memory_space<hbm>> -> memref<10000x64xf32, #tpu.memory_space<hbm>>
        tpu.wait_indirect_dma semaphore(%arg20 : memref<!tpu.dma_semaphore, #tpu.memory_space<semaphore_mem>>) src(%dma_wait3A_54 : memref<10000x64xf32, #tpu.memory_space<hbm>>) dst(%arg13 : memref<128x64xf32, #tpu.memory_space<vmem>>)
        "tpu.region"() ({
          %run_scoped3A = tpu.sem_alloc : memref<!tpu.dma_semaphore, #tpu.memory_space<semaphore_mem>>
          %dma_start3A_112 = arith.constant 0 : i32
          %dma_start3A_113 = tpu.memref_slice %arg12[%add3A_49, %dma_start3A_112] : memref<160x128xi32, #tpu.memory_space<vmem>> -> memref<1x128xi32, #tpu.memory_space<vmem>>
          %dma_start3A_114 = tpu.memref_squeeze %dma_start3A_113 : memref<1x128xi32, #tpu.memory_space<vmem>> -> memref<128xi32, #tpu.memory_space<vmem>>
          %dma_start3A_115 = arith.constant 0 : i32
          %dma_start3A_116 = arith.constant 0 : i32
          %dma_start3A_117 = tpu.memref_slice %arg18[%dma_start3A_115, %dma_start3A_116] : memref<10112x64xf32, #tpu.memory_space<vmem_shared>> -> memref<10112x64xf32, #tpu.memory_space<vmem_shared>>
          tpu.enqueue_indirect_dma source(%arg13 : memref<128x64xf32, #tpu.memory_space<vmem>>) target(%dma_start3A_117 : memref<10112x64xf32, #tpu.memory_space<vmem_shared>>) offsets(%dma_start3A_114 : memref<128xi32, #tpu.memory_space<vmem>>) semaphore(%run_scoped3A : memref<!tpu.dma_semaphore, #tpu.memory_space<semaphore_mem>>) {add = true}
          %dma_wait3A_118 = arith.constant 0 : i32
          %dma_wait3A_119 = tpu.memref_slice %arg12[%add3A_49, %dma_wait3A_118] : memref<160x128xi32, #tpu.memory_space<vmem>> -> memref<1x128xi32, #tpu.memory_space<vmem>>
          %dma_wait3A_120 = tpu.memref_squeeze %dma_wait3A_119 : memref<1x128xi32, #tpu.memory_space<vmem>> -> memref<128xi32, #tpu.memory_space<vmem>>
          %dma_wait3A_121 = arith.constant 0 : i32
          %dma_wait3A_122 = arith.constant 0 : i32
          %dma_wait3A_123 = tpu.memref_slice %arg18[%dma_wait3A_121, %dma_wait3A_122] : memref<10112x64xf32, #tpu.memory_space<vmem_shared>> -> memref<10112x64xf32, #tpu.memory_space<vmem_shared>>
          tpu.wait_indirect_dma semaphore(%run_scoped3A : memref<!tpu.dma_semaphore, #tpu.memory_space<semaphore_mem>>) src(%arg13 : memref<128x64xf32, #tpu.memory_space<vmem>>) dst(%dma_wait3A_123 : memref<10112x64xf32, #tpu.memory_space<vmem_shared>>)
          tpu.yield
        }) : () -> ()
        "tpu.region"() ({
          %run_scoped3A = tpu.sem_alloc : memref<!tpu.dma_semaphore, #tpu.memory_space<semaphore_mem>>
          %dma_start3A_112 = arith.constant 0 : i32
          %dma_start3A_113 = tpu.memref_slice %arg12[%add3A_49, %dma_start3A_112] : memref<160x128xi32, #tpu.memory_space<vmem>> -> memref<1x128xi32, #tpu.memory_space<vmem>>
          %dma_start3A_114 = tpu.memref_squeeze %dma_start3A_113 : memref<1x128xi32, #tpu.memory_space<vmem>> -> memref<128xi32, #tpu.memory_space<vmem>>
          %dma_start3A_115 = arith.constant 0 : i32
          %dma_start3A_116 = arith.constant 0 : i32
          %dma_start3A_117 = tpu.memref_slice %arg19[%dma_start3A_115, %dma_start3A_116] : memref<10112x8xf32, #tpu.memory_space<vmem_shared>> -> memref<10112x8xf32, #tpu.memory_space<vmem_shared>>
          tpu.enqueue_indirect_dma source(%arg17 : memref<128x8xf32, #tpu.memory_space<vmem>>) target(%dma_start3A_117 : memref<10112x8xf32, #tpu.memory_space<vmem_shared>>) offsets(%dma_start3A_114 : memref<128xi32, #tpu.memory_space<vmem>>) semaphore(%run_scoped3A : memref<!tpu.dma_semaphore, #tpu.memory_space<semaphore_mem>>) {add = true}
          %dma_wait3A_118 = arith.constant 0 : i32
          %dma_wait3A_119 = tpu.memref_slice %arg12[%add3A_49, %dma_wait3A_118] : memref<160x128xi32, #tpu.memory_space<vmem>> -> memref<1x128xi32, #tpu.memory_space<vmem>>
          %dma_wait3A_120 = tpu.memref_squeeze %dma_wait3A_119 : memref<1x128xi32, #tpu.memory_space<vmem>> -> memref<128xi32, #tpu.memory_space<vmem>>
          %dma_wait3A_121 = arith.constant 0 : i32
          %dma_wait3A_122 = arith.constant 0 : i32
          %dma_wait3A_123 = tpu.memref_slice %arg19[%dma_wait3A_121, %dma_wait3A_122] : memref<10112x8xf32, #tpu.memory_space<vmem_shared>> -> memref<10112x8xf32, #tpu.memory_space<vmem_shared>>
          tpu.wait_indirect_dma semaphore(%run_scoped3A : memref<!tpu.dma_semaphore, #tpu.memory_space<semaphore_mem>>) src(%arg17 : memref<128x8xf32, #tpu.memory_space<vmem>>) dst(%dma_wait3A_123 : memref<10112x8xf32, #tpu.memory_space<vmem_shared>>)
          tpu.yield
        }) : () -> ()
        %add3A_55 = arith.constant 4 : i32
        %add3A_56 = arith.addi %add3A_49, %add3A_55 : i32
        %lt3A = arith.constant 160 : i32
        %lt3A_57 = arith.cmpi slt, %add3A_56, %lt3A : i32
        %convert_element_type3A_58 = arith.extui %lt3A_57 : i1 to i32
        %cond3A_59 = arith.constant 0 : i32
        %cond3A_60 = arith.cmpi ne, %convert_element_type3A_58, %cond3A_59 : i32
        scf.if %cond3A_60 {
          %add3A_112 = arith.constant 4 : i32
          %add3A_113 = arith.addi %add3A_49, %add3A_112 : i32
          %dma_start3A_114 = arith.constant 0 : i32
          %dma_start3A_115 = tpu.memref_slice %arg11[%add3A_113, %dma_start3A_114] : memref<160x128xi32, #tpu.memory_space<vmem>> -> memref<1x128xi32, #tpu.memory_space<vmem>>
          %dma_start3A_116 = tpu.memref_squeeze %dma_start3A_115 : memref<1x128xi32, #tpu.memory_space<vmem>> -> memref<128xi32, #tpu.memory_space<vmem>>
          %dma_start3A_117 = arith.constant 0 : i32
          %dma_start3A_118 = arith.constant 0 : i32
          %dma_start3A_119 = tpu.memref_slice %arg2[%dma_start3A_117, %dma_start3A_118] : memref<10000x64xf32, #tpu.memory_space<hbm>> -> memref<10000x64xf32, #tpu.memory_space<hbm>>
          tpu.enqueue_indirect_dma source(%dma_start3A_119 : memref<10000x64xf32, #tpu.memory_space<hbm>>) target(%arg13 : memref<128x64xf32, #tpu.memory_space<vmem>>) offsets(%dma_start3A_116 : memref<128xi32, #tpu.memory_space<vmem>>) semaphore(%arg20 : memref<!tpu.dma_semaphore, #tpu.memory_space<semaphore_mem>>)
        } else {
        }
        %mul3A_61 = arith.constant 4 : i32
        %mul3A_62 = arith.muli %mul3A_61, %scan3A_46 : i32
        %add3A_63 = arith.constant 1 : i32
        %add3A_64 = arith.addi %mul3A_62, %add3A_63 : i32
        %dma_wait3A_65 = arith.constant 0 : i32
        %dma_wait3A_66 = tpu.memref_slice %arg11[%add3A_64, %dma_wait3A_65] : memref<160x128xi32, #tpu.memory_space<vmem>> -> memref<1x128xi32, #tpu.memory_space<vmem>>
        %dma_wait3A_67 = tpu.memref_squeeze %dma_wait3A_66 : memref<1x128xi32, #tpu.memory_space<vmem>> -> memref<128xi32, #tpu.memory_space<vmem>>
        %dma_wait3A_68 = arith.constant 0 : i32
        %dma_wait3A_69 = arith.constant 0 : i32
        %dma_wait3A_70 = tpu.memref_slice %arg2[%dma_wait3A_68, %dma_wait3A_69] : memref<10000x64xf32, #tpu.memory_space<hbm>> -> memref<10000x64xf32, #tpu.memory_space<hbm>>
        tpu.wait_indirect_dma semaphore(%arg21 : memref<!tpu.dma_semaphore, #tpu.memory_space<semaphore_mem>>) src(%dma_wait3A_70 : memref<10000x64xf32, #tpu.memory_space<hbm>>) dst(%arg14 : memref<128x64xf32, #tpu.memory_space<vmem>>)
        "tpu.region"() ({
          %run_scoped3A = tpu.sem_alloc : memref<!tpu.dma_semaphore, #tpu.memory_space<semaphore_mem>>
          %dma_start3A_112 = arith.constant 0 : i32
          %dma_start3A_113 = tpu.memref_slice %arg12[%add3A_64, %dma_start3A_112] : memref<160x128xi32, #tpu.memory_space<vmem>> -> memref<1x128xi32, #tpu.memory_space<vmem>>
          %dma_start3A_114 = tpu.memref_squeeze %dma_start3A_113 : memref<1x128xi32, #tpu.memory_space<vmem>> -> memref<128xi32, #tpu.memory_space<vmem>>
          %dma_start3A_115 = arith.constant 0 : i32
          %dma_start3A_116 = arith.constant 0 : i32
          %dma_start3A_117 = tpu.memref_slice %arg18[%dma_start3A_115, %dma_start3A_116] : memref<10112x64xf32, #tpu.memory_space<vmem_shared>> -> memref<10112x64xf32, #tpu.memory_space<vmem_shared>>
          tpu.enqueue_indirect_dma source(%arg14 : memref<128x64xf32, #tpu.memory_space<vmem>>) target(%dma_start3A_117 : memref<10112x64xf32, #tpu.memory_space<vmem_shared>>) offsets(%dma_start3A_114 : memref<128xi32, #tpu.memory_space<vmem>>) semaphore(%run_scoped3A : memref<!tpu.dma_semaphore, #tpu.memory_space<semaphore_mem>>) {add = true}
          %dma_wait3A_118 = arith.constant 0 : i32
          %dma_wait3A_119 = tpu.memref_slice %arg12[%add3A_64, %dma_wait3A_118] : memref<160x128xi32, #tpu.memory_space<vmem>> -> memref<1x128xi32, #tpu.memory_space<vmem>>
          %dma_wait3A_120 = tpu.memref_squeeze %dma_wait3A_119 : memref<1x128xi32, #tpu.memory_space<vmem>> -> memref<128xi32, #tpu.memory_space<vmem>>
          %dma_wait3A_121 = arith.constant 0 : i32
          %dma_wait3A_122 = arith.constant 0 : i32
          %dma_wait3A_123 = tpu.memref_slice %arg18[%dma_wait3A_121, %dma_wait3A_122] : memref<10112x64xf32, #tpu.memory_space<vmem_shared>> -> memref<10112x64xf32, #tpu.memory_space<vmem_shared>>
          tpu.wait_indirect_dma semaphore(%run_scoped3A : memref<!tpu.dma_semaphore, #tpu.memory_space<semaphore_mem>>) src(%arg14 : memref<128x64xf32, #tpu.memory_space<vmem>>) dst(%dma_wait3A_123 : memref<10112x64xf32, #tpu.memory_space<vmem_shared>>)
          tpu.yield
        }) : () -> ()
        "tpu.region"() ({
          %run_scoped3A = tpu.sem_alloc : memref<!tpu.dma_semaphore, #tpu.memory_space<semaphore_mem>>
          %dma_start3A_112 = arith.constant 0 : i32
          %dma_start3A_113 = tpu.memref_slice %arg12[%add3A_64, %dma_start3A_112] : memref<160x128xi32, #tpu.memory_space<vmem>> -> memref<1x128xi32, #tpu.memory_space<vmem>>
          %dma_start3A_114 = tpu.memref_squeeze %dma_start3A_113 : memref<1x128xi32, #tpu.memory_space<vmem>> -> memref<128xi32, #tpu.memory_space<vmem>>
          %dma_start3A_115 = arith.constant 0 : i32
          %dma_start3A_116 = arith.constant 0 : i32
          %dma_start3A_117 = tpu.memref_slice %arg19[%dma_start3A_115, %dma_start3A_116] : memref<10112x8xf32, #tpu.memory_space<vmem_shared>> -> memref<10112x8xf32, #tpu.memory_space<vmem_shared>>
          tpu.enqueue_indirect_dma source(%arg17 : memref<128x8xf32, #tpu.memory_space<vmem>>) target(%dma_start3A_117 : memref<10112x8xf32, #tpu.memory_space<vmem_shared>>) offsets(%dma_start3A_114 : memref<128xi32, #tpu.memory_space<vmem>>) semaphore(%run_scoped3A : memref<!tpu.dma_semaphore, #tpu.memory_space<semaphore_mem>>) {add = true}
          %dma_wait3A_118 = arith.constant 0 : i32
          %dma_wait3A_119 = tpu.memref_slice %arg12[%add3A_64, %dma_wait3A_118] : memref<160x128xi32, #tpu.memory_space<vmem>> -> memref<1x128xi32, #tpu.memory_space<vmem>>
          %dma_wait3A_120 = tpu.memref_squeeze %dma_wait3A_119 : memref<1x128xi32, #tpu.memory_space<vmem>> -> memref<128xi32, #tpu.memory_space<vmem>>
          %dma_wait3A_121 = arith.constant 0 : i32
          %dma_wait3A_122 = arith.constant 0 : i32
          %dma_wait3A_123 = tpu.memref_slice %arg19[%dma_wait3A_121, %dma_wait3A_122] : memref<10112x8xf32, #tpu.memory_space<vmem_shared>> -> memref<10112x8xf32, #tpu.memory_space<vmem_shared>>
          tpu.wait_indirect_dma semaphore(%run_scoped3A : memref<!tpu.dma_semaphore, #tpu.memory_space<semaphore_mem>>) src(%arg17 : memref<128x8xf32, #tpu.memory_space<vmem>>) dst(%dma_wait3A_123 : memref<10112x8xf32, #tpu.memory_space<vmem_shared>>)
          tpu.yield
        }) : () -> ()
        %add3A_71 = arith.constant 4 : i32
        %add3A_72 = arith.addi %add3A_64, %add3A_71 : i32
        %lt3A_73 = arith.constant 160 : i32
        %lt3A_74 = arith.cmpi slt, %add3A_72, %lt3A_73 : i32
        %convert_element_type3A_75 = arith.extui %lt3A_74 : i1 to i32
        %cond3A_76 = arith.constant 0 : i32
        %cond3A_77 = arith.cmpi ne, %convert_element_type3A_75, %cond3A_76 : i32
        scf.if %cond3A_77 {
          %add3A_112 = arith.constant 4 : i32
          %add3A_113 = arith.addi %add3A_64, %add3A_112 : i32
          %dma_start3A_114 = arith.constant 0 : i32
          %dma_start3A_115 = tpu.memref_slice %arg11[%add3A_113, %dma_start3A_114] : memref<160x128xi32, #tpu.memory_space<vmem>> -> memref<1x128xi32, #tpu.memory_space<vmem>>
          %dma_start3A_116 = tpu.memref_squeeze %dma_start3A_115 : memref<1x128xi32, #tpu.memory_space<vmem>> -> memref<128xi32, #tpu.memory_space<vmem>>
          %dma_start3A_117 = arith.constant 0 : i32
          %dma_start3A_118 = arith.constant 0 : i32
          %dma_start3A_119 = tpu.memref_slice %arg2[%dma_start3A_117, %dma_start3A_118] : memref<10000x64xf32, #tpu.memory_space<hbm>> -> memref<10000x64xf32, #tpu.memory_space<hbm>>
          tpu.enqueue_indirect_dma source(%dma_start3A_119 : memref<10000x64xf32, #tpu.memory_space<hbm>>) target(%arg14 : memref<128x64xf32, #tpu.memory_space<vmem>>) offsets(%dma_start3A_116 : memref<128xi32, #tpu.memory_space<vmem>>) semaphore(%arg21 : memref<!tpu.dma_semaphore, #tpu.memory_space<semaphore_mem>>)
        } else {
        }
        %mul3A_78 = arith.constant 4 : i32
        %mul3A_79 = arith.muli %mul3A_78, %scan3A_46 : i32
        %add3A_80 = arith.constant 2 : i32
        %add3A_81 = arith.addi %mul3A_79, %add3A_80 : i32
        %dma_wait3A_82 = arith.constant 0 : i32
        %dma_wait3A_83 = tpu.memref_slice %arg11[%add3A_81, %dma_wait3A_82] : memref<160x128xi32, #tpu.memory_space<vmem>> -> memref<1x128xi32, #tpu.memory_space<vmem>>
        %dma_wait3A_84 = tpu.memref_squeeze %dma_wait3A_83 : memref<1x128xi32, #tpu.memory_space<vmem>> -> memref<128xi32, #tpu.memory_space<vmem>>
        %dma_wait3A_85 = arith.constant 0 : i32
        %dma_wait3A_86 = arith.constant 0 : i32
        %dma_wait3A_87 = tpu.memref_slice %arg2[%dma_wait3A_85, %dma_wait3A_86] : memref<10000x64xf32, #tpu.memory_space<hbm>> -> memref<10000x64xf32, #tpu.memory_space<hbm>>
        tpu.wait_indirect_dma semaphore(%arg22 : memref<!tpu.dma_semaphore, #tpu.memory_space<semaphore_mem>>) src(%dma_wait3A_87 : memref<10000x64xf32, #tpu.memory_space<hbm>>) dst(%arg15 : memref<128x64xf32, #tpu.memory_space<vmem>>)
        "tpu.region"() ({
          %run_scoped3A = tpu.sem_alloc : memref<!tpu.dma_semaphore, #tpu.memory_space<semaphore_mem>>
          %dma_start3A_112 = arith.constant 0 : i32
          %dma_start3A_113 = tpu.memref_slice %arg12[%add3A_81, %dma_start3A_112] : memref<160x128xi32, #tpu.memory_space<vmem>> -> memref<1x128xi32, #tpu.memory_space<vmem>>
          %dma_start3A_114 = tpu.memref_squeeze %dma_start3A_113 : memref<1x128xi32, #tpu.memory_space<vmem>> -> memref<128xi32, #tpu.memory_space<vmem>>
          %dma_start3A_115 = arith.constant 0 : i32
          %dma_start3A_116 = arith.constant 0 : i32
          %dma_start3A_117 = tpu.memref_slice %arg18[%dma_start3A_115, %dma_start3A_116] : memref<10112x64xf32, #tpu.memory_space<vmem_shared>> -> memref<10112x64xf32, #tpu.memory_space<vmem_shared>>
          tpu.enqueue_indirect_dma source(%arg15 : memref<128x64xf32, #tpu.memory_space<vmem>>) target(%dma_start3A_117 : memref<10112x64xf32, #tpu.memory_space<vmem_shared>>) offsets(%dma_start3A_114 : memref<128xi32, #tpu.memory_space<vmem>>) semaphore(%run_scoped3A : memref<!tpu.dma_semaphore, #tpu.memory_space<semaphore_mem>>) {add = true}
          %dma_wait3A_118 = arith.constant 0 : i32
          %dma_wait3A_119 = tpu.memref_slice %arg12[%add3A_81, %dma_wait3A_118] : memref<160x128xi32, #tpu.memory_space<vmem>> -> memref<1x128xi32, #tpu.memory_space<vmem>>
          %dma_wait3A_120 = tpu.memref_squeeze %dma_wait3A_119 : memref<1x128xi32, #tpu.memory_space<vmem>> -> memref<128xi32, #tpu.memory_space<vmem>>
          %dma_wait3A_121 = arith.constant 0 : i32
          %dma_wait3A_122 = arith.constant 0 : i32
          %dma_wait3A_123 = tpu.memref_slice %arg18[%dma_wait3A_121, %dma_wait3A_122] : memref<10112x64xf32, #tpu.memory_space<vmem_shared>> -> memref<10112x64xf32, #tpu.memory_space<vmem_shared>>
          tpu.wait_indirect_dma semaphore(%run_scoped3A : memref<!tpu.dma_semaphore, #tpu.memory_space<semaphore_mem>>) src(%arg15 : memref<128x64xf32, #tpu.memory_space<vmem>>) dst(%dma_wait3A_123 : memref<10112x64xf32, #tpu.memory_space<vmem_shared>>)
          tpu.yield
        }) : () -> ()
        "tpu.region"() ({
          %run_scoped3A = tpu.sem_alloc : memref<!tpu.dma_semaphore, #tpu.memory_space<semaphore_mem>>
          %dma_start3A_112 = arith.constant 0 : i32
          %dma_start3A_113 = tpu.memref_slice %arg12[%add3A_81, %dma_start3A_112] : memref<160x128xi32, #tpu.memory_space<vmem>> -> memref<1x128xi32, #tpu.memory_space<vmem>>
          %dma_start3A_114 = tpu.memref_squeeze %dma_start3A_113 : memref<1x128xi32, #tpu.memory_space<vmem>> -> memref<128xi32, #tpu.memory_space<vmem>>
          %dma_start3A_115 = arith.constant 0 : i32
          %dma_start3A_116 = arith.constant 0 : i32
          %dma_start3A_117 = tpu.memref_slice %arg19[%dma_start3A_115, %dma_start3A_116] : memref<10112x8xf32, #tpu.memory_space<vmem_shared>> -> memref<10112x8xf32, #tpu.memory_space<vmem_shared>>
          tpu.enqueue_indirect_dma source(%arg17 : memref<128x8xf32, #tpu.memory_space<vmem>>) target(%dma_start3A_117 : memref<10112x8xf32, #tpu.memory_space<vmem_shared>>) offsets(%dma_start3A_114 : memref<128xi32, #tpu.memory_space<vmem>>) semaphore(%run_scoped3A : memref<!tpu.dma_semaphore, #tpu.memory_space<semaphore_mem>>) {add = true}
          %dma_wait3A_118 = arith.constant 0 : i32
          %dma_wait3A_119 = tpu.memref_slice %arg12[%add3A_81, %dma_wait3A_118] : memref<160x128xi32, #tpu.memory_space<vmem>> -> memref<1x128xi32, #tpu.memory_space<vmem>>
          %dma_wait3A_120 = tpu.memref_squeeze %dma_wait3A_119 : memref<1x128xi32, #tpu.memory_space<vmem>> -> memref<128xi32, #tpu.memory_space<vmem>>
          %dma_wait3A_121 = arith.constant 0 : i32
          %dma_wait3A_122 = arith.constant 0 : i32
          %dma_wait3A_123 = tpu.memref_slice %arg19[%dma_wait3A_121, %dma_wait3A_122] : memref<10112x8xf32, #tpu.memory_space<vmem_shared>> -> memref<10112x8xf32, #tpu.memory_space<vmem_shared>>
          tpu.wait_indirect_dma semaphore(%run_scoped3A : memref<!tpu.dma_semaphore, #tpu.memory_space<semaphore_mem>>) src(%arg17 : memref<128x8xf32, #tpu.memory_space<vmem>>) dst(%dma_wait3A_123 : memref<10112x8xf32, #tpu.memory_space<vmem_shared>>)
          tpu.yield
        }) : () -> ()
        %add3A_88 = arith.constant 4 : i32
        %add3A_89 = arith.addi %add3A_81, %add3A_88 : i32
        %lt3A_90 = arith.constant 160 : i32
        %lt3A_91 = arith.cmpi slt, %add3A_89, %lt3A_90 : i32
        %convert_element_type3A_92 = arith.extui %lt3A_91 : i1 to i32
        %cond3A_93 = arith.constant 0 : i32
        %cond3A_94 = arith.cmpi ne, %convert_element_type3A_92, %cond3A_93 : i32
        scf.if %cond3A_94 {
          %add3A_112 = arith.constant 4 : i32
          %add3A_113 = arith.addi %add3A_81, %add3A_112 : i32
          %dma_start3A_114 = arith.constant 0 : i32
          %dma_start3A_115 = tpu.memref_slice %arg11[%add3A_113, %dma_start3A_114] : memref<160x128xi32, #tpu.memory_space<vmem>> -> memref<1x128xi32, #tpu.memory_space<vmem>>
          %dma_start3A_116 = tpu.memref_squeeze %dma_start3A_115 : memref<1x128xi32, #tpu.memory_space<vmem>> -> memref<128xi32, #tpu.memory_space<vmem>>
          %dma_start3A_117 = arith.constant 0 : i32
          %dma_start3A_118 = arith.constant 0 : i32
          %dma_start3A_119 = tpu.memref_slice %arg2[%dma_start3A_117, %dma_start3A_118] : memref<10000x64xf32, #tpu.memory_space<hbm>> -> memref<10000x64xf32, #tpu.memory_space<hbm>>
          tpu.enqueue_indirect_dma source(%dma_start3A_119 : memref<10000x64xf32, #tpu.memory_space<hbm>>) target(%arg15 : memref<128x64xf32, #tpu.memory_space<vmem>>) offsets(%dma_start3A_116 : memref<128xi32, #tpu.memory_space<vmem>>) semaphore(%arg22 : memref<!tpu.dma_semaphore, #tpu.memory_space<semaphore_mem>>)
        } else {
        }
        %mul3A_95 = arith.constant 4 : i32
        %mul3A_96 = arith.muli %mul3A_95, %scan3A_46 : i32
        %add3A_97 = arith.constant 3 : i32
        %add3A_98 = arith.addi %mul3A_96, %add3A_97 : i32
        %dma_wait3A_99 = arith.constant 0 : i32
        %dma_wait3A_100 = tpu.memref_slice %arg11[%add3A_98, %dma_wait3A_99] : memref<160x128xi32, #tpu.memory_space<vmem>> -> memref<1x128xi32, #tpu.memory_space<vmem>>
        %dma_wait3A_101 = tpu.memref_squeeze %dma_wait3A_100 : memref<1x128xi32, #tpu.memory_space<vmem>> -> memref<128xi32, #tpu.memory_space<vmem>>
        %dma_wait3A_102 = arith.constant 0 : i32
        %dma_wait3A_103 = arith.constant 0 : i32
        %dma_wait3A_104 = tpu.memref_slice %arg2[%dma_wait3A_102, %dma_wait3A_103] : memref<10000x64xf32, #tpu.memory_space<hbm>> -> memref<10000x64xf32, #tpu.memory_space<hbm>>
        tpu.wait_indirect_dma semaphore(%arg23 : memref<!tpu.dma_semaphore, #tpu.memory_space<semaphore_mem>>) src(%dma_wait3A_104 : memref<10000x64xf32, #tpu.memory_space<hbm>>) dst(%arg16 : memref<128x64xf32, #tpu.memory_space<vmem>>)
        "tpu.region"() ({
          %run_scoped3A = tpu.sem_alloc : memref<!tpu.dma_semaphore, #tpu.memory_space<semaphore_mem>>
          %dma_start3A_112 = arith.constant 0 : i32
          %dma_start3A_113 = tpu.memref_slice %arg12[%add3A_98, %dma_start3A_112] : memref<160x128xi32, #tpu.memory_space<vmem>> -> memref<1x128xi32, #tpu.memory_space<vmem>>
          %dma_start3A_114 = tpu.memref_squeeze %dma_start3A_113 : memref<1x128xi32, #tpu.memory_space<vmem>> -> memref<128xi32, #tpu.memory_space<vmem>>
          %dma_start3A_115 = arith.constant 0 : i32
          %dma_start3A_116 = arith.constant 0 : i32
          %dma_start3A_117 = tpu.memref_slice %arg18[%dma_start3A_115, %dma_start3A_116] : memref<10112x64xf32, #tpu.memory_space<vmem_shared>> -> memref<10112x64xf32, #tpu.memory_space<vmem_shared>>
          tpu.enqueue_indirect_dma source(%arg16 : memref<128x64xf32, #tpu.memory_space<vmem>>) target(%dma_start3A_117 : memref<10112x64xf32, #tpu.memory_space<vmem_shared>>) offsets(%dma_start3A_114 : memref<128xi32, #tpu.memory_space<vmem>>) semaphore(%run_scoped3A : memref<!tpu.dma_semaphore, #tpu.memory_space<semaphore_mem>>) {add = true}
          %dma_wait3A_118 = arith.constant 0 : i32
          %dma_wait3A_119 = tpu.memref_slice %arg12[%add3A_98, %dma_wait3A_118] : memref<160x128xi32, #tpu.memory_space<vmem>> -> memref<1x128xi32, #tpu.memory_space<vmem>>
          %dma_wait3A_120 = tpu.memref_squeeze %dma_wait3A_119 : memref<1x128xi32, #tpu.memory_space<vmem>> -> memref<128xi32, #tpu.memory_space<vmem>>
          %dma_wait3A_121 = arith.constant 0 : i32
          %dma_wait3A_122 = arith.constant 0 : i32
          %dma_wait3A_123 = tpu.memref_slice %arg18[%dma_wait3A_121, %dma_wait3A_122] : memref<10112x64xf32, #tpu.memory_space<vmem_shared>> -> memref<10112x64xf32, #tpu.memory_space<vmem_shared>>
          tpu.wait_indirect_dma semaphore(%run_scoped3A : memref<!tpu.dma_semaphore, #tpu.memory_space<semaphore_mem>>) src(%arg16 : memref<128x64xf32, #tpu.memory_space<vmem>>) dst(%dma_wait3A_123 : memref<10112x64xf32, #tpu.memory_space<vmem_shared>>)
          tpu.yield
        }) : () -> ()
        "tpu.region"() ({
          %run_scoped3A = tpu.sem_alloc : memref<!tpu.dma_semaphore, #tpu.memory_space<semaphore_mem>>
          %dma_start3A_112 = arith.constant 0 : i32
          %dma_start3A_113 = tpu.memref_slice %arg12[%add3A_98, %dma_start3A_112] : memref<160x128xi32, #tpu.memory_space<vmem>> -> memref<1x128xi32, #tpu.memory_space<vmem>>
          %dma_start3A_114 = tpu.memref_squeeze %dma_start3A_113 : memref<1x128xi32, #tpu.memory_space<vmem>> -> memref<128xi32, #tpu.memory_space<vmem>>
          %dma_start3A_115 = arith.constant 0 : i32
          %dma_start3A_116 = arith.constant 0 : i32
          %dma_start3A_117 = tpu.memref_slice %arg19[%dma_start3A_115, %dma_start3A_116] : memref<10112x8xf32, #tpu.memory_space<vmem_shared>> -> memref<10112x8xf32, #tpu.memory_space<vmem_shared>>
          tpu.enqueue_indirect_dma source(%arg17 : memref<128x8xf32, #tpu.memory_space<vmem>>) target(%dma_start3A_117 : memref<10112x8xf32, #tpu.memory_space<vmem_shared>>) offsets(%dma_start3A_114 : memref<128xi32, #tpu.memory_space<vmem>>) semaphore(%run_scoped3A : memref<!tpu.dma_semaphore, #tpu.memory_space<semaphore_mem>>) {add = true}
          %dma_wait3A_118 = arith.constant 0 : i32
          %dma_wait3A_119 = tpu.memref_slice %arg12[%add3A_98, %dma_wait3A_118] : memref<160x128xi32, #tpu.memory_space<vmem>> -> memref<1x128xi32, #tpu.memory_space<vmem>>
          %dma_wait3A_120 = tpu.memref_squeeze %dma_wait3A_119 : memref<1x128xi32, #tpu.memory_space<vmem>> -> memref<128xi32, #tpu.memory_space<vmem>>
          %dma_wait3A_121 = arith.constant 0 : i32
          %dma_wait3A_122 = arith.constant 0 : i32
          %dma_wait3A_123 = tpu.memref_slice %arg19[%dma_wait3A_121, %dma_wait3A_122] : memref<10112x8xf32, #tpu.memory_space<vmem_shared>> -> memref<10112x8xf32, #tpu.memory_space<vmem_shared>>
          tpu.wait_indirect_dma semaphore(%run_scoped3A : memref<!tpu.dma_semaphore, #tpu.memory_space<semaphore_mem>>) src(%arg17 : memref<128x8xf32, #tpu.memory_space<vmem>>) dst(%dma_wait3A_123 : memref<10112x8xf32, #tpu.memory_space<vmem_shared>>)
          tpu.yield
        }) : () -> ()
        %add3A_105 = arith.constant 4 : i32
        %add3A_106 = arith.addi %add3A_98, %add3A_105 : i32
        %lt3A_107 = arith.constant 160 : i32
        %lt3A_108 = arith.cmpi slt, %add3A_106, %lt3A_107 : i32
        %convert_element_type3A_109 = arith.extui %lt3A_108 : i1 to i32
        %cond3A_110 = arith.constant 0 : i32
        %cond3A_111 = arith.cmpi ne, %convert_element_type3A_109, %cond3A_110 : i32
        scf.if %cond3A_111 {
          %add3A_112 = arith.constant 4 : i32
          %add3A_113 = arith.addi %add3A_98, %add3A_112 : i32
          %dma_start3A_114 = arith.constant 0 : i32
          %dma_start3A_115 = tpu.memref_slice %arg11[%add3A_113, %dma_start3A_114] : memref<160x128xi32, #tpu.memory_space<vmem>> -> memref<1x128xi32, #tpu.memory_space<vmem>>
          %dma_start3A_116 = tpu.memref_squeeze %dma_start3A_115 : memref<1x128xi32, #tpu.memory_space<vmem>> -> memref<128xi32, #tpu.memory_space<vmem>>
          %dma_start3A_117 = arith.constant 0 : i32
          %dma_start3A_118 = arith.constant 0 : i32
          %dma_start3A_119 = tpu.memref_slice %arg2[%dma_start3A_117, %dma_start3A_118] : memref<10000x64xf32, #tpu.memory_space<hbm>> -> memref<10000x64xf32, #tpu.memory_space<hbm>>
          tpu.enqueue_indirect_dma source(%dma_start3A_119 : memref<10000x64xf32, #tpu.memory_space<hbm>>) target(%arg16 : memref<128x64xf32, #tpu.memory_space<vmem>>) offsets(%dma_start3A_116 : memref<128xi32, #tpu.memory_space<vmem>>) semaphore(%arg23 : memref<!tpu.dma_semaphore, #tpu.memory_space<semaphore_mem>>)
        } else {
        }
      }
      %scan3A_45 = arith.constant 40 : i32
    } else {
    }
    %eq3A_3 = arith.constant 1 : i32
    %eq3A_4 = arith.cmpi eq, %arg0, %eq3A_3 : i32
    %convert_element_type3A_5 = arith.extui %eq3A_4 : i1 to i32
    %cond3A_6 = arith.constant 0 : i32
    %cond3A_7 = arith.cmpi ne, %convert_element_type3A_5, %cond3A_6 : i32
    scf.if %cond3A_7 {
      %dma_start3A = arith.constant 0 : i32
      %dma_start3A_14 = arith.constant 0 : i32
      %dma_start3A_15 = tpu.memref_slice %arg11[%dma_start3A, %dma_start3A_14] : memref<160x128xi32, #tpu.memory_space<vmem>> -> memref<1x128xi32, #tpu.memory_space<vmem>>
      %dma_start3A_16 = tpu.memref_squeeze %dma_start3A_15 : memref<1x128xi32, #tpu.memory_space<vmem>> -> memref<128xi32, #tpu.memory_space<vmem>>
      %dma_start3A_17 = arith.constant 0 : i32
      %dma_start3A_18 = arith.constant 0 : i32
      %dma_start3A_19 = tpu.memref_slice %arg3[%dma_start3A_17, %dma_start3A_18] : memref<10000x64xf32, #tpu.memory_space<hbm>> -> memref<10000x64xf32, #tpu.memory_space<hbm>>
      tpu.enqueue_indirect_dma source(%dma_start3A_19 : memref<10000x64xf32, #tpu.memory_space<hbm>>) target(%arg13 : memref<128x64xf32, #tpu.memory_space<vmem>>) offsets(%dma_start3A_16 : memref<128xi32, #tpu.memory_space<vmem>>) semaphore(%arg20 : memref<!tpu.dma_semaphore, #tpu.memory_space<semaphore_mem>>)
      %dma_start3A_20 = arith.constant 1 : i32
      %dma_start3A_21 = arith.constant 0 : i32
      %dma_start3A_22 = tpu.memref_slice %arg11[%dma_start3A_20, %dma_start3A_21] : memref<160x128xi32, #tpu.memory_space<vmem>> -> memref<1x128xi32, #tpu.memory_space<vmem>>
      %dma_start3A_23 = tpu.memref_squeeze %dma_start3A_22 : memref<1x128xi32, #tpu.memory_space<vmem>> -> memref<128xi32, #tpu.memory_space<vmem>>
      %dma_start3A_24 = arith.constant 0 : i32
      %dma_start3A_25 = arith.constant 0 : i32
      %dma_start3A_26 = tpu.memref_slice %arg3[%dma_start3A_24, %dma_start3A_25] : memref<10000x64xf32, #tpu.memory_space<hbm>> -> memref<10000x64xf32, #tpu.memory_space<hbm>>
      tpu.enqueue_indirect_dma source(%dma_start3A_26 : memref<10000x64xf32, #tpu.memory_space<hbm>>) target(%arg14 : memref<128x64xf32, #tpu.memory_space<vmem>>) offsets(%dma_start3A_23 : memref<128xi32, #tpu.memory_space<vmem>>) semaphore(%arg21 : memref<!tpu.dma_semaphore, #tpu.memory_space<semaphore_mem>>)
      %dma_start3A_27 = arith.constant 2 : i32
      %dma_start3A_28 = arith.constant 0 : i32
      %dma_start3A_29 = tpu.memref_slice %arg11[%dma_start3A_27, %dma_start3A_28] : memref<160x128xi32, #tpu.memory_space<vmem>> -> memref<1x128xi32, #tpu.memory_space<vmem>>
      %dma_start3A_30 = tpu.memref_squeeze %dma_start3A_29 : memref<1x128xi32, #tpu.memory_space<vmem>> -> memref<128xi32, #tpu.memory_space<vmem>>
      %dma_start3A_31 = arith.constant 0 : i32
      %dma_start3A_32 = arith.constant 0 : i32
      %dma_start3A_33 = tpu.memref_slice %arg3[%dma_start3A_31, %dma_start3A_32] : memref<10000x64xf32, #tpu.memory_space<hbm>> -> memref<10000x64xf32, #tpu.memory_space<hbm>>
      tpu.enqueue_indirect_dma source(%dma_start3A_33 : memref<10000x64xf32, #tpu.memory_space<hbm>>) target(%arg15 : memref<128x64xf32, #tpu.memory_space<vmem>>) offsets(%dma_start3A_30 : memref<128xi32, #tpu.memory_space<vmem>>) semaphore(%arg22 : memref<!tpu.dma_semaphore, #tpu.memory_space<semaphore_mem>>)
      %dma_start3A_34 = arith.constant 3 : i32
      %dma_start3A_35 = arith.constant 0 : i32
      %dma_start3A_36 = tpu.memref_slice %arg11[%dma_start3A_34, %dma_start3A_35] : memref<160x128xi32, #tpu.memory_space<vmem>> -> memref<1x128xi32, #tpu.memory_space<vmem>>
      %dma_start3A_37 = tpu.memref_squeeze %dma_start3A_36 : memref<1x128xi32, #tpu.memory_space<vmem>> -> memref<128xi32, #tpu.memory_space<vmem>>
      %dma_start3A_38 = arith.constant 0 : i32
      %dma_start3A_39 = arith.constant 0 : i32
      %dma_start3A_40 = tpu.memref_slice %arg3[%dma_start3A_38, %dma_start3A_39] : memref<10000x64xf32, #tpu.memory_space<hbm>> -> memref<10000x64xf32, #tpu.memory_space<hbm>>
      tpu.enqueue_indirect_dma source(%dma_start3A_40 : memref<10000x64xf32, #tpu.memory_space<hbm>>) target(%arg16 : memref<128x64xf32, #tpu.memory_space<vmem>>) offsets(%dma_start3A_37 : memref<128xi32, #tpu.memory_space<vmem>>) semaphore(%arg23 : memref<!tpu.dma_semaphore, #tpu.memory_space<semaphore_mem>>)
      %scan3A = arith.constant 0 : i32
      %scan3A_41 = arith.constant 0 : i32
      %scan3A_42 = arith.constant 40 : i32
      %scan3A_43 = arith.addi %scan3A_41, %scan3A_42 : i32
      %scan3A_44 = arith.constant 1 : i32
      scf.for %scan3A_46 = %scan3A_41 to %scan3A_43 step %scan3A_44  : i32 {
        %mul3A_47 = arith.constant 4 : i32
        %mul3A_48 = arith.muli %mul3A_47, %scan3A_46 : i32
        %add3A = arith.constant 0 : i32
        %add3A_49 = arith.addi %mul3A_48, %add3A : i32
        %dma_wait3A = arith.constant 0 : i32
        %dma_wait3A_50 = tpu.memref_slice %arg11[%add3A_49, %dma_wait3A] : memref<160x128xi32, #tpu.memory_space<vmem>> -> memref<1x128xi32, #tpu.memory_space<vmem>>
        %dma_wait3A_51 = tpu.memref_squeeze %dma_wait3A_50 : memref<1x128xi32, #tpu.memory_space<vmem>> -> memref<128xi32, #tpu.memory_space<vmem>>
        %dma_wait3A_52 = arith.constant 0 : i32
        %dma_wait3A_53 = arith.constant 0 : i32
        %dma_wait3A_54 = tpu.memref_slice %arg3[%dma_wait3A_52, %dma_wait3A_53] : memref<10000x64xf32, #tpu.memory_space<hbm>> -> memref<10000x64xf32, #tpu.memory_space<hbm>>
        tpu.wait_indirect_dma semaphore(%arg20 : memref<!tpu.dma_semaphore, #tpu.memory_space<semaphore_mem>>) src(%dma_wait3A_54 : memref<10000x64xf32, #tpu.memory_space<hbm>>) dst(%arg13 : memref<128x64xf32, #tpu.memory_space<vmem>>)
        "tpu.region"() ({
          %run_scoped3A = tpu.sem_alloc : memref<!tpu.dma_semaphore, #tpu.memory_space<semaphore_mem>>
          %dma_start3A_112 = arith.constant 0 : i32
          %dma_start3A_113 = tpu.memref_slice %arg12[%add3A_49, %dma_start3A_112] : memref<160x128xi32, #tpu.memory_space<vmem>> -> memref<1x128xi32, #tpu.memory_space<vmem>>
          %dma_start3A_114 = tpu.memref_squeeze %dma_start3A_113 : memref<1x128xi32, #tpu.memory_space<vmem>> -> memref<128xi32, #tpu.memory_space<vmem>>
          %dma_start3A_115 = arith.constant 0 : i32
          %dma_start3A_116 = arith.constant 0 : i32
          %dma_start3A_117 = tpu.memref_slice %arg18[%dma_start3A_115, %dma_start3A_116] : memref<10112x64xf32, #tpu.memory_space<vmem_shared>> -> memref<10112x64xf32, #tpu.memory_space<vmem_shared>>
          tpu.enqueue_indirect_dma source(%arg13 : memref<128x64xf32, #tpu.memory_space<vmem>>) target(%dma_start3A_117 : memref<10112x64xf32, #tpu.memory_space<vmem_shared>>) offsets(%dma_start3A_114 : memref<128xi32, #tpu.memory_space<vmem>>) semaphore(%run_scoped3A : memref<!tpu.dma_semaphore, #tpu.memory_space<semaphore_mem>>) {add = true}
          %dma_wait3A_118 = arith.constant 0 : i32
          %dma_wait3A_119 = tpu.memref_slice %arg12[%add3A_49, %dma_wait3A_118] : memref<160x128xi32, #tpu.memory_space<vmem>> -> memref<1x128xi32, #tpu.memory_space<vmem>>
          %dma_wait3A_120 = tpu.memref_squeeze %dma_wait3A_119 : memref<1x128xi32, #tpu.memory_space<vmem>> -> memref<128xi32, #tpu.memory_space<vmem>>
          %dma_wait3A_121 = arith.constant 0 : i32
          %dma_wait3A_122 = arith.constant 0 : i32
          %dma_wait3A_123 = tpu.memref_slice %arg18[%dma_wait3A_121, %dma_wait3A_122] : memref<10112x64xf32, #tpu.memory_space<vmem_shared>> -> memref<10112x64xf32, #tpu.memory_space<vmem_shared>>
          tpu.wait_indirect_dma semaphore(%run_scoped3A : memref<!tpu.dma_semaphore, #tpu.memory_space<semaphore_mem>>) src(%arg13 : memref<128x64xf32, #tpu.memory_space<vmem>>) dst(%dma_wait3A_123 : memref<10112x64xf32, #tpu.memory_space<vmem_shared>>)
          tpu.yield
        }) : () -> ()
        %add3A_55 = arith.constant 4 : i32
        %add3A_56 = arith.addi %add3A_49, %add3A_55 : i32
        %lt3A = arith.constant 160 : i32
        %lt3A_57 = arith.cmpi slt, %add3A_56, %lt3A : i32
        %convert_element_type3A_58 = arith.extui %lt3A_57 : i1 to i32
        %cond3A_59 = arith.constant 0 : i32
        %cond3A_60 = arith.cmpi ne, %convert_element_type3A_58, %cond3A_59 : i32
        scf.if %cond3A_60 {
          %add3A_112 = arith.constant 4 : i32
          %add3A_113 = arith.addi %add3A_49, %add3A_112 : i32
          %dma_start3A_114 = arith.constant 0 : i32
          %dma_start3A_115 = tpu.memref_slice %arg11[%add3A_113, %dma_start3A_114] : memref<160x128xi32, #tpu.memory_space<vmem>> -> memref<1x128xi32, #tpu.memory_space<vmem>>
          %dma_start3A_116 = tpu.memref_squeeze %dma_start3A_115 : memref<1x128xi32, #tpu.memory_space<vmem>> -> memref<128xi32, #tpu.memory_space<vmem>>
          %dma_start3A_117 = arith.constant 0 : i32
          %dma_start3A_118 = arith.constant 0 : i32
          %dma_start3A_119 = tpu.memref_slice %arg3[%dma_start3A_117, %dma_start3A_118] : memref<10000x64xf32, #tpu.memory_space<hbm>> -> memref<10000x64xf32, #tpu.memory_space<hbm>>
          tpu.enqueue_indirect_dma source(%dma_start3A_119 : memref<10000x64xf32, #tpu.memory_space<hbm>>) target(%arg13 : memref<128x64xf32, #tpu.memory_space<vmem>>) offsets(%dma_start3A_116 : memref<128xi32, #tpu.memory_space<vmem>>) semaphore(%arg20 : memref<!tpu.dma_semaphore, #tpu.memory_space<semaphore_mem>>)
        } else {
        }
        %mul3A_61 = arith.constant 4 : i32
        %mul3A_62 = arith.muli %mul3A_61, %scan3A_46 : i32
        %add3A_63 = arith.constant 1 : i32
        %add3A_64 = arith.addi %mul3A_62, %add3A_63 : i32
        %dma_wait3A_65 = arith.constant 0 : i32
        %dma_wait3A_66 = tpu.memref_slice %arg11[%add3A_64, %dma_wait3A_65] : memref<160x128xi32, #tpu.memory_space<vmem>> -> memref<1x128xi32, #tpu.memory_space<vmem>>
        %dma_wait3A_67 = tpu.memref_squeeze %dma_wait3A_66 : memref<1x128xi32, #tpu.memory_space<vmem>> -> memref<128xi32, #tpu.memory_space<vmem>>
        %dma_wait3A_68 = arith.constant 0 : i32
        %dma_wait3A_69 = arith.constant 0 : i32
        %dma_wait3A_70 = tpu.memref_slice %arg3[%dma_wait3A_68, %dma_wait3A_69] : memref<10000x64xf32, #tpu.memory_space<hbm>> -> memref<10000x64xf32, #tpu.memory_space<hbm>>
        tpu.wait_indirect_dma semaphore(%arg21 : memref<!tpu.dma_semaphore, #tpu.memory_space<semaphore_mem>>) src(%dma_wait3A_70 : memref<10000x64xf32, #tpu.memory_space<hbm>>) dst(%arg14 : memref<128x64xf32, #tpu.memory_space<vmem>>)
        "tpu.region"() ({
          %run_scoped3A = tpu.sem_alloc : memref<!tpu.dma_semaphore, #tpu.memory_space<semaphore_mem>>
          %dma_start3A_112 = arith.constant 0 : i32
          %dma_start3A_113 = tpu.memref_slice %arg12[%add3A_64, %dma_start3A_112] : memref<160x128xi32, #tpu.memory_space<vmem>> -> memref<1x128xi32, #tpu.memory_space<vmem>>
          %dma_start3A_114 = tpu.memref_squeeze %dma_start3A_113 : memref<1x128xi32, #tpu.memory_space<vmem>> -> memref<128xi32, #tpu.memory_space<vmem>>
          %dma_start3A_115 = arith.constant 0 : i32
          %dma_start3A_116 = arith.constant 0 : i32
          %dma_start3A_117 = tpu.memref_slice %arg18[%dma_start3A_115, %dma_start3A_116] : memref<10112x64xf32, #tpu.memory_space<vmem_shared>> -> memref<10112x64xf32, #tpu.memory_space<vmem_shared>>
          tpu.enqueue_indirect_dma source(%arg14 : memref<128x64xf32, #tpu.memory_space<vmem>>) target(%dma_start3A_117 : memref<10112x64xf32, #tpu.memory_space<vmem_shared>>) offsets(%dma_start3A_114 : memref<128xi32, #tpu.memory_space<vmem>>) semaphore(%run_scoped3A : memref<!tpu.dma_semaphore, #tpu.memory_space<semaphore_mem>>) {add = true}
          %dma_wait3A_118 = arith.constant 0 : i32
          %dma_wait3A_119 = tpu.memref_slice %arg12[%add3A_64, %dma_wait3A_118] : memref<160x128xi32, #tpu.memory_space<vmem>> -> memref<1x128xi32, #tpu.memory_space<vmem>>
          %dma_wait3A_120 = tpu.memref_squeeze %dma_wait3A_119 : memref<1x128xi32, #tpu.memory_space<vmem>> -> memref<128xi32, #tpu.memory_space<vmem>>
          %dma_wait3A_121 = arith.constant 0 : i32
          %dma_wait3A_122 = arith.constant 0 : i32
          %dma_wait3A_123 = tpu.memref_slice %arg18[%dma_wait3A_121, %dma_wait3A_122] : memref<10112x64xf32, #tpu.memory_space<vmem_shared>> -> memref<10112x64xf32, #tpu.memory_space<vmem_shared>>
          tpu.wait_indirect_dma semaphore(%run_scoped3A : memref<!tpu.dma_semaphore, #tpu.memory_space<semaphore_mem>>) src(%arg14 : memref<128x64xf32, #tpu.memory_space<vmem>>) dst(%dma_wait3A_123 : memref<10112x64xf32, #tpu.memory_space<vmem_shared>>)
          tpu.yield
        }) : () -> ()
        %add3A_71 = arith.constant 4 : i32
        %add3A_72 = arith.addi %add3A_64, %add3A_71 : i32
        %lt3A_73 = arith.constant 160 : i32
        %lt3A_74 = arith.cmpi slt, %add3A_72, %lt3A_73 : i32
        %convert_element_type3A_75 = arith.extui %lt3A_74 : i1 to i32
        %cond3A_76 = arith.constant 0 : i32
        %cond3A_77 = arith.cmpi ne, %convert_element_type3A_75, %cond3A_76 : i32
        scf.if %cond3A_77 {
          %add3A_112 = arith.constant 4 : i32
          %add3A_113 = arith.addi %add3A_64, %add3A_112 : i32
          %dma_start3A_114 = arith.constant 0 : i32
          %dma_start3A_115 = tpu.memref_slice %arg11[%add3A_113, %dma_start3A_114] : memref<160x128xi32, #tpu.memory_space<vmem>> -> memref<1x128xi32, #tpu.memory_space<vmem>>
          %dma_start3A_116 = tpu.memref_squeeze %dma_start3A_115 : memref<1x128xi32, #tpu.memory_space<vmem>> -> memref<128xi32, #tpu.memory_space<vmem>>
          %dma_start3A_117 = arith.constant 0 : i32
          %dma_start3A_118 = arith.constant 0 : i32
          %dma_start3A_119 = tpu.memref_slice %arg3[%dma_start3A_117, %dma_start3A_118] : memref<10000x64xf32, #tpu.memory_space<hbm>> -> memref<10000x64xf32, #tpu.memory_space<hbm>>
          tpu.enqueue_indirect_dma source(%dma_start3A_119 : memref<10000x64xf32, #tpu.memory_space<hbm>>) target(%arg14 : memref<128x64xf32, #tpu.memory_space<vmem>>) offsets(%dma_start3A_116 : memref<128xi32, #tpu.memory_space<vmem>>) semaphore(%arg21 : memref<!tpu.dma_semaphore, #tpu.memory_space<semaphore_mem>>)
        } else {
        }
        %mul3A_78 = arith.constant 4 : i32
        %mul3A_79 = arith.muli %mul3A_78, %scan3A_46 : i32
        %add3A_80 = arith.constant 2 : i32
        %add3A_81 = arith.addi %mul3A_79, %add3A_80 : i32
        %dma_wait3A_82 = arith.constant 0 : i32
        %dma_wait3A_83 = tpu.memref_slice %arg11[%add3A_81, %dma_wait3A_82] : memref<160x128xi32, #tpu.memory_space<vmem>> -> memref<1x128xi32, #tpu.memory_space<vmem>>
        %dma_wait3A_84 = tpu.memref_squeeze %dma_wait3A_83 : memref<1x128xi32, #tpu.memory_space<vmem>> -> memref<128xi32, #tpu.memory_space<vmem>>
        %dma_wait3A_85 = arith.constant 0 : i32
        %dma_wait3A_86 = arith.constant 0 : i32
        %dma_wait3A_87 = tpu.memref_slice %arg3[%dma_wait3A_85, %dma_wait3A_86] : memref<10000x64xf32, #tpu.memory_space<hbm>> -> memref<10000x64xf32, #tpu.memory_space<hbm>>
        tpu.wait_indirect_dma semaphore(%arg22 : memref<!tpu.dma_semaphore, #tpu.memory_space<semaphore_mem>>) src(%dma_wait3A_87 : memref<10000x64xf32, #tpu.memory_space<hbm>>) dst(%arg15 : memref<128x64xf32, #tpu.memory_space<vmem>>)
        "tpu.region"() ({
          %run_scoped3A = tpu.sem_alloc : memref<!tpu.dma_semaphore, #tpu.memory_space<semaphore_mem>>
          %dma_start3A_112 = arith.constant 0 : i32
          %dma_start3A_113 = tpu.memref_slice %arg12[%add3A_81, %dma_start3A_112] : memref<160x128xi32, #tpu.memory_space<vmem>> -> memref<1x128xi32, #tpu.memory_space<vmem>>
          %dma_start3A_114 = tpu.memref_squeeze %dma_start3A_113 : memref<1x128xi32, #tpu.memory_space<vmem>> -> memref<128xi32, #tpu.memory_space<vmem>>
          %dma_start3A_115 = arith.constant 0 : i32
          %dma_start3A_116 = arith.constant 0 : i32
          %dma_start3A_117 = tpu.memref_slice %arg18[%dma_start3A_115, %dma_start3A_116] : memref<10112x64xf32, #tpu.memory_space<vmem_shared>> -> memref<10112x64xf32, #tpu.memory_space<vmem_shared>>
          tpu.enqueue_indirect_dma source(%arg15 : memref<128x64xf32, #tpu.memory_space<vmem>>) target(%dma_start3A_117 : memref<10112x64xf32, #tpu.memory_space<vmem_shared>>) offsets(%dma_start3A_114 : memref<128xi32, #tpu.memory_space<vmem>>) semaphore(%run_scoped3A : memref<!tpu.dma_semaphore, #tpu.memory_space<semaphore_mem>>) {add = true}
          %dma_wait3A_118 = arith.constant 0 : i32
          %dma_wait3A_119 = tpu.memref_slice %arg12[%add3A_81, %dma_wait3A_118] : memref<160x128xi32, #tpu.memory_space<vmem>> -> memref<1x128xi32, #tpu.memory_space<vmem>>
          %dma_wait3A_120 = tpu.memref_squeeze %dma_wait3A_119 : memref<1x128xi32, #tpu.memory_space<vmem>> -> memref<128xi32, #tpu.memory_space<vmem>>
          %dma_wait3A_121 = arith.constant 0 : i32
          %dma_wait3A_122 = arith.constant 0 : i32
          %dma_wait3A_123 = tpu.memref_slice %arg18[%dma_wait3A_121, %dma_wait3A_122] : memref<10112x64xf32, #tpu.memory_space<vmem_shared>> -> memref<10112x64xf32, #tpu.memory_space<vmem_shared>>
          tpu.wait_indirect_dma semaphore(%run_scoped3A : memref<!tpu.dma_semaphore, #tpu.memory_space<semaphore_mem>>) src(%arg15 : memref<128x64xf32, #tpu.memory_space<vmem>>) dst(%dma_wait3A_123 : memref<10112x64xf32, #tpu.memory_space<vmem_shared>>)
          tpu.yield
        }) : () -> ()
        %add3A_88 = arith.constant 4 : i32
        %add3A_89 = arith.addi %add3A_81, %add3A_88 : i32
        %lt3A_90 = arith.constant 160 : i32
        %lt3A_91 = arith.cmpi slt, %add3A_89, %lt3A_90 : i32
        %convert_element_type3A_92 = arith.extui %lt3A_91 : i1 to i32
        %cond3A_93 = arith.constant 0 : i32
        %cond3A_94 = arith.cmpi ne, %convert_element_type3A_92, %cond3A_93 : i32
        scf.if %cond3A_94 {
          %add3A_112 = arith.constant 4 : i32
          %add3A_113 = arith.addi %add3A_81, %add3A_112 : i32
          %dma_start3A_114 = arith.constant 0 : i32
          %dma_start3A_115 = tpu.memref_slice %arg11[%add3A_113, %dma_start3A_114] : memref<160x128xi32, #tpu.memory_space<vmem>> -> memref<1x128xi32, #tpu.memory_space<vmem>>
          %dma_start3A_116 = tpu.memref_squeeze %dma_start3A_115 : memref<1x128xi32, #tpu.memory_space<vmem>> -> memref<128xi32, #tpu.memory_space<vmem>>
          %dma_start3A_117 = arith.constant 0 : i32
          %dma_start3A_118 = arith.constant 0 : i32
          %dma_start3A_119 = tpu.memref_slice %arg3[%dma_start3A_117, %dma_start3A_118] : memref<10000x64xf32, #tpu.memory_space<hbm>> -> memref<10000x64xf32, #tpu.memory_space<hbm>>
          tpu.enqueue_indirect_dma source(%dma_start3A_119 : memref<10000x64xf32, #tpu.memory_space<hbm>>) target(%arg15 : memref<128x64xf32, #tpu.memory_space<vmem>>) offsets(%dma_start3A_116 : memref<128xi32, #tpu.memory_space<vmem>>) semaphore(%arg22 : memref<!tpu.dma_semaphore, #tpu.memory_space<semaphore_mem>>)
        } else {
        }
        %mul3A_95 = arith.constant 4 : i32
        %mul3A_96 = arith.muli %mul3A_95, %scan3A_46 : i32
        %add3A_97 = arith.constant 3 : i32
        %add3A_98 = arith.addi %mul3A_96, %add3A_97 : i32
        %dma_wait3A_99 = arith.constant 0 : i32
        %dma_wait3A_100 = tpu.memref_slice %arg11[%add3A_98, %dma_wait3A_99] : memref<160x128xi32, #tpu.memory_space<vmem>> -> memref<1x128xi32, #tpu.memory_space<vmem>>
        %dma_wait3A_101 = tpu.memref_squeeze %dma_wait3A_100 : memref<1x128xi32, #tpu.memory_space<vmem>> -> memref<128xi32, #tpu.memory_space<vmem>>
        %dma_wait3A_102 = arith.constant 0 : i32
        %dma_wait3A_103 = arith.constant 0 : i32
        %dma_wait3A_104 = tpu.memref_slice %arg3[%dma_wait3A_102, %dma_wait3A_103] : memref<10000x64xf32, #tpu.memory_space<hbm>> -> memref<10000x64xf32, #tpu.memory_space<hbm>>
        tpu.wait_indirect_dma semaphore(%arg23 : memref<!tpu.dma_semaphore, #tpu.memory_space<semaphore_mem>>) src(%dma_wait3A_104 : memref<10000x64xf32, #tpu.memory_space<hbm>>) dst(%arg16 : memref<128x64xf32, #tpu.memory_space<vmem>>)
        "tpu.region"() ({
          %run_scoped3A = tpu.sem_alloc : memref<!tpu.dma_semaphore, #tpu.memory_space<semaphore_mem>>
          %dma_start3A_112 = arith.constant 0 : i32
          %dma_start3A_113 = tpu.memref_slice %arg12[%add3A_98, %dma_start3A_112] : memref<160x128xi32, #tpu.memory_space<vmem>> -> memref<1x128xi32, #tpu.memory_space<vmem>>
          %dma_start3A_114 = tpu.memref_squeeze %dma_start3A_113 : memref<1x128xi32, #tpu.memory_space<vmem>> -> memref<128xi32, #tpu.memory_space<vmem>>
          %dma_start3A_115 = arith.constant 0 : i32
          %dma_start3A_116 = arith.constant 0 : i32
          %dma_start3A_117 = tpu.memref_slice %arg18[%dma_start3A_115, %dma_start3A_116] : memref<10112x64xf32, #tpu.memory_space<vmem_shared>> -> memref<10112x64xf32, #tpu.memory_space<vmem_shared>>
          tpu.enqueue_indirect_dma source(%arg16 : memref<128x64xf32, #tpu.memory_space<vmem>>) target(%dma_start3A_117 : memref<10112x64xf32, #tpu.memory_space<vmem_shared>>) offsets(%dma_start3A_114 : memref<128xi32, #tpu.memory_space<vmem>>) semaphore(%run_scoped3A : memref<!tpu.dma_semaphore, #tpu.memory_space<semaphore_mem>>) {add = true}
          %dma_wait3A_118 = arith.constant 0 : i32
          %dma_wait3A_119 = tpu.memref_slice %arg12[%add3A_98, %dma_wait3A_118] : memref<160x128xi32, #tpu.memory_space<vmem>> -> memref<1x128xi32, #tpu.memory_space<vmem>>
          %dma_wait3A_120 = tpu.memref_squeeze %dma_wait3A_119 : memref<1x128xi32, #tpu.memory_space<vmem>> -> memref<128xi32, #tpu.memory_space<vmem>>
          %dma_wait3A_121 = arith.constant 0 : i32
          %dma_wait3A_122 = arith.constant 0 : i32
          %dma_wait3A_123 = tpu.memref_slice %arg18[%dma_wait3A_121, %dma_wait3A_122] : memref<10112x64xf32, #tpu.memory_space<vmem_shared>> -> memref<10112x64xf32, #tpu.memory_space<vmem_shared>>
          tpu.wait_indirect_dma semaphore(%run_scoped3A : memref<!tpu.dma_semaphore, #tpu.memory_space<semaphore_mem>>) src(%arg16 : memref<128x64xf32, #tpu.memory_space<vmem>>) dst(%dma_wait3A_123 : memref<10112x64xf32, #tpu.memory_space<vmem_shared>>)
          tpu.yield
        }) : () -> ()
        %add3A_105 = arith.constant 4 : i32
        %add3A_106 = arith.addi %add3A_98, %add3A_105 : i32
        %lt3A_107 = arith.constant 160 : i32
        %lt3A_108 = arith.cmpi slt, %add3A_106, %lt3A_107 : i32
        %convert_element_type3A_109 = arith.extui %lt3A_108 : i1 to i32
        %cond3A_110 = arith.constant 0 : i32
        %cond3A_111 = arith.cmpi ne, %convert_element_type3A_109, %cond3A_110 : i32
        scf.if %cond3A_111 {
          %add3A_112 = arith.constant 4 : i32
          %add3A_113 = arith.addi %add3A_98, %add3A_112 : i32
          %dma_start3A_114 = arith.constant 0 : i32
          %dma_start3A_115 = tpu.memref_slice %arg11[%add3A_113, %dma_start3A_114] : memref<160x128xi32, #tpu.memory_space<vmem>> -> memref<1x128xi32, #tpu.memory_space<vmem>>
          %dma_start3A_116 = tpu.memref_squeeze %dma_start3A_115 : memref<1x128xi32, #tpu.memory_space<vmem>> -> memref<128xi32, #tpu.memory_space<vmem>>
          %dma_start3A_117 = arith.constant 0 : i32
          %dma_start3A_118 = arith.constant 0 : i32
          %dma_start3A_119 = tpu.memref_slice %arg3[%dma_start3A_117, %dma_start3A_118] : memref<10000x64xf32, #tpu.memory_space<hbm>> -> memref<10000x64xf32, #tpu.memory_space<hbm>>
          tpu.enqueue_indirect_dma source(%dma_start3A_119 : memref<10000x64xf32, #tpu.memory_space<hbm>>) target(%arg16 : memref<128x64xf32, #tpu.memory_space<vmem>>) offsets(%dma_start3A_116 : memref<128xi32, #tpu.memory_space<vmem>>) semaphore(%arg23 : memref<!tpu.dma_semaphore, #tpu.memory_space<semaphore_mem>>)
        } else {
        }
      }
      %scan3A_45 = arith.constant 40 : i32
    } else {
    }
    %barrier3A_8 = arith.constant 0 : index
    tpu.barrier barrier_id(%barrier3A_8)
    "tpu.region"() ({
      %run_scoped3A = tpu.sem_alloc : memref<!tpu.dma_semaphore, #tpu.memory_space<semaphore_mem>>
      %dma_start3A = arith.constant 0 : i32
      %dma_start3A_14 = tpu.memref_slice %arg9[%arg0, %mul3A_0, %dma_start3A] : memref<2x10112x64xf32, #tpu.memory_space<hbm>> -> memref<1x632x64xf32, #tpu.memory_space<hbm>>
      %dma_start3A_15 = tpu.memref_squeeze %dma_start3A_14 : memref<1x632x64xf32, #tpu.memory_space<hbm>> -> memref<632x64xf32, #tpu.memory_space<hbm>>
      %dma_start3A_16 = arith.constant 0 : i32
      %dma_start3A_17 = tpu.memref_slice %arg18[%mul3A_0, %dma_start3A_16] : memref<10112x64xf32, #tpu.memory_space<vmem_shared>> -> memref<632x64xf32, #tpu.memory_space<vmem_shared>>
      tpu.enqueue_dma source(%dma_start3A_17 : memref<632x64xf32, #tpu.memory_space<vmem_shared>>) target(%dma_start3A_15 : memref<632x64xf32, #tpu.memory_space<hbm>>) target_semaphore(%run_scoped3A : memref<!tpu.dma_semaphore, #tpu.memory_space<semaphore_mem>>)
      %dma_wait3A = arith.constant 0 : i32
      %dma_wait3A_18 = tpu.memref_slice %arg9[%arg0, %mul3A_0, %dma_wait3A] : memref<2x10112x64xf32, #tpu.memory_space<hbm>> -> memref<1x632x64xf32, #tpu.memory_space<hbm>>
      %dma_wait3A_19 = tpu.memref_squeeze %dma_wait3A_18 : memref<1x632x64xf32, #tpu.memory_space<hbm>> -> memref<632x64xf32, #tpu.memory_space<hbm>>
      %dma_wait3A_20 = arith.constant 0 : i32
      %dma_wait3A_21 = tpu.memref_slice %arg18[%mul3A_0, %dma_wait3A_20] : memref<10112x64xf32, #tpu.memory_space<vmem_shared>> -> memref<632x64xf32, #tpu.memory_space<vmem_shared>>
      tpu.wait_dma2 semaphore(%run_scoped3A : memref<!tpu.dma_semaphore, #tpu.memory_space<semaphore_mem>>) src(%dma_wait3A_21 : memref<632x64xf32, #tpu.memory_space<vmem_shared>>) dst(%dma_wait3A_19 : memref<632x64xf32, #tpu.memory_space<hbm>>)
      tpu.yield
    }) : () -> ()
    %eq3A_9 = arith.constant 0 : i32
    %eq3A_10 = arith.cmpi eq, %arg0, %eq3A_9 : i32
    %convert_element_type3A_11 = arith.extui %eq3A_10 : i1 to i32
    %cond3A_12 = arith.constant 0 : i32
    %cond3A_13 = arith.cmpi ne, %convert_element_type3A_11, %cond3A_12 : i32
    scf.if %cond3A_13 {
      "tpu.region"() ({
        %run_scoped3A = tpu.sem_alloc : memref<!tpu.dma_semaphore, #tpu.memory_space<semaphore_mem>>
        %dma_start3A = arith.constant 0 : i32
        %dma_start3A_14 = tpu.memref_slice %arg10[%mul3A_0, %dma_start3A] : memref<10112x8xf32, #tpu.memory_space<hbm>> -> memref<632x8xf32, #tpu.memory_space<hbm>>
        %dma_start3A_15 = arith.constant 0 : i32
        %dma_start3A_16 = tpu.memref_slice %arg19[%mul3A_0, %dma_start3A_15] : memref<10112x8xf32, #tpu.memory_space<vmem_shared>> -> memref<632x8xf32, #tpu.memory_space<vmem_shared>>
        tpu.enqueue_dma source(%dma_start3A_16 : memref<632x8xf32, #tpu.memory_space<vmem_shared>>) target(%dma_start3A_14 : memref<632x8xf32, #tpu.memory_space<hbm>>) target_semaphore(%run_scoped3A : memref<!tpu.dma_semaphore, #tpu.memory_space<semaphore_mem>>)
        %dma_wait3A = arith.constant 0 : i32
        %dma_wait3A_17 = tpu.memref_slice %arg10[%mul3A_0, %dma_wait3A] : memref<10112x8xf32, #tpu.memory_space<hbm>> -> memref<632x8xf32, #tpu.memory_space<hbm>>
        %dma_wait3A_18 = arith.constant 0 : i32
        %dma_wait3A_19 = tpu.memref_slice %arg19[%mul3A_0, %dma_wait3A_18] : memref<10112x8xf32, #tpu.memory_space<vmem_shared>> -> memref<632x8xf32, #tpu.memory_space<vmem_shared>>
        tpu.wait_dma2 semaphore(%run_scoped3A : memref<!tpu.dma_semaphore, #tpu.memory_space<semaphore_mem>>) src(%dma_wait3A_19 : memref<632x8xf32, #tpu.memory_space<vmem_shared>>) dst(%dma_wait3A_17 : memref<632x8xf32, #tpu.memory_space<hbm>>)
        tpu.yield
      }) : () -> ()
    } else {
    }
    return
  }
}

#map = affine_map<(d0, d1) -> (0, 0)>
#map1 = affine_map<(d0, d1) -> (0, 0, 0)>
module attributes {stable_mosaic.version = 14 : i64} {
  func.func @sc_agg(%arg0: i32, %arg1: i32, %arg2: memref<10000x64xf32, #tpu.memory_space<hbm>>, %arg3: memref<10000x64xf32, #tpu.memory_space<hbm>>, %arg4: memref<16x160x128xi32, #tpu.memory_space<hbm>>, %arg5: memref<16x160x128xi32, #tpu.memory_space<hbm>>, %arg6: memref<632x64xf32, #tpu.memory_space<hbm>>, %arg7: memref<632x8xf32, #tpu.memory_space<hbm>>, %arg8: memref<128x8xf32, #tpu.memory_space<hbm>>, %arg9: memref<2x10112x64xf32, #tpu.memory_space<hbm>>, %arg10: memref<160x128xi32, #tpu.memory_space<vmem>>, %arg11: memref<160x128xi32, #tpu.memory_space<vmem>>, %arg12: memref<128x64xf32, #tpu.memory_space<vmem>>, %arg13: memref<128x64xf32, #tpu.memory_space<vmem>>, %arg14: memref<128x64xf32, #tpu.memory_space<vmem>>, %arg15: memref<128x64xf32, #tpu.memory_space<vmem>>, %arg16: memref<128x8xf32, #tpu.memory_space<vmem>>, %arg17: memref<10112x64xf32, #tpu.memory_space<vmem_shared>>, %arg18: memref<10112x8xf32, #tpu.memory_space<vmem_shared>>, %arg19: memref<!tpu.dma_semaphore, #tpu.memory_space<semaphore_mem>>, %arg20: memref<!tpu.dma_semaphore, #tpu.memory_space<semaphore_mem>>, %arg21: memref<!tpu.dma_semaphore, #tpu.memory_space<semaphore_mem>>, %arg22: memref<!tpu.dma_semaphore, #tpu.memory_space<semaphore_mem>>) attributes {dimension_semantics = [#tpu.dimension_semantics<core_parallel>, #tpu.dimension_semantics<subcore_parallel>], iteration_bounds = array<i64: 2, 16>, scalar_prefetch = 0 : i64, scratch_operands = 13 : i64, tpu.core_type = #tpu.core_type<sc_vector_subcore>, window_params = [{transform_indices = #map}, {transform_indices = #map}, {transform_indices = #map1}, {transform_indices = #map1}, {transform_indices = #map}, {transform_indices = #map}, {transform_indices = #map}, {transform_indices = #map1}]} {
    %mul3A = arith.constant 632 : i32
    %mul3A_0 = arith.muli %arg1, %mul3A : i32
    "tpu.region"() ({
      %run_scoped3A = tpu.sem_alloc : memref<!tpu.dma_semaphore, #tpu.memory_space<semaphore_mem>>
      %dma_start3A = arith.constant 0 : i32
      %dma_start3A_9 = tpu.memref_slice %arg17[%mul3A_0, %dma_start3A] : memref<10112x64xf32, #tpu.memory_space<vmem_shared>> -> memref<632x64xf32, #tpu.memory_space<vmem_shared>>
      tpu.enqueue_dma source(%arg6 : memref<632x64xf32, #tpu.memory_space<hbm>>) target(%dma_start3A_9 : memref<632x64xf32, #tpu.memory_space<vmem_shared>>) target_semaphore(%run_scoped3A : memref<!tpu.dma_semaphore, #tpu.memory_space<semaphore_mem>>)
      %dma_wait3A = arith.constant 0 : i32
      %dma_wait3A_10 = tpu.memref_slice %arg17[%mul3A_0, %dma_wait3A] : memref<10112x64xf32, #tpu.memory_space<vmem_shared>> -> memref<632x64xf32, #tpu.memory_space<vmem_shared>>
      tpu.wait_dma2 semaphore(%run_scoped3A : memref<!tpu.dma_semaphore, #tpu.memory_space<semaphore_mem>>) src(%arg6 : memref<632x64xf32, #tpu.memory_space<hbm>>) dst(%dma_wait3A_10 : memref<632x64xf32, #tpu.memory_space<vmem_shared>>)
      tpu.yield
    }) : () -> ()
    "tpu.region"() ({
      %run_scoped3A = tpu.sem_alloc : memref<!tpu.dma_semaphore, #tpu.memory_space<semaphore_mem>>
      %dma_start3A = arith.constant 0 : i32
      %dma_start3A_9 = arith.constant 0 : i32
      %dma_start3A_10 = tpu.memref_slice %arg4[%arg1, %dma_start3A, %dma_start3A_9] : memref<16x160x128xi32, #tpu.memory_space<hbm>> -> memref<1x160x128xi32, #tpu.memory_space<hbm>>
      %dma_start3A_11 = tpu.memref_squeeze %dma_start3A_10 : memref<1x160x128xi32, #tpu.memory_space<hbm>> -> memref<160x128xi32, #tpu.memory_space<hbm>>
      %dma_start3A_12 = arith.constant 0 : i32
      %dma_start3A_13 = arith.constant 0 : i32
      %dma_start3A_14 = tpu.memref_slice %arg4[%arg1, %dma_start3A_12, %dma_start3A_13] : memref<16x160x128xi32, #tpu.memory_space<hbm>> -> memref<1x160x128xi32, #tpu.memory_space<hbm>>
      %dma_start3A_15 = tpu.memref_squeeze %dma_start3A_14 : memref<1x160x128xi32, #tpu.memory_space<hbm>> -> memref<160x128xi32, #tpu.memory_space<hbm>>
      tpu.enqueue_dma source(%dma_start3A_15 : memref<160x128xi32, #tpu.memory_space<hbm>>) target(%arg10 : memref<160x128xi32, #tpu.memory_space<vmem>>) target_semaphore(%run_scoped3A : memref<!tpu.dma_semaphore, #tpu.memory_space<semaphore_mem>>)
      %dma_wait3A = arith.constant 0 : i32
      %dma_wait3A_16 = arith.constant 0 : i32
      %dma_wait3A_17 = tpu.memref_slice %arg4[%arg1, %dma_wait3A, %dma_wait3A_16] : memref<16x160x128xi32, #tpu.memory_space<hbm>> -> memref<1x160x128xi32, #tpu.memory_space<hbm>>
      %dma_wait3A_18 = tpu.memref_squeeze %dma_wait3A_17 : memref<1x160x128xi32, #tpu.memory_space<hbm>> -> memref<160x128xi32, #tpu.memory_space<hbm>>
      %dma_wait3A_19 = arith.constant 0 : i32
      %dma_wait3A_20 = arith.constant 0 : i32
      %dma_wait3A_21 = tpu.memref_slice %arg4[%arg1, %dma_wait3A_19, %dma_wait3A_20] : memref<16x160x128xi32, #tpu.memory_space<hbm>> -> memref<1x160x128xi32, #tpu.memory_space<hbm>>
      %dma_wait3A_22 = tpu.memref_squeeze %dma_wait3A_21 : memref<1x160x128xi32, #tpu.memory_space<hbm>> -> memref<160x128xi32, #tpu.memory_space<hbm>>
      tpu.wait_dma2 semaphore(%run_scoped3A : memref<!tpu.dma_semaphore, #tpu.memory_space<semaphore_mem>>) src(%dma_wait3A_22 : memref<160x128xi32, #tpu.memory_space<hbm>>) dst(%arg10 : memref<160x128xi32, #tpu.memory_space<vmem>>)
      tpu.yield
    }) : () -> ()
    "tpu.region"() ({
      %run_scoped3A = tpu.sem_alloc : memref<!tpu.dma_semaphore, #tpu.memory_space<semaphore_mem>>
      %dma_start3A = arith.constant 0 : i32
      %dma_start3A_9 = arith.constant 0 : i32
      %dma_start3A_10 = tpu.memref_slice %arg5[%arg1, %dma_start3A, %dma_start3A_9] : memref<16x160x128xi32, #tpu.memory_space<hbm>> -> memref<1x160x128xi32, #tpu.memory_space<hbm>>
      %dma_start3A_11 = tpu.memref_squeeze %dma_start3A_10 : memref<1x160x128xi32, #tpu.memory_space<hbm>> -> memref<160x128xi32, #tpu.memory_space<hbm>>
      %dma_start3A_12 = arith.constant 0 : i32
      %dma_start3A_13 = arith.constant 0 : i32
      %dma_start3A_14 = tpu.memref_slice %arg5[%arg1, %dma_start3A_12, %dma_start3A_13] : memref<16x160x128xi32, #tpu.memory_space<hbm>> -> memref<1x160x128xi32, #tpu.memory_space<hbm>>
      %dma_start3A_15 = tpu.memref_squeeze %dma_start3A_14 : memref<1x160x128xi32, #tpu.memory_space<hbm>> -> memref<160x128xi32, #tpu.memory_space<hbm>>
      tpu.enqueue_dma source(%dma_start3A_15 : memref<160x128xi32, #tpu.memory_space<hbm>>) target(%arg11 : memref<160x128xi32, #tpu.memory_space<vmem>>) target_semaphore(%run_scoped3A : memref<!tpu.dma_semaphore, #tpu.memory_space<semaphore_mem>>)
      %dma_wait3A = arith.constant 0 : i32
      %dma_wait3A_16 = arith.constant 0 : i32
      %dma_wait3A_17 = tpu.memref_slice %arg5[%arg1, %dma_wait3A, %dma_wait3A_16] : memref<16x160x128xi32, #tpu.memory_space<hbm>> -> memref<1x160x128xi32, #tpu.memory_space<hbm>>
      %dma_wait3A_18 = tpu.memref_squeeze %dma_wait3A_17 : memref<1x160x128xi32, #tpu.memory_space<hbm>> -> memref<160x128xi32, #tpu.memory_space<hbm>>
      %dma_wait3A_19 = arith.constant 0 : i32
      %dma_wait3A_20 = arith.constant 0 : i32
      %dma_wait3A_21 = tpu.memref_slice %arg5[%arg1, %dma_wait3A_19, %dma_wait3A_20] : memref<16x160x128xi32, #tpu.memory_space<hbm>> -> memref<1x160x128xi32, #tpu.memory_space<hbm>>
      %dma_wait3A_22 = tpu.memref_squeeze %dma_wait3A_21 : memref<1x160x128xi32, #tpu.memory_space<hbm>> -> memref<160x128xi32, #tpu.memory_space<hbm>>
      tpu.wait_dma2 semaphore(%run_scoped3A : memref<!tpu.dma_semaphore, #tpu.memory_space<semaphore_mem>>) src(%dma_wait3A_22 : memref<160x128xi32, #tpu.memory_space<hbm>>) dst(%arg11 : memref<160x128xi32, #tpu.memory_space<vmem>>)
      tpu.yield
    }) : () -> ()
    %barrier3A = arith.constant 0 : index
    tpu.barrier barrier_id(%barrier3A)
    %eq3A = arith.constant 0 : i32
    %eq3A_1 = arith.cmpi eq, %arg0, %eq3A : i32
    %convert_element_type3A = arith.extui %eq3A_1 : i1 to i32
    %cond3A = arith.constant 0 : i32
    %cond3A_2 = arith.cmpi ne, %convert_element_type3A, %cond3A : i32
    scf.if %cond3A_2 {
      %dma_start3A = arith.constant 0 : i32
      %dma_start3A_9 = arith.constant 0 : i32
      %dma_start3A_10 = tpu.memref_slice %arg10[%dma_start3A, %dma_start3A_9] : memref<160x128xi32, #tpu.memory_space<vmem>> -> memref<1x128xi32, #tpu.memory_space<vmem>>
      %dma_start3A_11 = tpu.memref_squeeze %dma_start3A_10 : memref<1x128xi32, #tpu.memory_space<vmem>> -> memref<128xi32, #tpu.memory_space<vmem>>
      %dma_start3A_12 = arith.constant 0 : i32
      %dma_start3A_13 = arith.constant 0 : i32
      %dma_start3A_14 = tpu.memref_slice %arg2[%dma_start3A_12, %dma_start3A_13] : memref<10000x64xf32, #tpu.memory_space<hbm>> -> memref<10000x64xf32, #tpu.memory_space<hbm>>
      tpu.enqueue_indirect_dma source(%dma_start3A_14 : memref<10000x64xf32, #tpu.memory_space<hbm>>) target(%arg12 : memref<128x64xf32, #tpu.memory_space<vmem>>) offsets(%dma_start3A_11 : memref<128xi32, #tpu.memory_space<vmem>>) semaphore(%arg19 : memref<!tpu.dma_semaphore, #tpu.memory_space<semaphore_mem>>)
      %dma_start3A_15 = arith.constant 1 : i32
      %dma_start3A_16 = arith.constant 0 : i32
      %dma_start3A_17 = tpu.memref_slice %arg10[%dma_start3A_15, %dma_start3A_16] : memref<160x128xi32, #tpu.memory_space<vmem>> -> memref<1x128xi32, #tpu.memory_space<vmem>>
      %dma_start3A_18 = tpu.memref_squeeze %dma_start3A_17 : memref<1x128xi32, #tpu.memory_space<vmem>> -> memref<128xi32, #tpu.memory_space<vmem>>
      %dma_start3A_19 = arith.constant 0 : i32
      %dma_start3A_20 = arith.constant 0 : i32
      %dma_start3A_21 = tpu.memref_slice %arg2[%dma_start3A_19, %dma_start3A_20] : memref<10000x64xf32, #tpu.memory_space<hbm>> -> memref<10000x64xf32, #tpu.memory_space<hbm>>
      tpu.enqueue_indirect_dma source(%dma_start3A_21 : memref<10000x64xf32, #tpu.memory_space<hbm>>) target(%arg13 : memref<128x64xf32, #tpu.memory_space<vmem>>) offsets(%dma_start3A_18 : memref<128xi32, #tpu.memory_space<vmem>>) semaphore(%arg20 : memref<!tpu.dma_semaphore, #tpu.memory_space<semaphore_mem>>)
      %dma_start3A_22 = arith.constant 2 : i32
      %dma_start3A_23 = arith.constant 0 : i32
      %dma_start3A_24 = tpu.memref_slice %arg10[%dma_start3A_22, %dma_start3A_23] : memref<160x128xi32, #tpu.memory_space<vmem>> -> memref<1x128xi32, #tpu.memory_space<vmem>>
      %dma_start3A_25 = tpu.memref_squeeze %dma_start3A_24 : memref<1x128xi32, #tpu.memory_space<vmem>> -> memref<128xi32, #tpu.memory_space<vmem>>
      %dma_start3A_26 = arith.constant 0 : i32
      %dma_start3A_27 = arith.constant 0 : i32
      %dma_start3A_28 = tpu.memref_slice %arg2[%dma_start3A_26, %dma_start3A_27] : memref<10000x64xf32, #tpu.memory_space<hbm>> -> memref<10000x64xf32, #tpu.memory_space<hbm>>
      tpu.enqueue_indirect_dma source(%dma_start3A_28 : memref<10000x64xf32, #tpu.memory_space<hbm>>) target(%arg14 : memref<128x64xf32, #tpu.memory_space<vmem>>) offsets(%dma_start3A_25 : memref<128xi32, #tpu.memory_space<vmem>>) semaphore(%arg21 : memref<!tpu.dma_semaphore, #tpu.memory_space<semaphore_mem>>)
      %dma_start3A_29 = arith.constant 3 : i32
      %dma_start3A_30 = arith.constant 0 : i32
      %dma_start3A_31 = tpu.memref_slice %arg10[%dma_start3A_29, %dma_start3A_30] : memref<160x128xi32, #tpu.memory_space<vmem>> -> memref<1x128xi32, #tpu.memory_space<vmem>>
      %dma_start3A_32 = tpu.memref_squeeze %dma_start3A_31 : memref<1x128xi32, #tpu.memory_space<vmem>> -> memref<128xi32, #tpu.memory_space<vmem>>
      %dma_start3A_33 = arith.constant 0 : i32
      %dma_start3A_34 = arith.constant 0 : i32
      %dma_start3A_35 = tpu.memref_slice %arg2[%dma_start3A_33, %dma_start3A_34] : memref<10000x64xf32, #tpu.memory_space<hbm>> -> memref<10000x64xf32, #tpu.memory_space<hbm>>
      tpu.enqueue_indirect_dma source(%dma_start3A_35 : memref<10000x64xf32, #tpu.memory_space<hbm>>) target(%arg15 : memref<128x64xf32, #tpu.memory_space<vmem>>) offsets(%dma_start3A_32 : memref<128xi32, #tpu.memory_space<vmem>>) semaphore(%arg22 : memref<!tpu.dma_semaphore, #tpu.memory_space<semaphore_mem>>)
      %scan3A = arith.constant 0 : i32
      %scan3A_36 = arith.constant 0 : i32
      %scan3A_37 = arith.constant 40 : i32
      %scan3A_38 = arith.addi %scan3A_36, %scan3A_37 : i32
      %scan3A_39 = arith.constant 1 : i32
      scf.for %scan3A_41 = %scan3A_36 to %scan3A_38 step %scan3A_39  : i32 {
        %mul3A_42 = arith.constant 4 : i32
        %mul3A_43 = arith.muli %mul3A_42, %scan3A_41 : i32
        %add3A = arith.constant 0 : i32
        %add3A_44 = arith.addi %mul3A_43, %add3A : i32
        %dma_wait3A = arith.constant 0 : i32
        %dma_wait3A_45 = tpu.memref_slice %arg10[%add3A_44, %dma_wait3A] : memref<160x128xi32, #tpu.memory_space<vmem>> -> memref<1x128xi32, #tpu.memory_space<vmem>>
        %dma_wait3A_46 = tpu.memref_squeeze %dma_wait3A_45 : memref<1x128xi32, #tpu.memory_space<vmem>> -> memref<128xi32, #tpu.memory_space<vmem>>
        %dma_wait3A_47 = arith.constant 0 : i32
        %dma_wait3A_48 = arith.constant 0 : i32
        %dma_wait3A_49 = tpu.memref_slice %arg2[%dma_wait3A_47, %dma_wait3A_48] : memref<10000x64xf32, #tpu.memory_space<hbm>> -> memref<10000x64xf32, #tpu.memory_space<hbm>>
        tpu.wait_indirect_dma semaphore(%arg19 : memref<!tpu.dma_semaphore, #tpu.memory_space<semaphore_mem>>) src(%dma_wait3A_49 : memref<10000x64xf32, #tpu.memory_space<hbm>>) dst(%arg12 : memref<128x64xf32, #tpu.memory_space<vmem>>)
        "tpu.region"() ({
          %run_scoped3A = tpu.sem_alloc : memref<!tpu.dma_semaphore, #tpu.memory_space<semaphore_mem>>
          %dma_start3A_107 = arith.constant 0 : i32
          %dma_start3A_108 = tpu.memref_slice %arg11[%add3A_44, %dma_start3A_107] : memref<160x128xi32, #tpu.memory_space<vmem>> -> memref<1x128xi32, #tpu.memory_space<vmem>>
          %dma_start3A_109 = tpu.memref_squeeze %dma_start3A_108 : memref<1x128xi32, #tpu.memory_space<vmem>> -> memref<128xi32, #tpu.memory_space<vmem>>
          %dma_start3A_110 = arith.constant 0 : i32
          %dma_start3A_111 = arith.constant 0 : i32
          %dma_start3A_112 = tpu.memref_slice %arg17[%dma_start3A_110, %dma_start3A_111] : memref<10112x64xf32, #tpu.memory_space<vmem_shared>> -> memref<10112x64xf32, #tpu.memory_space<vmem_shared>>
          tpu.enqueue_indirect_dma source(%arg12 : memref<128x64xf32, #tpu.memory_space<vmem>>) target(%dma_start3A_112 : memref<10112x64xf32, #tpu.memory_space<vmem_shared>>) offsets(%dma_start3A_109 : memref<128xi32, #tpu.memory_space<vmem>>) semaphore(%run_scoped3A : memref<!tpu.dma_semaphore, #tpu.memory_space<semaphore_mem>>) {add = true}
          %dma_wait3A_113 = arith.constant 0 : i32
          %dma_wait3A_114 = tpu.memref_slice %arg11[%add3A_44, %dma_wait3A_113] : memref<160x128xi32, #tpu.memory_space<vmem>> -> memref<1x128xi32, #tpu.memory_space<vmem>>
          %dma_wait3A_115 = tpu.memref_squeeze %dma_wait3A_114 : memref<1x128xi32, #tpu.memory_space<vmem>> -> memref<128xi32, #tpu.memory_space<vmem>>
          %dma_wait3A_116 = arith.constant 0 : i32
          %dma_wait3A_117 = arith.constant 0 : i32
          %dma_wait3A_118 = tpu.memref_slice %arg17[%dma_wait3A_116, %dma_wait3A_117] : memref<10112x64xf32, #tpu.memory_space<vmem_shared>> -> memref<10112x64xf32, #tpu.memory_space<vmem_shared>>
          tpu.wait_indirect_dma semaphore(%run_scoped3A : memref<!tpu.dma_semaphore, #tpu.memory_space<semaphore_mem>>) src(%arg12 : memref<128x64xf32, #tpu.memory_space<vmem>>) dst(%dma_wait3A_118 : memref<10112x64xf32, #tpu.memory_space<vmem_shared>>)
          tpu.yield
        }) : () -> ()
        %add3A_50 = arith.constant 4 : i32
        %add3A_51 = arith.addi %add3A_44, %add3A_50 : i32
        %lt3A = arith.constant 160 : i32
        %lt3A_52 = arith.cmpi slt, %add3A_51, %lt3A : i32
        %convert_element_type3A_53 = arith.extui %lt3A_52 : i1 to i32
        %cond3A_54 = arith.constant 0 : i32
        %cond3A_55 = arith.cmpi ne, %convert_element_type3A_53, %cond3A_54 : i32
        scf.if %cond3A_55 {
          %add3A_107 = arith.constant 4 : i32
          %add3A_108 = arith.addi %add3A_44, %add3A_107 : i32
          %dma_start3A_109 = arith.constant 0 : i32
          %dma_start3A_110 = tpu.memref_slice %arg10[%add3A_108, %dma_start3A_109] : memref<160x128xi32, #tpu.memory_space<vmem>> -> memref<1x128xi32, #tpu.memory_space<vmem>>
          %dma_start3A_111 = tpu.memref_squeeze %dma_start3A_110 : memref<1x128xi32, #tpu.memory_space<vmem>> -> memref<128xi32, #tpu.memory_space<vmem>>
          %dma_start3A_112 = arith.constant 0 : i32
          %dma_start3A_113 = arith.constant 0 : i32
          %dma_start3A_114 = tpu.memref_slice %arg2[%dma_start3A_112, %dma_start3A_113] : memref<10000x64xf32, #tpu.memory_space<hbm>> -> memref<10000x64xf32, #tpu.memory_space<hbm>>
          tpu.enqueue_indirect_dma source(%dma_start3A_114 : memref<10000x64xf32, #tpu.memory_space<hbm>>) target(%arg12 : memref<128x64xf32, #tpu.memory_space<vmem>>) offsets(%dma_start3A_111 : memref<128xi32, #tpu.memory_space<vmem>>) semaphore(%arg19 : memref<!tpu.dma_semaphore, #tpu.memory_space<semaphore_mem>>)
        } else {
        }
        %mul3A_56 = arith.constant 4 : i32
        %mul3A_57 = arith.muli %mul3A_56, %scan3A_41 : i32
        %add3A_58 = arith.constant 1 : i32
        %add3A_59 = arith.addi %mul3A_57, %add3A_58 : i32
        %dma_wait3A_60 = arith.constant 0 : i32
        %dma_wait3A_61 = tpu.memref_slice %arg10[%add3A_59, %dma_wait3A_60] : memref<160x128xi32, #tpu.memory_space<vmem>> -> memref<1x128xi32, #tpu.memory_space<vmem>>
        %dma_wait3A_62 = tpu.memref_squeeze %dma_wait3A_61 : memref<1x128xi32, #tpu.memory_space<vmem>> -> memref<128xi32, #tpu.memory_space<vmem>>
        %dma_wait3A_63 = arith.constant 0 : i32
        %dma_wait3A_64 = arith.constant 0 : i32
        %dma_wait3A_65 = tpu.memref_slice %arg2[%dma_wait3A_63, %dma_wait3A_64] : memref<10000x64xf32, #tpu.memory_space<hbm>> -> memref<10000x64xf32, #tpu.memory_space<hbm>>
        tpu.wait_indirect_dma semaphore(%arg20 : memref<!tpu.dma_semaphore, #tpu.memory_space<semaphore_mem>>) src(%dma_wait3A_65 : memref<10000x64xf32, #tpu.memory_space<hbm>>) dst(%arg13 : memref<128x64xf32, #tpu.memory_space<vmem>>)
        "tpu.region"() ({
          %run_scoped3A = tpu.sem_alloc : memref<!tpu.dma_semaphore, #tpu.memory_space<semaphore_mem>>
          %dma_start3A_107 = arith.constant 0 : i32
          %dma_start3A_108 = tpu.memref_slice %arg11[%add3A_59, %dma_start3A_107] : memref<160x128xi32, #tpu.memory_space<vmem>> -> memref<1x128xi32, #tpu.memory_space<vmem>>
          %dma_start3A_109 = tpu.memref_squeeze %dma_start3A_108 : memref<1x128xi32, #tpu.memory_space<vmem>> -> memref<128xi32, #tpu.memory_space<vmem>>
          %dma_start3A_110 = arith.constant 0 : i32
          %dma_start3A_111 = arith.constant 0 : i32
          %dma_start3A_112 = tpu.memref_slice %arg17[%dma_start3A_110, %dma_start3A_111] : memref<10112x64xf32, #tpu.memory_space<vmem_shared>> -> memref<10112x64xf32, #tpu.memory_space<vmem_shared>>
          tpu.enqueue_indirect_dma source(%arg13 : memref<128x64xf32, #tpu.memory_space<vmem>>) target(%dma_start3A_112 : memref<10112x64xf32, #tpu.memory_space<vmem_shared>>) offsets(%dma_start3A_109 : memref<128xi32, #tpu.memory_space<vmem>>) semaphore(%run_scoped3A : memref<!tpu.dma_semaphore, #tpu.memory_space<semaphore_mem>>) {add = true}
          %dma_wait3A_113 = arith.constant 0 : i32
          %dma_wait3A_114 = tpu.memref_slice %arg11[%add3A_59, %dma_wait3A_113] : memref<160x128xi32, #tpu.memory_space<vmem>> -> memref<1x128xi32, #tpu.memory_space<vmem>>
          %dma_wait3A_115 = tpu.memref_squeeze %dma_wait3A_114 : memref<1x128xi32, #tpu.memory_space<vmem>> -> memref<128xi32, #tpu.memory_space<vmem>>
          %dma_wait3A_116 = arith.constant 0 : i32
          %dma_wait3A_117 = arith.constant 0 : i32
          %dma_wait3A_118 = tpu.memref_slice %arg17[%dma_wait3A_116, %dma_wait3A_117] : memref<10112x64xf32, #tpu.memory_space<vmem_shared>> -> memref<10112x64xf32, #tpu.memory_space<vmem_shared>>
          tpu.wait_indirect_dma semaphore(%run_scoped3A : memref<!tpu.dma_semaphore, #tpu.memory_space<semaphore_mem>>) src(%arg13 : memref<128x64xf32, #tpu.memory_space<vmem>>) dst(%dma_wait3A_118 : memref<10112x64xf32, #tpu.memory_space<vmem_shared>>)
          tpu.yield
        }) : () -> ()
        %add3A_66 = arith.constant 4 : i32
        %add3A_67 = arith.addi %add3A_59, %add3A_66 : i32
        %lt3A_68 = arith.constant 160 : i32
        %lt3A_69 = arith.cmpi slt, %add3A_67, %lt3A_68 : i32
        %convert_element_type3A_70 = arith.extui %lt3A_69 : i1 to i32
        %cond3A_71 = arith.constant 0 : i32
        %cond3A_72 = arith.cmpi ne, %convert_element_type3A_70, %cond3A_71 : i32
        scf.if %cond3A_72 {
          %add3A_107 = arith.constant 4 : i32
          %add3A_108 = arith.addi %add3A_59, %add3A_107 : i32
          %dma_start3A_109 = arith.constant 0 : i32
          %dma_start3A_110 = tpu.memref_slice %arg10[%add3A_108, %dma_start3A_109] : memref<160x128xi32, #tpu.memory_space<vmem>> -> memref<1x128xi32, #tpu.memory_space<vmem>>
          %dma_start3A_111 = tpu.memref_squeeze %dma_start3A_110 : memref<1x128xi32, #tpu.memory_space<vmem>> -> memref<128xi32, #tpu.memory_space<vmem>>
          %dma_start3A_112 = arith.constant 0 : i32
          %dma_start3A_113 = arith.constant 0 : i32
          %dma_start3A_114 = tpu.memref_slice %arg2[%dma_start3A_112, %dma_start3A_113] : memref<10000x64xf32, #tpu.memory_space<hbm>> -> memref<10000x64xf32, #tpu.memory_space<hbm>>
          tpu.enqueue_indirect_dma source(%dma_start3A_114 : memref<10000x64xf32, #tpu.memory_space<hbm>>) target(%arg13 : memref<128x64xf32, #tpu.memory_space<vmem>>) offsets(%dma_start3A_111 : memref<128xi32, #tpu.memory_space<vmem>>) semaphore(%arg20 : memref<!tpu.dma_semaphore, #tpu.memory_space<semaphore_mem>>)
        } else {
        }
        %mul3A_73 = arith.constant 4 : i32
        %mul3A_74 = arith.muli %mul3A_73, %scan3A_41 : i32
        %add3A_75 = arith.constant 2 : i32
        %add3A_76 = arith.addi %mul3A_74, %add3A_75 : i32
        %dma_wait3A_77 = arith.constant 0 : i32
        %dma_wait3A_78 = tpu.memref_slice %arg10[%add3A_76, %dma_wait3A_77] : memref<160x128xi32, #tpu.memory_space<vmem>> -> memref<1x128xi32, #tpu.memory_space<vmem>>
        %dma_wait3A_79 = tpu.memref_squeeze %dma_wait3A_78 : memref<1x128xi32, #tpu.memory_space<vmem>> -> memref<128xi32, #tpu.memory_space<vmem>>
        %dma_wait3A_80 = arith.constant 0 : i32
        %dma_wait3A_81 = arith.constant 0 : i32
        %dma_wait3A_82 = tpu.memref_slice %arg2[%dma_wait3A_80, %dma_wait3A_81] : memref<10000x64xf32, #tpu.memory_space<hbm>> -> memref<10000x64xf32, #tpu.memory_space<hbm>>
        tpu.wait_indirect_dma semaphore(%arg21 : memref<!tpu.dma_semaphore, #tpu.memory_space<semaphore_mem>>) src(%dma_wait3A_82 : memref<10000x64xf32, #tpu.memory_space<hbm>>) dst(%arg14 : memref<128x64xf32, #tpu.memory_space<vmem>>)
        "tpu.region"() ({
          %run_scoped3A = tpu.sem_alloc : memref<!tpu.dma_semaphore, #tpu.memory_space<semaphore_mem>>
          %dma_start3A_107 = arith.constant 0 : i32
          %dma_start3A_108 = tpu.memref_slice %arg11[%add3A_76, %dma_start3A_107] : memref<160x128xi32, #tpu.memory_space<vmem>> -> memref<1x128xi32, #tpu.memory_space<vmem>>
          %dma_start3A_109 = tpu.memref_squeeze %dma_start3A_108 : memref<1x128xi32, #tpu.memory_space<vmem>> -> memref<128xi32, #tpu.memory_space<vmem>>
          %dma_start3A_110 = arith.constant 0 : i32
          %dma_start3A_111 = arith.constant 0 : i32
          %dma_start3A_112 = tpu.memref_slice %arg17[%dma_start3A_110, %dma_start3A_111] : memref<10112x64xf32, #tpu.memory_space<vmem_shared>> -> memref<10112x64xf32, #tpu.memory_space<vmem_shared>>
          tpu.enqueue_indirect_dma source(%arg14 : memref<128x64xf32, #tpu.memory_space<vmem>>) target(%dma_start3A_112 : memref<10112x64xf32, #tpu.memory_space<vmem_shared>>) offsets(%dma_start3A_109 : memref<128xi32, #tpu.memory_space<vmem>>) semaphore(%run_scoped3A : memref<!tpu.dma_semaphore, #tpu.memory_space<semaphore_mem>>) {add = true}
          %dma_wait3A_113 = arith.constant 0 : i32
          %dma_wait3A_114 = tpu.memref_slice %arg11[%add3A_76, %dma_wait3A_113] : memref<160x128xi32, #tpu.memory_space<vmem>> -> memref<1x128xi32, #tpu.memory_space<vmem>>
          %dma_wait3A_115 = tpu.memref_squeeze %dma_wait3A_114 : memref<1x128xi32, #tpu.memory_space<vmem>> -> memref<128xi32, #tpu.memory_space<vmem>>
          %dma_wait3A_116 = arith.constant 0 : i32
          %dma_wait3A_117 = arith.constant 0 : i32
          %dma_wait3A_118 = tpu.memref_slice %arg17[%dma_wait3A_116, %dma_wait3A_117] : memref<10112x64xf32, #tpu.memory_space<vmem_shared>> -> memref<10112x64xf32, #tpu.memory_space<vmem_shared>>
          tpu.wait_indirect_dma semaphore(%run_scoped3A : memref<!tpu.dma_semaphore, #tpu.memory_space<semaphore_mem>>) src(%arg14 : memref<128x64xf32, #tpu.memory_space<vmem>>) dst(%dma_wait3A_118 : memref<10112x64xf32, #tpu.memory_space<vmem_shared>>)
          tpu.yield
        }) : () -> ()
        %add3A_83 = arith.constant 4 : i32
        %add3A_84 = arith.addi %add3A_76, %add3A_83 : i32
        %lt3A_85 = arith.constant 160 : i32
        %lt3A_86 = arith.cmpi slt, %add3A_84, %lt3A_85 : i32
        %convert_element_type3A_87 = arith.extui %lt3A_86 : i1 to i32
        %cond3A_88 = arith.constant 0 : i32
        %cond3A_89 = arith.cmpi ne, %convert_element_type3A_87, %cond3A_88 : i32
        scf.if %cond3A_89 {
          %add3A_107 = arith.constant 4 : i32
          %add3A_108 = arith.addi %add3A_76, %add3A_107 : i32
          %dma_start3A_109 = arith.constant 0 : i32
          %dma_start3A_110 = tpu.memref_slice %arg10[%add3A_108, %dma_start3A_109] : memref<160x128xi32, #tpu.memory_space<vmem>> -> memref<1x128xi32, #tpu.memory_space<vmem>>
          %dma_start3A_111 = tpu.memref_squeeze %dma_start3A_110 : memref<1x128xi32, #tpu.memory_space<vmem>> -> memref<128xi32, #tpu.memory_space<vmem>>
          %dma_start3A_112 = arith.constant 0 : i32
          %dma_start3A_113 = arith.constant 0 : i32
          %dma_start3A_114 = tpu.memref_slice %arg2[%dma_start3A_112, %dma_start3A_113] : memref<10000x64xf32, #tpu.memory_space<hbm>> -> memref<10000x64xf32, #tpu.memory_space<hbm>>
          tpu.enqueue_indirect_dma source(%dma_start3A_114 : memref<10000x64xf32, #tpu.memory_space<hbm>>) target(%arg14 : memref<128x64xf32, #tpu.memory_space<vmem>>) offsets(%dma_start3A_111 : memref<128xi32, #tpu.memory_space<vmem>>) semaphore(%arg21 : memref<!tpu.dma_semaphore, #tpu.memory_space<semaphore_mem>>)
        } else {
        }
        %mul3A_90 = arith.constant 4 : i32
        %mul3A_91 = arith.muli %mul3A_90, %scan3A_41 : i32
        %add3A_92 = arith.constant 3 : i32
        %add3A_93 = arith.addi %mul3A_91, %add3A_92 : i32
        %dma_wait3A_94 = arith.constant 0 : i32
        %dma_wait3A_95 = tpu.memref_slice %arg10[%add3A_93, %dma_wait3A_94] : memref<160x128xi32, #tpu.memory_space<vmem>> -> memref<1x128xi32, #tpu.memory_space<vmem>>
        %dma_wait3A_96 = tpu.memref_squeeze %dma_wait3A_95 : memref<1x128xi32, #tpu.memory_space<vmem>> -> memref<128xi32, #tpu.memory_space<vmem>>
        %dma_wait3A_97 = arith.constant 0 : i32
        %dma_wait3A_98 = arith.constant 0 : i32
        %dma_wait3A_99 = tpu.memref_slice %arg2[%dma_wait3A_97, %dma_wait3A_98] : memref<10000x64xf32, #tpu.memory_space<hbm>> -> memref<10000x64xf32, #tpu.memory_space<hbm>>
        tpu.wait_indirect_dma semaphore(%arg22 : memref<!tpu.dma_semaphore, #tpu.memory_space<semaphore_mem>>) src(%dma_wait3A_99 : memref<10000x64xf32, #tpu.memory_space<hbm>>) dst(%arg15 : memref<128x64xf32, #tpu.memory_space<vmem>>)
        "tpu.region"() ({
          %run_scoped3A = tpu.sem_alloc : memref<!tpu.dma_semaphore, #tpu.memory_space<semaphore_mem>>
          %dma_start3A_107 = arith.constant 0 : i32
          %dma_start3A_108 = tpu.memref_slice %arg11[%add3A_93, %dma_start3A_107] : memref<160x128xi32, #tpu.memory_space<vmem>> -> memref<1x128xi32, #tpu.memory_space<vmem>>
          %dma_start3A_109 = tpu.memref_squeeze %dma_start3A_108 : memref<1x128xi32, #tpu.memory_space<vmem>> -> memref<128xi32, #tpu.memory_space<vmem>>
          %dma_start3A_110 = arith.constant 0 : i32
          %dma_start3A_111 = arith.constant 0 : i32
          %dma_start3A_112 = tpu.memref_slice %arg17[%dma_start3A_110, %dma_start3A_111] : memref<10112x64xf32, #tpu.memory_space<vmem_shared>> -> memref<10112x64xf32, #tpu.memory_space<vmem_shared>>
          tpu.enqueue_indirect_dma source(%arg15 : memref<128x64xf32, #tpu.memory_space<vmem>>) target(%dma_start3A_112 : memref<10112x64xf32, #tpu.memory_space<vmem_shared>>) offsets(%dma_start3A_109 : memref<128xi32, #tpu.memory_space<vmem>>) semaphore(%run_scoped3A : memref<!tpu.dma_semaphore, #tpu.memory_space<semaphore_mem>>) {add = true}
          %dma_wait3A_113 = arith.constant 0 : i32
          %dma_wait3A_114 = tpu.memref_slice %arg11[%add3A_93, %dma_wait3A_113] : memref<160x128xi32, #tpu.memory_space<vmem>> -> memref<1x128xi32, #tpu.memory_space<vmem>>
          %dma_wait3A_115 = tpu.memref_squeeze %dma_wait3A_114 : memref<1x128xi32, #tpu.memory_space<vmem>> -> memref<128xi32, #tpu.memory_space<vmem>>
          %dma_wait3A_116 = arith.constant 0 : i32
          %dma_wait3A_117 = arith.constant 0 : i32
          %dma_wait3A_118 = tpu.memref_slice %arg17[%dma_wait3A_116, %dma_wait3A_117] : memref<10112x64xf32, #tpu.memory_space<vmem_shared>> -> memref<10112x64xf32, #tpu.memory_space<vmem_shared>>
          tpu.wait_indirect_dma semaphore(%run_scoped3A : memref<!tpu.dma_semaphore, #tpu.memory_space<semaphore_mem>>) src(%arg15 : memref<128x64xf32, #tpu.memory_space<vmem>>) dst(%dma_wait3A_118 : memref<10112x64xf32, #tpu.memory_space<vmem_shared>>)
          tpu.yield
        }) : () -> ()
        %add3A_100 = arith.constant 4 : i32
        %add3A_101 = arith.addi %add3A_93, %add3A_100 : i32
        %lt3A_102 = arith.constant 160 : i32
        %lt3A_103 = arith.cmpi slt, %add3A_101, %lt3A_102 : i32
        %convert_element_type3A_104 = arith.extui %lt3A_103 : i1 to i32
        %cond3A_105 = arith.constant 0 : i32
        %cond3A_106 = arith.cmpi ne, %convert_element_type3A_104, %cond3A_105 : i32
        scf.if %cond3A_106 {
          %add3A_107 = arith.constant 4 : i32
          %add3A_108 = arith.addi %add3A_93, %add3A_107 : i32
          %dma_start3A_109 = arith.constant 0 : i32
          %dma_start3A_110 = tpu.memref_slice %arg10[%add3A_108, %dma_start3A_109] : memref<160x128xi32, #tpu.memory_space<vmem>> -> memref<1x128xi32, #tpu.memory_space<vmem>>
          %dma_start3A_111 = tpu.memref_squeeze %dma_start3A_110 : memref<1x128xi32, #tpu.memory_space<vmem>> -> memref<128xi32, #tpu.memory_space<vmem>>
          %dma_start3A_112 = arith.constant 0 : i32
          %dma_start3A_113 = arith.constant 0 : i32
          %dma_start3A_114 = tpu.memref_slice %arg2[%dma_start3A_112, %dma_start3A_113] : memref<10000x64xf32, #tpu.memory_space<hbm>> -> memref<10000x64xf32, #tpu.memory_space<hbm>>
          tpu.enqueue_indirect_dma source(%dma_start3A_114 : memref<10000x64xf32, #tpu.memory_space<hbm>>) target(%arg15 : memref<128x64xf32, #tpu.memory_space<vmem>>) offsets(%dma_start3A_111 : memref<128xi32, #tpu.memory_space<vmem>>) semaphore(%arg22 : memref<!tpu.dma_semaphore, #tpu.memory_space<semaphore_mem>>)
        } else {
        }
      }
      %scan3A_40 = arith.constant 40 : i32
    } else {
    }
    %eq3A_3 = arith.constant 1 : i32
    %eq3A_4 = arith.cmpi eq, %arg0, %eq3A_3 : i32
    %convert_element_type3A_5 = arith.extui %eq3A_4 : i1 to i32
    %cond3A_6 = arith.constant 0 : i32
    %cond3A_7 = arith.cmpi ne, %convert_element_type3A_5, %cond3A_6 : i32
    scf.if %cond3A_7 {
      %dma_start3A = arith.constant 0 : i32
      %dma_start3A_9 = arith.constant 0 : i32
      %dma_start3A_10 = tpu.memref_slice %arg10[%dma_start3A, %dma_start3A_9] : memref<160x128xi32, #tpu.memory_space<vmem>> -> memref<1x128xi32, #tpu.memory_space<vmem>>
      %dma_start3A_11 = tpu.memref_squeeze %dma_start3A_10 : memref<1x128xi32, #tpu.memory_space<vmem>> -> memref<128xi32, #tpu.memory_space<vmem>>
      %dma_start3A_12 = arith.constant 0 : i32
      %dma_start3A_13 = arith.constant 0 : i32
      %dma_start3A_14 = tpu.memref_slice %arg3[%dma_start3A_12, %dma_start3A_13] : memref<10000x64xf32, #tpu.memory_space<hbm>> -> memref<10000x64xf32, #tpu.memory_space<hbm>>
      tpu.enqueue_indirect_dma source(%dma_start3A_14 : memref<10000x64xf32, #tpu.memory_space<hbm>>) target(%arg12 : memref<128x64xf32, #tpu.memory_space<vmem>>) offsets(%dma_start3A_11 : memref<128xi32, #tpu.memory_space<vmem>>) semaphore(%arg19 : memref<!tpu.dma_semaphore, #tpu.memory_space<semaphore_mem>>)
      %dma_start3A_15 = arith.constant 1 : i32
      %dma_start3A_16 = arith.constant 0 : i32
      %dma_start3A_17 = tpu.memref_slice %arg10[%dma_start3A_15, %dma_start3A_16] : memref<160x128xi32, #tpu.memory_space<vmem>> -> memref<1x128xi32, #tpu.memory_space<vmem>>
      %dma_start3A_18 = tpu.memref_squeeze %dma_start3A_17 : memref<1x128xi32, #tpu.memory_space<vmem>> -> memref<128xi32, #tpu.memory_space<vmem>>
      %dma_start3A_19 = arith.constant 0 : i32
      %dma_start3A_20 = arith.constant 0 : i32
      %dma_start3A_21 = tpu.memref_slice %arg3[%dma_start3A_19, %dma_start3A_20] : memref<10000x64xf32, #tpu.memory_space<hbm>> -> memref<10000x64xf32, #tpu.memory_space<hbm>>
      tpu.enqueue_indirect_dma source(%dma_start3A_21 : memref<10000x64xf32, #tpu.memory_space<hbm>>) target(%arg13 : memref<128x64xf32, #tpu.memory_space<vmem>>) offsets(%dma_start3A_18 : memref<128xi32, #tpu.memory_space<vmem>>) semaphore(%arg20 : memref<!tpu.dma_semaphore, #tpu.memory_space<semaphore_mem>>)
      %dma_start3A_22 = arith.constant 2 : i32
      %dma_start3A_23 = arith.constant 0 : i32
      %dma_start3A_24 = tpu.memref_slice %arg10[%dma_start3A_22, %dma_start3A_23] : memref<160x128xi32, #tpu.memory_space<vmem>> -> memref<1x128xi32, #tpu.memory_space<vmem>>
      %dma_start3A_25 = tpu.memref_squeeze %dma_start3A_24 : memref<1x128xi32, #tpu.memory_space<vmem>> -> memref<128xi32, #tpu.memory_space<vmem>>
      %dma_start3A_26 = arith.constant 0 : i32
      %dma_start3A_27 = arith.constant 0 : i32
      %dma_start3A_28 = tpu.memref_slice %arg3[%dma_start3A_26, %dma_start3A_27] : memref<10000x64xf32, #tpu.memory_space<hbm>> -> memref<10000x64xf32, #tpu.memory_space<hbm>>
      tpu.enqueue_indirect_dma source(%dma_start3A_28 : memref<10000x64xf32, #tpu.memory_space<hbm>>) target(%arg14 : memref<128x64xf32, #tpu.memory_space<vmem>>) offsets(%dma_start3A_25 : memref<128xi32, #tpu.memory_space<vmem>>) semaphore(%arg21 : memref<!tpu.dma_semaphore, #tpu.memory_space<semaphore_mem>>)
      %dma_start3A_29 = arith.constant 3 : i32
      %dma_start3A_30 = arith.constant 0 : i32
      %dma_start3A_31 = tpu.memref_slice %arg10[%dma_start3A_29, %dma_start3A_30] : memref<160x128xi32, #tpu.memory_space<vmem>> -> memref<1x128xi32, #tpu.memory_space<vmem>>
      %dma_start3A_32 = tpu.memref_squeeze %dma_start3A_31 : memref<1x128xi32, #tpu.memory_space<vmem>> -> memref<128xi32, #tpu.memory_space<vmem>>
      %dma_start3A_33 = arith.constant 0 : i32
      %dma_start3A_34 = arith.constant 0 : i32
      %dma_start3A_35 = tpu.memref_slice %arg3[%dma_start3A_33, %dma_start3A_34] : memref<10000x64xf32, #tpu.memory_space<hbm>> -> memref<10000x64xf32, #tpu.memory_space<hbm>>
      tpu.enqueue_indirect_dma source(%dma_start3A_35 : memref<10000x64xf32, #tpu.memory_space<hbm>>) target(%arg15 : memref<128x64xf32, #tpu.memory_space<vmem>>) offsets(%dma_start3A_32 : memref<128xi32, #tpu.memory_space<vmem>>) semaphore(%arg22 : memref<!tpu.dma_semaphore, #tpu.memory_space<semaphore_mem>>)
      %scan3A = arith.constant 0 : i32
      %scan3A_36 = arith.constant 0 : i32
      %scan3A_37 = arith.constant 40 : i32
      %scan3A_38 = arith.addi %scan3A_36, %scan3A_37 : i32
      %scan3A_39 = arith.constant 1 : i32
      scf.for %scan3A_41 = %scan3A_36 to %scan3A_38 step %scan3A_39  : i32 {
        %mul3A_42 = arith.constant 4 : i32
        %mul3A_43 = arith.muli %mul3A_42, %scan3A_41 : i32
        %add3A = arith.constant 0 : i32
        %add3A_44 = arith.addi %mul3A_43, %add3A : i32
        %dma_wait3A = arith.constant 0 : i32
        %dma_wait3A_45 = tpu.memref_slice %arg10[%add3A_44, %dma_wait3A] : memref<160x128xi32, #tpu.memory_space<vmem>> -> memref<1x128xi32, #tpu.memory_space<vmem>>
        %dma_wait3A_46 = tpu.memref_squeeze %dma_wait3A_45 : memref<1x128xi32, #tpu.memory_space<vmem>> -> memref<128xi32, #tpu.memory_space<vmem>>
        %dma_wait3A_47 = arith.constant 0 : i32
        %dma_wait3A_48 = arith.constant 0 : i32
        %dma_wait3A_49 = tpu.memref_slice %arg3[%dma_wait3A_47, %dma_wait3A_48] : memref<10000x64xf32, #tpu.memory_space<hbm>> -> memref<10000x64xf32, #tpu.memory_space<hbm>>
        tpu.wait_indirect_dma semaphore(%arg19 : memref<!tpu.dma_semaphore, #tpu.memory_space<semaphore_mem>>) src(%dma_wait3A_49 : memref<10000x64xf32, #tpu.memory_space<hbm>>) dst(%arg12 : memref<128x64xf32, #tpu.memory_space<vmem>>)
        "tpu.region"() ({
          %run_scoped3A = tpu.sem_alloc : memref<!tpu.dma_semaphore, #tpu.memory_space<semaphore_mem>>
          %dma_start3A_107 = arith.constant 0 : i32
          %dma_start3A_108 = tpu.memref_slice %arg11[%add3A_44, %dma_start3A_107] : memref<160x128xi32, #tpu.memory_space<vmem>> -> memref<1x128xi32, #tpu.memory_space<vmem>>
          %dma_start3A_109 = tpu.memref_squeeze %dma_start3A_108 : memref<1x128xi32, #tpu.memory_space<vmem>> -> memref<128xi32, #tpu.memory_space<vmem>>
          %dma_start3A_110 = arith.constant 0 : i32
          %dma_start3A_111 = arith.constant 0 : i32
          %dma_start3A_112 = tpu.memref_slice %arg17[%dma_start3A_110, %dma_start3A_111] : memref<10112x64xf32, #tpu.memory_space<vmem_shared>> -> memref<10112x64xf32, #tpu.memory_space<vmem_shared>>
          tpu.enqueue_indirect_dma source(%arg12 : memref<128x64xf32, #tpu.memory_space<vmem>>) target(%dma_start3A_112 : memref<10112x64xf32, #tpu.memory_space<vmem_shared>>) offsets(%dma_start3A_109 : memref<128xi32, #tpu.memory_space<vmem>>) semaphore(%run_scoped3A : memref<!tpu.dma_semaphore, #tpu.memory_space<semaphore_mem>>) {add = true}
          %dma_wait3A_113 = arith.constant 0 : i32
          %dma_wait3A_114 = tpu.memref_slice %arg11[%add3A_44, %dma_wait3A_113] : memref<160x128xi32, #tpu.memory_space<vmem>> -> memref<1x128xi32, #tpu.memory_space<vmem>>
          %dma_wait3A_115 = tpu.memref_squeeze %dma_wait3A_114 : memref<1x128xi32, #tpu.memory_space<vmem>> -> memref<128xi32, #tpu.memory_space<vmem>>
          %dma_wait3A_116 = arith.constant 0 : i32
          %dma_wait3A_117 = arith.constant 0 : i32
          %dma_wait3A_118 = tpu.memref_slice %arg17[%dma_wait3A_116, %dma_wait3A_117] : memref<10112x64xf32, #tpu.memory_space<vmem_shared>> -> memref<10112x64xf32, #tpu.memory_space<vmem_shared>>
          tpu.wait_indirect_dma semaphore(%run_scoped3A : memref<!tpu.dma_semaphore, #tpu.memory_space<semaphore_mem>>) src(%arg12 : memref<128x64xf32, #tpu.memory_space<vmem>>) dst(%dma_wait3A_118 : memref<10112x64xf32, #tpu.memory_space<vmem_shared>>)
          tpu.yield
        }) : () -> ()
        %add3A_50 = arith.constant 4 : i32
        %add3A_51 = arith.addi %add3A_44, %add3A_50 : i32
        %lt3A = arith.constant 160 : i32
        %lt3A_52 = arith.cmpi slt, %add3A_51, %lt3A : i32
        %convert_element_type3A_53 = arith.extui %lt3A_52 : i1 to i32
        %cond3A_54 = arith.constant 0 : i32
        %cond3A_55 = arith.cmpi ne, %convert_element_type3A_53, %cond3A_54 : i32
        scf.if %cond3A_55 {
          %add3A_107 = arith.constant 4 : i32
          %add3A_108 = arith.addi %add3A_44, %add3A_107 : i32
          %dma_start3A_109 = arith.constant 0 : i32
          %dma_start3A_110 = tpu.memref_slice %arg10[%add3A_108, %dma_start3A_109] : memref<160x128xi32, #tpu.memory_space<vmem>> -> memref<1x128xi32, #tpu.memory_space<vmem>>
          %dma_start3A_111 = tpu.memref_squeeze %dma_start3A_110 : memref<1x128xi32, #tpu.memory_space<vmem>> -> memref<128xi32, #tpu.memory_space<vmem>>
          %dma_start3A_112 = arith.constant 0 : i32
          %dma_start3A_113 = arith.constant 0 : i32
          %dma_start3A_114 = tpu.memref_slice %arg3[%dma_start3A_112, %dma_start3A_113] : memref<10000x64xf32, #tpu.memory_space<hbm>> -> memref<10000x64xf32, #tpu.memory_space<hbm>>
          tpu.enqueue_indirect_dma source(%dma_start3A_114 : memref<10000x64xf32, #tpu.memory_space<hbm>>) target(%arg12 : memref<128x64xf32, #tpu.memory_space<vmem>>) offsets(%dma_start3A_111 : memref<128xi32, #tpu.memory_space<vmem>>) semaphore(%arg19 : memref<!tpu.dma_semaphore, #tpu.memory_space<semaphore_mem>>)
        } else {
        }
        %mul3A_56 = arith.constant 4 : i32
        %mul3A_57 = arith.muli %mul3A_56, %scan3A_41 : i32
        %add3A_58 = arith.constant 1 : i32
        %add3A_59 = arith.addi %mul3A_57, %add3A_58 : i32
        %dma_wait3A_60 = arith.constant 0 : i32
        %dma_wait3A_61 = tpu.memref_slice %arg10[%add3A_59, %dma_wait3A_60] : memref<160x128xi32, #tpu.memory_space<vmem>> -> memref<1x128xi32, #tpu.memory_space<vmem>>
        %dma_wait3A_62 = tpu.memref_squeeze %dma_wait3A_61 : memref<1x128xi32, #tpu.memory_space<vmem>> -> memref<128xi32, #tpu.memory_space<vmem>>
        %dma_wait3A_63 = arith.constant 0 : i32
        %dma_wait3A_64 = arith.constant 0 : i32
        %dma_wait3A_65 = tpu.memref_slice %arg3[%dma_wait3A_63, %dma_wait3A_64] : memref<10000x64xf32, #tpu.memory_space<hbm>> -> memref<10000x64xf32, #tpu.memory_space<hbm>>
        tpu.wait_indirect_dma semaphore(%arg20 : memref<!tpu.dma_semaphore, #tpu.memory_space<semaphore_mem>>) src(%dma_wait3A_65 : memref<10000x64xf32, #tpu.memory_space<hbm>>) dst(%arg13 : memref<128x64xf32, #tpu.memory_space<vmem>>)
        "tpu.region"() ({
          %run_scoped3A = tpu.sem_alloc : memref<!tpu.dma_semaphore, #tpu.memory_space<semaphore_mem>>
          %dma_start3A_107 = arith.constant 0 : i32
          %dma_start3A_108 = tpu.memref_slice %arg11[%add3A_59, %dma_start3A_107] : memref<160x128xi32, #tpu.memory_space<vmem>> -> memref<1x128xi32, #tpu.memory_space<vmem>>
          %dma_start3A_109 = tpu.memref_squeeze %dma_start3A_108 : memref<1x128xi32, #tpu.memory_space<vmem>> -> memref<128xi32, #tpu.memory_space<vmem>>
          %dma_start3A_110 = arith.constant 0 : i32
          %dma_start3A_111 = arith.constant 0 : i32
          %dma_start3A_112 = tpu.memref_slice %arg17[%dma_start3A_110, %dma_start3A_111] : memref<10112x64xf32, #tpu.memory_space<vmem_shared>> -> memref<10112x64xf32, #tpu.memory_space<vmem_shared>>
          tpu.enqueue_indirect_dma source(%arg13 : memref<128x64xf32, #tpu.memory_space<vmem>>) target(%dma_start3A_112 : memref<10112x64xf32, #tpu.memory_space<vmem_shared>>) offsets(%dma_start3A_109 : memref<128xi32, #tpu.memory_space<vmem>>) semaphore(%run_scoped3A : memref<!tpu.dma_semaphore, #tpu.memory_space<semaphore_mem>>) {add = true}
          %dma_wait3A_113 = arith.constant 0 : i32
          %dma_wait3A_114 = tpu.memref_slice %arg11[%add3A_59, %dma_wait3A_113] : memref<160x128xi32, #tpu.memory_space<vmem>> -> memref<1x128xi32, #tpu.memory_space<vmem>>
          %dma_wait3A_115 = tpu.memref_squeeze %dma_wait3A_114 : memref<1x128xi32, #tpu.memory_space<vmem>> -> memref<128xi32, #tpu.memory_space<vmem>>
          %dma_wait3A_116 = arith.constant 0 : i32
          %dma_wait3A_117 = arith.constant 0 : i32
          %dma_wait3A_118 = tpu.memref_slice %arg17[%dma_wait3A_116, %dma_wait3A_117] : memref<10112x64xf32, #tpu.memory_space<vmem_shared>> -> memref<10112x64xf32, #tpu.memory_space<vmem_shared>>
          tpu.wait_indirect_dma semaphore(%run_scoped3A : memref<!tpu.dma_semaphore, #tpu.memory_space<semaphore_mem>>) src(%arg13 : memref<128x64xf32, #tpu.memory_space<vmem>>) dst(%dma_wait3A_118 : memref<10112x64xf32, #tpu.memory_space<vmem_shared>>)
          tpu.yield
        }) : () -> ()
        %add3A_66 = arith.constant 4 : i32
        %add3A_67 = arith.addi %add3A_59, %add3A_66 : i32
        %lt3A_68 = arith.constant 160 : i32
        %lt3A_69 = arith.cmpi slt, %add3A_67, %lt3A_68 : i32
        %convert_element_type3A_70 = arith.extui %lt3A_69 : i1 to i32
        %cond3A_71 = arith.constant 0 : i32
        %cond3A_72 = arith.cmpi ne, %convert_element_type3A_70, %cond3A_71 : i32
        scf.if %cond3A_72 {
          %add3A_107 = arith.constant 4 : i32
          %add3A_108 = arith.addi %add3A_59, %add3A_107 : i32
          %dma_start3A_109 = arith.constant 0 : i32
          %dma_start3A_110 = tpu.memref_slice %arg10[%add3A_108, %dma_start3A_109] : memref<160x128xi32, #tpu.memory_space<vmem>> -> memref<1x128xi32, #tpu.memory_space<vmem>>
          %dma_start3A_111 = tpu.memref_squeeze %dma_start3A_110 : memref<1x128xi32, #tpu.memory_space<vmem>> -> memref<128xi32, #tpu.memory_space<vmem>>
          %dma_start3A_112 = arith.constant 0 : i32
          %dma_start3A_113 = arith.constant 0 : i32
          %dma_start3A_114 = tpu.memref_slice %arg3[%dma_start3A_112, %dma_start3A_113] : memref<10000x64xf32, #tpu.memory_space<hbm>> -> memref<10000x64xf32, #tpu.memory_space<hbm>>
          tpu.enqueue_indirect_dma source(%dma_start3A_114 : memref<10000x64xf32, #tpu.memory_space<hbm>>) target(%arg13 : memref<128x64xf32, #tpu.memory_space<vmem>>) offsets(%dma_start3A_111 : memref<128xi32, #tpu.memory_space<vmem>>) semaphore(%arg20 : memref<!tpu.dma_semaphore, #tpu.memory_space<semaphore_mem>>)
        } else {
        }
        %mul3A_73 = arith.constant 4 : i32
        %mul3A_74 = arith.muli %mul3A_73, %scan3A_41 : i32
        %add3A_75 = arith.constant 2 : i32
        %add3A_76 = arith.addi %mul3A_74, %add3A_75 : i32
        %dma_wait3A_77 = arith.constant 0 : i32
        %dma_wait3A_78 = tpu.memref_slice %arg10[%add3A_76, %dma_wait3A_77] : memref<160x128xi32, #tpu.memory_space<vmem>> -> memref<1x128xi32, #tpu.memory_space<vmem>>
        %dma_wait3A_79 = tpu.memref_squeeze %dma_wait3A_78 : memref<1x128xi32, #tpu.memory_space<vmem>> -> memref<128xi32, #tpu.memory_space<vmem>>
        %dma_wait3A_80 = arith.constant 0 : i32
        %dma_wait3A_81 = arith.constant 0 : i32
        %dma_wait3A_82 = tpu.memref_slice %arg3[%dma_wait3A_80, %dma_wait3A_81] : memref<10000x64xf32, #tpu.memory_space<hbm>> -> memref<10000x64xf32, #tpu.memory_space<hbm>>
        tpu.wait_indirect_dma semaphore(%arg21 : memref<!tpu.dma_semaphore, #tpu.memory_space<semaphore_mem>>) src(%dma_wait3A_82 : memref<10000x64xf32, #tpu.memory_space<hbm>>) dst(%arg14 : memref<128x64xf32, #tpu.memory_space<vmem>>)
        "tpu.region"() ({
          %run_scoped3A = tpu.sem_alloc : memref<!tpu.dma_semaphore, #tpu.memory_space<semaphore_mem>>
          %dma_start3A_107 = arith.constant 0 : i32
          %dma_start3A_108 = tpu.memref_slice %arg11[%add3A_76, %dma_start3A_107] : memref<160x128xi32, #tpu.memory_space<vmem>> -> memref<1x128xi32, #tpu.memory_space<vmem>>
          %dma_start3A_109 = tpu.memref_squeeze %dma_start3A_108 : memref<1x128xi32, #tpu.memory_space<vmem>> -> memref<128xi32, #tpu.memory_space<vmem>>
          %dma_start3A_110 = arith.constant 0 : i32
          %dma_start3A_111 = arith.constant 0 : i32
          %dma_start3A_112 = tpu.memref_slice %arg17[%dma_start3A_110, %dma_start3A_111] : memref<10112x64xf32, #tpu.memory_space<vmem_shared>> -> memref<10112x64xf32, #tpu.memory_space<vmem_shared>>
          tpu.enqueue_indirect_dma source(%arg14 : memref<128x64xf32, #tpu.memory_space<vmem>>) target(%dma_start3A_112 : memref<10112x64xf32, #tpu.memory_space<vmem_shared>>) offsets(%dma_start3A_109 : memref<128xi32, #tpu.memory_space<vmem>>) semaphore(%run_scoped3A : memref<!tpu.dma_semaphore, #tpu.memory_space<semaphore_mem>>) {add = true}
          %dma_wait3A_113 = arith.constant 0 : i32
          %dma_wait3A_114 = tpu.memref_slice %arg11[%add3A_76, %dma_wait3A_113] : memref<160x128xi32, #tpu.memory_space<vmem>> -> memref<1x128xi32, #tpu.memory_space<vmem>>
          %dma_wait3A_115 = tpu.memref_squeeze %dma_wait3A_114 : memref<1x128xi32, #tpu.memory_space<vmem>> -> memref<128xi32, #tpu.memory_space<vmem>>
          %dma_wait3A_116 = arith.constant 0 : i32
          %dma_wait3A_117 = arith.constant 0 : i32
          %dma_wait3A_118 = tpu.memref_slice %arg17[%dma_wait3A_116, %dma_wait3A_117] : memref<10112x64xf32, #tpu.memory_space<vmem_shared>> -> memref<10112x64xf32, #tpu.memory_space<vmem_shared>>
          tpu.wait_indirect_dma semaphore(%run_scoped3A : memref<!tpu.dma_semaphore, #tpu.memory_space<semaphore_mem>>) src(%arg14 : memref<128x64xf32, #tpu.memory_space<vmem>>) dst(%dma_wait3A_118 : memref<10112x64xf32, #tpu.memory_space<vmem_shared>>)
          tpu.yield
        }) : () -> ()
        %add3A_83 = arith.constant 4 : i32
        %add3A_84 = arith.addi %add3A_76, %add3A_83 : i32
        %lt3A_85 = arith.constant 160 : i32
        %lt3A_86 = arith.cmpi slt, %add3A_84, %lt3A_85 : i32
        %convert_element_type3A_87 = arith.extui %lt3A_86 : i1 to i32
        %cond3A_88 = arith.constant 0 : i32
        %cond3A_89 = arith.cmpi ne, %convert_element_type3A_87, %cond3A_88 : i32
        scf.if %cond3A_89 {
          %add3A_107 = arith.constant 4 : i32
          %add3A_108 = arith.addi %add3A_76, %add3A_107 : i32
          %dma_start3A_109 = arith.constant 0 : i32
          %dma_start3A_110 = tpu.memref_slice %arg10[%add3A_108, %dma_start3A_109] : memref<160x128xi32, #tpu.memory_space<vmem>> -> memref<1x128xi32, #tpu.memory_space<vmem>>
          %dma_start3A_111 = tpu.memref_squeeze %dma_start3A_110 : memref<1x128xi32, #tpu.memory_space<vmem>> -> memref<128xi32, #tpu.memory_space<vmem>>
          %dma_start3A_112 = arith.constant 0 : i32
          %dma_start3A_113 = arith.constant 0 : i32
          %dma_start3A_114 = tpu.memref_slice %arg3[%dma_start3A_112, %dma_start3A_113] : memref<10000x64xf32, #tpu.memory_space<hbm>> -> memref<10000x64xf32, #tpu.memory_space<hbm>>
          tpu.enqueue_indirect_dma source(%dma_start3A_114 : memref<10000x64xf32, #tpu.memory_space<hbm>>) target(%arg14 : memref<128x64xf32, #tpu.memory_space<vmem>>) offsets(%dma_start3A_111 : memref<128xi32, #tpu.memory_space<vmem>>) semaphore(%arg21 : memref<!tpu.dma_semaphore, #tpu.memory_space<semaphore_mem>>)
        } else {
        }
        %mul3A_90 = arith.constant 4 : i32
        %mul3A_91 = arith.muli %mul3A_90, %scan3A_41 : i32
        %add3A_92 = arith.constant 3 : i32
        %add3A_93 = arith.addi %mul3A_91, %add3A_92 : i32
        %dma_wait3A_94 = arith.constant 0 : i32
        %dma_wait3A_95 = tpu.memref_slice %arg10[%add3A_93, %dma_wait3A_94] : memref<160x128xi32, #tpu.memory_space<vmem>> -> memref<1x128xi32, #tpu.memory_space<vmem>>
        %dma_wait3A_96 = tpu.memref_squeeze %dma_wait3A_95 : memref<1x128xi32, #tpu.memory_space<vmem>> -> memref<128xi32, #tpu.memory_space<vmem>>
        %dma_wait3A_97 = arith.constant 0 : i32
        %dma_wait3A_98 = arith.constant 0 : i32
        %dma_wait3A_99 = tpu.memref_slice %arg3[%dma_wait3A_97, %dma_wait3A_98] : memref<10000x64xf32, #tpu.memory_space<hbm>> -> memref<10000x64xf32, #tpu.memory_space<hbm>>
        tpu.wait_indirect_dma semaphore(%arg22 : memref<!tpu.dma_semaphore, #tpu.memory_space<semaphore_mem>>) src(%dma_wait3A_99 : memref<10000x64xf32, #tpu.memory_space<hbm>>) dst(%arg15 : memref<128x64xf32, #tpu.memory_space<vmem>>)
        "tpu.region"() ({
          %run_scoped3A = tpu.sem_alloc : memref<!tpu.dma_semaphore, #tpu.memory_space<semaphore_mem>>
          %dma_start3A_107 = arith.constant 0 : i32
          %dma_start3A_108 = tpu.memref_slice %arg11[%add3A_93, %dma_start3A_107] : memref<160x128xi32, #tpu.memory_space<vmem>> -> memref<1x128xi32, #tpu.memory_space<vmem>>
          %dma_start3A_109 = tpu.memref_squeeze %dma_start3A_108 : memref<1x128xi32, #tpu.memory_space<vmem>> -> memref<128xi32, #tpu.memory_space<vmem>>
          %dma_start3A_110 = arith.constant 0 : i32
          %dma_start3A_111 = arith.constant 0 : i32
          %dma_start3A_112 = tpu.memref_slice %arg17[%dma_start3A_110, %dma_start3A_111] : memref<10112x64xf32, #tpu.memory_space<vmem_shared>> -> memref<10112x64xf32, #tpu.memory_space<vmem_shared>>
          tpu.enqueue_indirect_dma source(%arg15 : memref<128x64xf32, #tpu.memory_space<vmem>>) target(%dma_start3A_112 : memref<10112x64xf32, #tpu.memory_space<vmem_shared>>) offsets(%dma_start3A_109 : memref<128xi32, #tpu.memory_space<vmem>>) semaphore(%run_scoped3A : memref<!tpu.dma_semaphore, #tpu.memory_space<semaphore_mem>>) {add = true}
          %dma_wait3A_113 = arith.constant 0 : i32
          %dma_wait3A_114 = tpu.memref_slice %arg11[%add3A_93, %dma_wait3A_113] : memref<160x128xi32, #tpu.memory_space<vmem>> -> memref<1x128xi32, #tpu.memory_space<vmem>>
          %dma_wait3A_115 = tpu.memref_squeeze %dma_wait3A_114 : memref<1x128xi32, #tpu.memory_space<vmem>> -> memref<128xi32, #tpu.memory_space<vmem>>
          %dma_wait3A_116 = arith.constant 0 : i32
          %dma_wait3A_117 = arith.constant 0 : i32
          %dma_wait3A_118 = tpu.memref_slice %arg17[%dma_wait3A_116, %dma_wait3A_117] : memref<10112x64xf32, #tpu.memory_space<vmem_shared>> -> memref<10112x64xf32, #tpu.memory_space<vmem_shared>>
          tpu.wait_indirect_dma semaphore(%run_scoped3A : memref<!tpu.dma_semaphore, #tpu.memory_space<semaphore_mem>>) src(%arg15 : memref<128x64xf32, #tpu.memory_space<vmem>>) dst(%dma_wait3A_118 : memref<10112x64xf32, #tpu.memory_space<vmem_shared>>)
          tpu.yield
        }) : () -> ()
        %add3A_100 = arith.constant 4 : i32
        %add3A_101 = arith.addi %add3A_93, %add3A_100 : i32
        %lt3A_102 = arith.constant 160 : i32
        %lt3A_103 = arith.cmpi slt, %add3A_101, %lt3A_102 : i32
        %convert_element_type3A_104 = arith.extui %lt3A_103 : i1 to i32
        %cond3A_105 = arith.constant 0 : i32
        %cond3A_106 = arith.cmpi ne, %convert_element_type3A_104, %cond3A_105 : i32
        scf.if %cond3A_106 {
          %add3A_107 = arith.constant 4 : i32
          %add3A_108 = arith.addi %add3A_93, %add3A_107 : i32
          %dma_start3A_109 = arith.constant 0 : i32
          %dma_start3A_110 = tpu.memref_slice %arg10[%add3A_108, %dma_start3A_109] : memref<160x128xi32, #tpu.memory_space<vmem>> -> memref<1x128xi32, #tpu.memory_space<vmem>>
          %dma_start3A_111 = tpu.memref_squeeze %dma_start3A_110 : memref<1x128xi32, #tpu.memory_space<vmem>> -> memref<128xi32, #tpu.memory_space<vmem>>
          %dma_start3A_112 = arith.constant 0 : i32
          %dma_start3A_113 = arith.constant 0 : i32
          %dma_start3A_114 = tpu.memref_slice %arg3[%dma_start3A_112, %dma_start3A_113] : memref<10000x64xf32, #tpu.memory_space<hbm>> -> memref<10000x64xf32, #tpu.memory_space<hbm>>
          tpu.enqueue_indirect_dma source(%dma_start3A_114 : memref<10000x64xf32, #tpu.memory_space<hbm>>) target(%arg15 : memref<128x64xf32, #tpu.memory_space<vmem>>) offsets(%dma_start3A_111 : memref<128xi32, #tpu.memory_space<vmem>>) semaphore(%arg22 : memref<!tpu.dma_semaphore, #tpu.memory_space<semaphore_mem>>)
        } else {
        }
      }
      %scan3A_40 = arith.constant 40 : i32
    } else {
    }
    %barrier3A_8 = arith.constant 0 : index
    tpu.barrier barrier_id(%barrier3A_8)
    "tpu.region"() ({
      %run_scoped3A = tpu.sem_alloc : memref<!tpu.dma_semaphore, #tpu.memory_space<semaphore_mem>>
      %dma_start3A = arith.constant 0 : i32
      %dma_start3A_9 = tpu.memref_slice %arg9[%arg0, %mul3A_0, %dma_start3A] : memref<2x10112x64xf32, #tpu.memory_space<hbm>> -> memref<1x632x64xf32, #tpu.memory_space<hbm>>
      %dma_start3A_10 = tpu.memref_squeeze %dma_start3A_9 : memref<1x632x64xf32, #tpu.memory_space<hbm>> -> memref<632x64xf32, #tpu.memory_space<hbm>>
      %dma_start3A_11 = arith.constant 0 : i32
      %dma_start3A_12 = tpu.memref_slice %arg17[%mul3A_0, %dma_start3A_11] : memref<10112x64xf32, #tpu.memory_space<vmem_shared>> -> memref<632x64xf32, #tpu.memory_space<vmem_shared>>
      tpu.enqueue_dma source(%dma_start3A_12 : memref<632x64xf32, #tpu.memory_space<vmem_shared>>) target(%dma_start3A_10 : memref<632x64xf32, #tpu.memory_space<hbm>>) target_semaphore(%run_scoped3A : memref<!tpu.dma_semaphore, #tpu.memory_space<semaphore_mem>>)
      %dma_wait3A = arith.constant 0 : i32
      %dma_wait3A_13 = tpu.memref_slice %arg9[%arg0, %mul3A_0, %dma_wait3A] : memref<2x10112x64xf32, #tpu.memory_space<hbm>> -> memref<1x632x64xf32, #tpu.memory_space<hbm>>
      %dma_wait3A_14 = tpu.memref_squeeze %dma_wait3A_13 : memref<1x632x64xf32, #tpu.memory_space<hbm>> -> memref<632x64xf32, #tpu.memory_space<hbm>>
      %dma_wait3A_15 = arith.constant 0 : i32
      %dma_wait3A_16 = tpu.memref_slice %arg17[%mul3A_0, %dma_wait3A_15] : memref<10112x64xf32, #tpu.memory_space<vmem_shared>> -> memref<632x64xf32, #tpu.memory_space<vmem_shared>>
      tpu.wait_dma2 semaphore(%run_scoped3A : memref<!tpu.dma_semaphore, #tpu.memory_space<semaphore_mem>>) src(%dma_wait3A_16 : memref<632x64xf32, #tpu.memory_space<vmem_shared>>) dst(%dma_wait3A_14 : memref<632x64xf32, #tpu.memory_space<hbm>>)
      tpu.yield
    }) : () -> ()
    return
  }
}

module attributes {stable_mosaic.version = 14 : i64} {
  func.func @_tc_layer1_body(%arg0: memref<10000x64xf32, #tpu.memory_space<vmem>>, %arg1: memref<10000x64xf32, #tpu.memory_space<vmem>>, %arg2: memref<10000x1xf32, #tpu.memory_space<vmem>>, %arg3: memref<10000x128xf32, #tpu.memory_space<vmem>>, %arg4: memref<128x128xf32, #tpu.memory_space<vmem>>, %arg5: memref<128xf32, #tpu.memory_space<vmem>>, %arg6: memref<128x128xf32, #tpu.memory_space<vmem>>, %arg7: memref<128xf32, #tpu.memory_space<vmem>>, %arg8: memref<128xf32, #tpu.memory_space<vmem>>, %arg9: memref<10000x128xf32, #tpu.memory_space<vmem>>) attributes {dimension_semantics = [], scalar_prefetch = 0 : i64, scratch_operands = 0 : i64, tpu.core_type = #tpu.core_type<tc>} {
    %get3A = arith.constant 0 : index
    %get3A_0 = arith.constant 0 : index
    %get3A_1 = vector.load %arg0[%get3A, %get3A_0] : memref<10000x64xf32, #tpu.memory_space<vmem>>, vector<10000x64xf32>
    %get3A_2 = arith.constant 0 : index
    %get3A_3 = arith.constant 0 : index
    %get3A_4 = vector.load %arg1[%get3A_2, %get3A_3] : memref<10000x64xf32, #tpu.memory_space<vmem>>, vector<10000x64xf32>
    %get3A_5 = arith.constant 0 : index
    %get3A_6 = arith.constant 0 : index
    %get3A_7 = vector.load %arg2[%get3A_5, %get3A_6] : memref<10000x1xf32, #tpu.memory_space<vmem>>, vector<10000x1xf32>
    %get3A_8 = arith.constant 0 : index
    %get3A_9 = arith.constant 0 : index
    %get3A_10 = vector.load %arg3[%get3A_8, %get3A_9] : memref<10000x128xf32, #tpu.memory_space<vmem>>, vector<10000x128xf32>
    %get3A_11 = arith.constant 0 : index
    %get3A_12 = arith.constant 0 : index
    %get3A_13 = vector.load %arg4[%get3A_11, %get3A_12] : memref<128x128xf32, #tpu.memory_space<vmem>>, vector<128x128xf32>
    %get3A_14 = arith.constant 0 : index
    %get3A_15 = vector.load %arg5[%get3A_14] : memref<128xf32, #tpu.memory_space<vmem>>, vector<128xf32>
    %get3A_16 = arith.constant 0 : index
    %get3A_17 = arith.constant 0 : index
    %get3A_18 = vector.load %arg6[%get3A_16, %get3A_17] : memref<128x128xf32, #tpu.memory_space<vmem>>, vector<128x128xf32>
    %get3A_19 = arith.constant 0 : index
    %get3A_20 = vector.load %arg7[%get3A_19] : memref<128xf32, #tpu.memory_space<vmem>>, vector<128xf32>
    %get3A_21 = arith.constant 0 : index
    %get3A_22 = vector.load %arg8[%get3A_21] : memref<128xf32, #tpu.memory_space<vmem>>, vector<128xf32>
    %concatenate3A = tpu.concatenate %get3A_1, %get3A_4 in 1 : vector<10000x64xf32>, vector<10000x64xf32> -> vector<10000x128xf32>
    %max3A = arith.constant 1.000000e+00 : f32
    %max3A_23 = vector.broadcast %max3A : f32 to vector<10000x1xf32>
    %max3A_24 = arith.maximumf %get3A_7, %max3A_23 : vector<10000x1xf32>
    %div3A = vector.broadcast %max3A_24 : vector<10000x1xf32> to vector<10000x128xf32>
    %div3A_25 = arith.divf %concatenate3A, %div3A : vector<10000x128xf32>
    %dot_general3A = arith.constant dense<0.000000e+00> : vector<10000x128xf32>
    %dot_general3A_26 = tpu.matmul %div3A_25, %get3A_13, %dot_general3A {dimension_numbers = #tpu.dot_dimension_numbers<[1], [1], [0], [0], [0, 0, 1, 0], [], []>, transpose_lhs_hint = false} : vector<10000x128xf32>, vector<128x128xf32>, vector<10000x128xf32> -> vector<10000x128xf32>
    %dot_general3A_27 = arith.constant dense<0.000000e+00> : vector<10000x128xf32>
    %dot_general3A_28 = tpu.matmul %get3A_10, %get3A_18, %dot_general3A_27 {dimension_numbers = #tpu.dot_dimension_numbers<[1], [1], [0], [0], [0, 0, 1, 0], [], []>, transpose_lhs_hint = false} : vector<10000x128xf32>, vector<128x128xf32>, vector<10000x128xf32> -> vector<10000x128xf32>
    %add3A = arith.addf %dot_general3A_26, %dot_general3A_28 : vector<10000x128xf32>
    %broadcast_in_dim3A = vector.shape_cast %get3A_15 : vector<128xf32> to vector<1x128xf32>
    %add3A_29 = vector.broadcast %broadcast_in_dim3A : vector<1x128xf32> to vector<10000x128xf32>
    %add3A_30 = arith.addf %add3A, %add3A_29 : vector<10000x128xf32>
    %reduce_sum3A = arith.constant dense<0.000000e+00> : vector<128xf32>
    %reduce_sum3A_31 = vector.multi_reduction <add>, %add3A_30, %reduce_sum3A [0] : vector<10000x128xf32> to vector<128xf32>
    %broadcast_in_dim3A_32 = vector.shape_cast %reduce_sum3A_31 : vector<128xf32> to vector<1x128xf32>
    %div3A_33 = arith.constant 1.000000e+04 : f32
    %div3A_34 = vector.broadcast %div3A_33 : f32 to vector<1x128xf32>
    %div3A_35 = arith.divf %broadcast_in_dim3A_32, %div3A_34 : vector<1x128xf32>
    %sub3A = vector.broadcast %div3A_35 : vector<1x128xf32> to vector<10000x128xf32>
    %sub3A_36 = arith.subf %add3A_30, %sub3A : vector<10000x128xf32>
    %integer_pow3A = arith.mulf %sub3A_36, %sub3A_36 : vector<10000x128xf32>
    %reduce_sum3A_37 = arith.constant dense<0.000000e+00> : vector<128xf32>
    %reduce_sum3A_38 = vector.multi_reduction <add>, %integer_pow3A, %reduce_sum3A_37 [0] : vector<10000x128xf32> to vector<128xf32>
    %broadcast_in_dim3A_39 = vector.shape_cast %reduce_sum3A_38 : vector<128xf32> to vector<1x128xf32>
    %div3A_40 = arith.constant 1.000000e+04 : f32
    %div3A_41 = vector.broadcast %div3A_40 : f32 to vector<1x128xf32>
    %div3A_42 = arith.divf %broadcast_in_dim3A_39, %div3A_41 : vector<1x128xf32>
    %sub3A_43 = vector.broadcast %div3A_35 : vector<1x128xf32> to vector<10000x128xf32>
    %sub3A_44 = arith.subf %add3A_30, %sub3A_43 : vector<10000x128xf32>
    %add3A_45 = arith.constant 9.99999974E-6 : f32
    %add3A_46 = vector.broadcast %add3A_45 : f32 to vector<1x128xf32>
    %add3A_47 = arith.addf %div3A_42, %add3A_46 : vector<1x128xf32>
    %rsqrt3A = math.rsqrt %add3A_47 : vector<1x128xf32>
    %mul3A = vector.broadcast %rsqrt3A : vector<1x128xf32> to vector<10000x128xf32>
    %mul3A_48 = arith.mulf %sub3A_44, %mul3A : vector<10000x128xf32>
    %broadcast_in_dim3A_49 = vector.shape_cast %get3A_20 : vector<128xf32> to vector<1x128xf32>
    %mul3A_50 = vector.broadcast %broadcast_in_dim3A_49 : vector<1x128xf32> to vector<10000x128xf32>
    %mul3A_51 = arith.mulf %mul3A_50, %mul3A_48 : vector<10000x128xf32>
    %broadcast_in_dim3A_52 = vector.shape_cast %get3A_22 : vector<128xf32> to vector<1x128xf32>
    %add3A_53 = vector.broadcast %broadcast_in_dim3A_52 : vector<1x128xf32> to vector<10000x128xf32>
    %add3A_54 = arith.addf %mul3A_51, %add3A_53 : vector<10000x128xf32>
    %max3A_55 = arith.constant 0.000000e+00 : f32
    %max3A_56 = vector.broadcast %max3A_55 : f32 to vector<10000x128xf32>
    %max3A_57 = arith.maximumf %add3A_54, %max3A_56 : vector<10000x128xf32>
    %swap3A = arith.constant 0 : index
    %swap3A_58 = arith.constant 0 : index
    %swap3A_59 = vector.load %arg9[%swap3A, %swap3A_58] : memref<10000x128xf32, #tpu.memory_space<vmem>>, vector<10000x128xf32>
    tpu.vector_store %arg9[%swap3A, %swap3A_58], %max3A_57 {strides = array<i32>} : memref<10000x128xf32, #tpu.memory_space<vmem>>, vector<10000x128xf32>,
    return
  }
}

module attributes {stable_mosaic.version = 14 : i64} {
  func.func @_tc_layer2_body(%arg0: memref<10000x64xf32, #tpu.memory_space<vmem>>, %arg1: memref<10000x64xf32, #tpu.memory_space<vmem>>, %arg2: memref<10000x1xf32, #tpu.memory_space<vmem>>, %arg3: memref<10000x128xf32, #tpu.memory_space<vmem>>, %arg4: memref<128x128xf32, #tpu.memory_space<vmem>>, %arg5: memref<128xf32, #tpu.memory_space<vmem>>, %arg6: memref<128x128xf32, #tpu.memory_space<vmem>>, %arg7: memref<128xf32, #tpu.memory_space<vmem>>, %arg8: memref<128xf32, #tpu.memory_space<vmem>>, %arg9: memref<10000x1xi32, #tpu.memory_space<vmem>>, %arg10: memref<64x128xf32, #tpu.memory_space<vmem>>) attributes {dimension_semantics = [], scalar_prefetch = 0 : i64, scratch_operands = 0 : i64, tpu.core_type = #tpu.core_type<tc>} {
    %get3A = arith.constant 0 : index
    %get3A_0 = arith.constant 0 : index
    %get3A_1 = vector.load %arg0[%get3A, %get3A_0] : memref<10000x64xf32, #tpu.memory_space<vmem>>, vector<10000x64xf32>
    %get3A_2 = arith.constant 0 : index
    %get3A_3 = arith.constant 0 : index
    %get3A_4 = vector.load %arg1[%get3A_2, %get3A_3] : memref<10000x64xf32, #tpu.memory_space<vmem>>, vector<10000x64xf32>
    %get3A_5 = arith.constant 0 : index
    %get3A_6 = arith.constant 0 : index
    %get3A_7 = vector.load %arg2[%get3A_5, %get3A_6] : memref<10000x1xf32, #tpu.memory_space<vmem>>, vector<10000x1xf32>
    %get3A_8 = arith.constant 0 : index
    %get3A_9 = arith.constant 0 : index
    %get3A_10 = vector.load %arg3[%get3A_8, %get3A_9] : memref<10000x128xf32, #tpu.memory_space<vmem>>, vector<10000x128xf32>
    %get3A_11 = arith.constant 0 : index
    %get3A_12 = arith.constant 0 : index
    %get3A_13 = vector.load %arg4[%get3A_11, %get3A_12] : memref<128x128xf32, #tpu.memory_space<vmem>>, vector<128x128xf32>
    %get3A_14 = arith.constant 0 : index
    %get3A_15 = vector.load %arg5[%get3A_14] : memref<128xf32, #tpu.memory_space<vmem>>, vector<128xf32>
    %get3A_16 = arith.constant 0 : index
    %get3A_17 = arith.constant 0 : index
    %get3A_18 = vector.load %arg6[%get3A_16, %get3A_17] : memref<128x128xf32, #tpu.memory_space<vmem>>, vector<128x128xf32>
    %get3A_19 = arith.constant 0 : index
    %get3A_20 = vector.load %arg7[%get3A_19] : memref<128xf32, #tpu.memory_space<vmem>>, vector<128xf32>
    %get3A_21 = arith.constant 0 : index
    %get3A_22 = vector.load %arg8[%get3A_21] : memref<128xf32, #tpu.memory_space<vmem>>, vector<128xf32>
    %concatenate3A = tpu.concatenate %get3A_1, %get3A_4 in 1 : vector<10000x64xf32>, vector<10000x64xf32> -> vector<10000x128xf32>
    %max3A = arith.constant 1.000000e+00 : f32
    %max3A_23 = vector.broadcast %max3A : f32 to vector<10000x1xf32>
    %max3A_24 = arith.maximumf %get3A_7, %max3A_23 : vector<10000x1xf32>
    %div3A = vector.broadcast %max3A_24 : vector<10000x1xf32> to vector<10000x128xf32>
    %div3A_25 = arith.divf %concatenate3A, %div3A : vector<10000x128xf32>
    %dot_general3A = arith.constant dense<0.000000e+00> : vector<10000x128xf32>
    %dot_general3A_26 = tpu.matmul %div3A_25, %get3A_13, %dot_general3A {dimension_numbers = #tpu.dot_dimension_numbers<[1], [1], [0], [0], [0, 0, 1, 0], [], []>, transpose_lhs_hint = false} : vector<10000x128xf32>, vector<128x128xf32>, vector<10000x128xf32> -> vector<10000x128xf32>
    %dot_general3A_27 = arith.constant dense<0.000000e+00> : vector<10000x128xf32>
    %dot_general3A_28 = tpu.matmul %get3A_10, %get3A_18, %dot_general3A_27 {dimension_numbers = #tpu.dot_dimension_numbers<[1], [1], [0], [0], [0, 0, 1, 0], [], []>, transpose_lhs_hint = false} : vector<10000x128xf32>, vector<128x128xf32>, vector<10000x128xf32> -> vector<10000x128xf32>
    %add3A = arith.addf %dot_general3A_26, %dot_general3A_28 : vector<10000x128xf32>
    %broadcast_in_dim3A = vector.shape_cast %get3A_15 : vector<128xf32> to vector<1x128xf32>
    %add3A_29 = vector.broadcast %broadcast_in_dim3A : vector<1x128xf32> to vector<10000x128xf32>
    %add3A_30 = arith.addf %add3A, %add3A_29 : vector<10000x128xf32>
    %reduce_sum3A = arith.constant dense<0.000000e+00> : vector<128xf32>
    %reduce_sum3A_31 = vector.multi_reduction <add>, %add3A_30, %reduce_sum3A [0] : vector<10000x128xf32> to vector<128xf32>
    %broadcast_in_dim3A_32 = vector.shape_cast %reduce_sum3A_31 : vector<128xf32> to vector<1x128xf32>
    %div3A_33 = arith.constant 1.000000e+04 : f32
    %div3A_34 = vector.broadcast %div3A_33 : f32 to vector<1x128xf32>
    %div3A_35 = arith.divf %broadcast_in_dim3A_32, %div3A_34 : vector<1x128xf32>
    %sub3A = vector.broadcast %div3A_35 : vector<1x128xf32> to vector<10000x128xf32>
    %sub3A_36 = arith.subf %add3A_30, %sub3A : vector<10000x128xf32>
    %integer_pow3A = arith.mulf %sub3A_36, %sub3A_36 : vector<10000x128xf32>
    %reduce_sum3A_37 = arith.constant dense<0.000000e+00> : vector<128xf32>
    %reduce_sum3A_38 = vector.multi_reduction <add>, %integer_pow3A, %reduce_sum3A_37 [0] : vector<10000x128xf32> to vector<128xf32>
    %broadcast_in_dim3A_39 = vector.shape_cast %reduce_sum3A_38 : vector<128xf32> to vector<1x128xf32>
    %div3A_40 = arith.constant 1.000000e+04 : f32
    %div3A_41 = vector.broadcast %div3A_40 : f32 to vector<1x128xf32>
    %div3A_42 = arith.divf %broadcast_in_dim3A_39, %div3A_41 : vector<1x128xf32>
    %sub3A_43 = vector.broadcast %div3A_35 : vector<1x128xf32> to vector<10000x128xf32>
    %sub3A_44 = arith.subf %add3A_30, %sub3A_43 : vector<10000x128xf32>
    %add3A_45 = arith.constant 9.99999974E-6 : f32
    %add3A_46 = vector.broadcast %add3A_45 : f32 to vector<1x128xf32>
    %add3A_47 = arith.addf %div3A_42, %add3A_46 : vector<1x128xf32>
    %rsqrt3A = math.rsqrt %add3A_47 : vector<1x128xf32>
    %mul3A = vector.broadcast %rsqrt3A : vector<1x128xf32> to vector<10000x128xf32>
    %mul3A_48 = arith.mulf %sub3A_44, %mul3A : vector<10000x128xf32>
    %broadcast_in_dim3A_49 = vector.shape_cast %get3A_20 : vector<128xf32> to vector<1x128xf32>
    %mul3A_50 = vector.broadcast %broadcast_in_dim3A_49 : vector<1x128xf32> to vector<10000x128xf32>
    %mul3A_51 = arith.mulf %mul3A_50, %mul3A_48 : vector<10000x128xf32>
    %broadcast_in_dim3A_52 = vector.shape_cast %get3A_22 : vector<128xf32> to vector<1x128xf32>
    %add3A_53 = vector.broadcast %broadcast_in_dim3A_52 : vector<1x128xf32> to vector<10000x128xf32>
    %add3A_54 = arith.addf %mul3A_51, %add3A_53 : vector<10000x128xf32>
    %max3A_55 = arith.constant 0.000000e+00 : f32
    %max3A_56 = vector.broadcast %max3A_55 : f32 to vector<10000x128xf32>
    %max3A_57 = arith.maximumf %add3A_54, %max3A_56 : vector<10000x128xf32>
    %get3A_58 = arith.constant 0 : index
    %get3A_59 = arith.constant 0 : index
    %get3A_60 = vector.load %arg3[%get3A_58, %get3A_59] : memref<10000x128xf32, #tpu.memory_space<vmem>>, vector<10000x128xf32>
    %add3A_61 = arith.addf %get3A_60, %max3A_57 : vector<10000x128xf32>
    %iota3A = tpu.iota {dimensions = array<i32: 1>} : vector<10000x64xi32>
    %get3A_62 = arith.constant 0 : index
    %get3A_63 = arith.constant 0 : index
    %get3A_64 = vector.load %arg9[%get3A_62, %get3A_63] : memref<10000x1xi32, #tpu.memory_space<vmem>>, vector<10000x1xi32>
    %eq3A = vector.broadcast %get3A_64 : vector<10000x1xi32> to vector<10000x64xi32>
    %eq3A_65 = arith.cmpi eq, %eq3A, %iota3A : vector<10000x64xi32>
    %convert_element_type3A = arith.extui %eq3A_65 : vector<10000x64xi1> to vector<10000x64xi32>
    %convert_element_type3A_66 = arith.sitofp %convert_element_type3A : vector<10000x64xi32> to vector<10000x64xf32>
    %dot_general3A_67 = arith.constant dense<0.000000e+00> : vector<64x128xf32>
    %dot_general3A_68 = tpu.matmul %convert_element_type3A_66, %add3A_61, %dot_general3A_67 {dimension_numbers = #tpu.dot_dimension_numbers<[0], [0], [1], [1], [0, 1, 1, 1], [], []>, transpose_lhs_hint = false} : vector<10000x64xf32>, vector<10000x128xf32>, vector<64x128xf32> -> vector<64x128xf32>
    %reduce_sum3A_69 = arith.constant dense<0.000000e+00> : vector<64xf32>
    %reduce_sum3A_70 = vector.multi_reduction <add>, %convert_element_type3A_66, %reduce_sum3A_69 [0] : vector<10000x64xf32> to vector<64xf32>
    %broadcast_in_dim3A_71 = vector.shape_cast %reduce_sum3A_70 : vector<64xf32> to vector<64x1xf32>
    %max3A_72 = arith.constant 1.000000e+00 : f32
    %max3A_73 = vector.broadcast %max3A_72 : f32 to vector<64x1xf32>
    %max3A_74 = arith.maximumf %broadcast_in_dim3A_71, %max3A_73 : vector<64x1xf32>
    %div3A_75 = vector.broadcast %max3A_74 : vector<64x1xf32> to vector<64x128xf32>
    %div3A_76 = arith.divf %dot_general3A_68, %div3A_75 : vector<64x128xf32>
    %swap3A = arith.constant 0 : index
    %swap3A_77 = arith.constant 0 : index
    %swap3A_78 = vector.load %arg10[%swap3A, %swap3A_77] : memref<64x128xf32, #tpu.memory_space<vmem>>, vector<64x128xf32>
    tpu.vector_store %arg10[%swap3A, %swap3A_77], %div3A_76 {strides = array<i32>} : memref<64x128xf32, #tpu.memory_space<vmem>>, vector<64x128xf32>,
    return
  }
}

</mosaic_0001>

<sc_bundles>
// kernel: kernel.6.cloned.1.call-start
scs
__scs_entry_jumppad:
0x0: {  	(pc) =	sbr.rel $0x88, $3  }
0x1: {  	(tag) =	ssettag $0x0;
	lr =	simm.s32 $0x1  }
0x2: {  	[smem:$0x3F94] =	sst lr;
	_ =	strace $0xD0000000  }
0x3: {  	_ = 	snop  }
0x4: {  	_ = 	snop  }
0x5: {  	_ = 	snop  }
0x6: {  	_ = 	snop  }
0x7: {  	_ = 	snop  }
__scs_overlays_trampoline_lowered:
0x8: {  	[smem:$0x3FA3] =	sst s0  }
0x9: {  	[smem:$0x3FA4] =	sst s1  }
0xa: {  	[smem:$0x3FA5] =	sst s2  }
0xb: {  	[smem:$0x3FA6] =	sst s3  }
0xc: {  	[smem:$0x3FA7] =	sst s4  }
0xd: {  	[smem:$0x3FA8] =	sst s5  }
0xe: {  	[smem:$0x3FA9] =	sst s6  }
0xf: {  	[smem:$0x3FAA] =	sst s7  }
0x10: {  	[smem:$0x3FAB] =	sst s8  }
0x11: {  	[smem:$0x3FAC] =	sst s9;
	s0 =	simm.s32 @!p0 $0x0  }
0x12: {  	s1 =	sld [smem:$0x3F92];
	s0 =	simm.s32 @p0 $0x1  }
0x13: {  	[smem:$0x3FAD] =	sst s0;
	s0 =	simm.s32 @!p1 $0x0  }
0x14: {  	s2 =	sld [smem:$0x3F91];
	s0 =	simm.s32 @p1 $0x1  }
0x15: {  	[smem:$0x3FAE] =	sst s0;
	s0 =	simm.s32 @!p2 $0x0  }
0x16: {  	s3 =	sld [smem:$0x3FDB];
	s0 =	simm.s32 @p2 $0x1  }
0x17: {  	s4 =	simm.s32 $0x1BF5;
	[smem:$0x3FB0] =	sst s0  }
0x18: {  	s0 =	sld [smem:$0x3F93];
	_ =	swait.ge [sflag:s4], $0x0  }
0x19: {  	s7 =	sld [smem:$0x3F94]  }
0x1a: {  	s8 =	sadd.s32 $0xFFFFE003, lr  }
0x1b: {  	s9 =	sadd.s32 $0xFFFFFEF7, lr;
	s5 =	simm.s32 $0xFFFFFFFF;
	p2 =	slt.u32 s8, $0xFFFFF086  }
0x1c: {  	p1 =	slt.u32 s9, $0xF7A;
	s5 =	simm.s32 @!p2 $0x0  }
0x1d: {  	s5 =	simm.s32 @p1 $0x1;
	p0 =	seq.s32 s7, s2  }
0x1e: {  	s7 =	smul.u32 @!p0 $0xF7A, s2;
	p2 =	seq.s32 @!p0 s5, $0x0  }
0x1f: {  	s9 =	smul.u32 $0xF7A, s1;
	s8 =	simm.s32 @!p0 $0x1BF5;
	p2 =	por !p2, p0  }
0x20: {  	[sflag:s8] =	ssyncset.s32 @!p0 $0xFFFFF086;
	s6 =	sadd.s32 @!p0 s3, s7;
	s7 =	simm.s32 @!p0 $0x108  }
0x21: {  	s3 =	sadd.s32 s3, s9;
	s6 =	sadd.s32 @!p0 $0x88, s6;
	s7 =	simm.s32 @p2 $0x1082  }
0x22: {  	[simem:s7], [sflag:s8] =	dma.local @!p0 [hbm:s6], $0xF7A  }
0x23: {  	s9 =	sor.u32 $0xD0000000, s2;
	s6 =	simm.s32 $0x108;
	_ =	swait.ge @!p0 [sflag:s8], $0x0  }
0x24: {  	s3 =	sadd.s32 $0x88, s3;
	s6 =	simm.s32 @!p1 $0x1082;
	[sflag:s4] =	ssyncset.s32 $0xFFFFF086  }
0x25: {  	[simem:s6], [sflag:s4] =	dma.local [hbm:s3], $0xF7A  }
0x26: {  	[smem:$0x3F94] =	sst s1;
	(tag) =	ssettag s2;
	_ =	strace s9  }
0x27: {  	s1 =	sld [smem:$0x3FA4]  }
0x28: {  	s2 =	sld [smem:$0x3FA5]  }
0x29: {  	s4 =	sld [smem:$0x3FA7]  }
0x2a: {  	p0 =	seq.s32 s5, $0x0;
	s5 =	sld [smem:$0x3FA8]  }
0x2b: {  	s6 =	sld [smem:$0x3FA9]  }
0x2c: {  	s7 =	sld [smem:$0x3FAA]  }
0x2d: {  	s3 =	simm.s32 $0x108;
	s8 =	sld [smem:$0x3FAB]  }
0x2e: {  	s3 =	simm.s32 @!p0 $0x1082;
	s9 =	sld [smem:$0x3FAC]  }
0x2f: {  	lr =	sadd.s32 s0, s3;
	s0 =	sld [smem:$0x3FA3]  }
0x30: {  	s3 =	sld [smem:$0x3FA6]  }
0x31: {  	[smem:$0x3FAF] =	sst s10  }
0x32: {  	s10 =	sld [smem:$0x3FAD];
	_ =	sdelay $0x3  }
0x33: {  	p0 =	seq.s32 s10, $0x1;
	s10 =	sld [smem:$0x3FAF];
	_ =	sdelay $0x3  }
0x34: {  	[smem:$0x3FAF] =	sst s10  }
0x35: {  	s10 =	sld [smem:$0x3FAE];
	_ =	sdelay $0x3  }
0x36: {  	p1 =	seq.s32 s10, $0x1;
	s10 =	sld [smem:$0x3FAF];
	_ =	sdelay $0x3  }
0x37: {  	[smem:$0x3FAF] =	sst s10  }
0x38: {  	s10 =	sld [smem:$0x3FB0]  }
0x39: {  	_ = 	snop;
	(pc) =	sbr.ind lr, $3  }
0x3a: {  	_ = 	snop  }
0x3b: {  	_ = 	snop  }
0x3c: {  	p2 =	seq.s32 s10, $0x1;
	s10 =	sld [smem:$0x3FAF]  }
0x3d: {  	_ =	shalt  }
0x3e: {  	_ =	shalt  }
0x3f: {  	_ =	shalt  }
0x40: {  	_ =	shalt  }
0x41: {  	_ =	shalt  }
0x42: {  	_ =	shalt  }
0x43: {  	_ =	shalt  }
0x44: {  	_ =	shalt  }
0x45: {  	_ =	shalt  }
0x46: {  	_ =	shalt  }
0x47: {  	_ =	shalt  }
0x48: {  	_ =	shalt  }
0x49: {  	_ =	shalt  }
0x4a: {  	_ =	shalt  }
0x4b: {  	_ =	shalt  }
0x4c: {  	_ =	shalt  }
0x4d: {  	_ =	shalt  }
0x4e: {  	_ =	shalt  }
0x4f: {  	_ =	shalt  }
0x50: {  	_ =	shalt  }
0x51: {  	_ =	shalt  }
0x52: {  	_ =	shalt  }
0x53: {  	_ =	shalt  }
0x54: {  	_ =	shalt  }
0x55: {  	_ =	shalt  }
0x56: {  	_ =	shalt  }
0x57: {  	_ =	shalt  }
0x58: {  	_ =	shalt  }
0x59: {  	_ =	shalt  }
0x5a: {  	_ =	shalt  }
0x5b: {  	_ =	shalt  }
0x5c: {  	_ =	shalt  }
0x5d: {  	_ =	shalt  }
0x5e: {  	_ =	shalt  }
0x5f: {  	_ =	shalt  }
0x60: {  	_ =	shalt  }
0x61: {  	_ =	shalt  }
0x62: {  	_ =	shalt  }
0x63: {  	_ =	shalt  }
0x64: {  	_ =	shalt  }
0x65: {  	_ =	shalt  }
0x66: {  	_ =	shalt  }
0x67: {  	_ =	shalt  }
0x68: {  	_ =	shalt  }
0x69: {  	_ =	shalt  }
0x6a: {  	_ =	shalt  }
0x6b: {  	_ =	shalt  }
0x6c: {  	_ =	shalt  }
0x6d: {  	_ =	shalt  }
0x6e: {  	_ =	shalt  }
0x6f: {  	_ =	shalt  }
0x70: {  	_ =	shalt  }
0x71: {  	_ =	shalt  }
0x72: {  	_ =	shalt  }
0x73: {  	_ =	shalt  }
0x74: {  	_ =	shalt  }
0x75: {  	_ =	shalt  }
0x76: {  	_ =	shalt  }
0x77: {  	_ =	shalt  }
0x78: {  	_ =	shalt  }
0x79: {  	_ =	shalt  }
0x7a: {  	_ =	shalt  }
0x7b: {  	_ =	shalt  }
0x7c: {  	_ =	shalt  }
0x7d: {  	_ =	shalt  }
0x7e: {  	_ =	shalt  }
0x7f: {  	_ =	shalt  }
0x80: {  	_ =	shalt  }
0x81: {  	_ =	shalt  }
0x82: {  	_ =	shalt  }
0x83: {  	_ =	shalt  }
0x84: {  	_ =	shalt  }
0x85: {  	_ =	shalt  }
0x86: {  	_ =	shalt  }
0x87: {  	_ =	shalt  }
.Lfunc_end0:
.L_simem_size_0:
called_computation_lowered:
.L_overlay_start_0:
0x88: {  	s2 =	sld [smem:$0x3FD9]  }
0x89: {  	s3 =	sld [smem:$0x3FFE];
	_ =	sdelay $0x1  }
0x8a: {  	s1 =	srdreg.scid  }
0x8b: {  	s0 =	sand.u32 $0x1, s1  }
0x8c: {  	s17 =	sshll.u32 s0, $0xA;
	s2 =	sadd.s32 s3, s2  }
0x8d: {  	s2 =	sadd.s32 s2, s17  }
0x8e: {  	[smem:$0x3FBB] =	sst s2  }
0x8f: {  	_ = 	snop  }
0x90: {  	s2 =	sld [smem:$0x3FD0];
	(tm) =	ssettm $0x1  }
0x91: {  	s18 =	sld [smem:$0x3FFB];
	_ =	sdelay $0x3  }
0x92: {  	_ =	strace s18  }
0x93: {  	s3 =	sld [smem:$0x3FFC];
	_ =	sdelay $0x3  }
0x94: {  	_ =	strace s3  }
0x95: {  	s3 =	sld [smem:$0x3FFD];
	_ =	sdelay $0x3  }
0x96: {  	_ =	strace s3  }
0x97: {  	_ =	strace $0x8FFFFFFF  }
0x98: {  	s19 =	sld [smem:$0x3FDB];
	_ =	sdelay $0x1  }
0x99: {  	s4 =	simm.s32 $_scs_section_size  }
0x9a: {  	s5 =	simm.s32 $_size__tile_overlayer_lowered;
	s6 =	simm.s32 $_tile_overlayer_lowered  }
0x9b: {  	s22 =	simm.s32 $0x1BFF;
	s21 =	sshll.u32 s6, $0x1;
	s3 =	sadd.s32 s4, s19  }
0x9c: {  	s7 =	simm.s32 $0x0;
	s20 =	sshll.u32 s5, $0x1;
	s5 =	sadd.s32 s21, s3  }
0x9d: {  	[timem:s7], [sflag:s22] =	dma.local [hbm:s5], s20  }
0x9e: {  	_ =	swait.ge [sflag:s22], s20  }
0x9f: {  	s4 =	ssub.s32 $0x0, s20;
	[sflag:s22] =	ssyncset.done $0x0  }
0xa0: {  	[sflag:s22] =	ssyncadd.s32 s4;
	_ =	sdelay $0x1  }
0xa1: {  	s23 =	simm.s32 $0x1B8B  }
0xa2: {  	_ =	swait.ge [sflag:s23], $0x1  }
0xa3: {  	[sflag:s23] =	ssyncset.done $0x0  }
0xa4: {  	s25 =	simm.s32 $0x1B8E;
	s24 =	sld [smem:$0x3FFE];
	[sflag:s23] =	ssyncadd.s32 $0xFFFFFFFF  }
0xa5: {  	s26 =	simm.s32 $execute0_lowered;
	[smem:$0x3FD2] =	sst s25  }
0xa6: {  	s5 =	sshll.u32 s26, $0x1;
	_ =	strace $0x80000046;
	[dreg:$0x1] =	wrdreg $0xFFFFFFFF  }
0xa7: {  	s28 =	simm.s32 $_size_execute0_lowered;
	s3 =	sadd.s32 s3, s5;
	[dreg:$0x0] =	wrdreg $0x0  }
0xa8: {  	s5 =	sshll.u32 s28, $0x1;
	[dreg:$0x2] =	wrdreg s3  }
0xa9: {  	[dreg:$0x3] =	wrdreg s5  }
0xaa: {  	[dreg:$0x4] =	wrdreg $0xC0  }
0xab: {  	_ =	task [dreg:s7], $0x5FFFF  }
0xac: {  	[dreg:$0x1] =	wrdreg $0xFFFFFFFF  }
0xad: {  	[dreg:$0x0] =	wrdreg $0x60  }
0xae: {  	[dreg:$0x2] =	wrdreg s24  }
0xaf: {  	[dreg:$0x3] =	wrdreg s2  }
0xb0: {  	[dreg:$0x4] =	wrdreg $0x124000  }
0xb1: {  	[dreg:$0x5] =	wrdreg $0x1C2000  }
0xb2: {  	[dreg:$0x6] =	wrdreg $0x9  }
0xb3: {  	_ =	task.clear_ibuf [dreg:s7], $0x7FFFF;
	_ =	strace $0x90000046  }
0xb4: {  	s29 =	simm.s32 $0x9;
	_ =	strace $0x80000048  }
0xb5: {  	_ =	swait.ge [sflag:s29], $0x1  }
0xb6: {  	[sflag:s29] =	ssyncadd.s32 $0xFFFFFFFF  }
0xb7: {  	_ =	strace $0x90000048  }
0xb8: {  	_ =	sfence  }
0xb9: {  	s30 =	sld [smem:$0x0];
	_ =	sdelay $0x2  }
0xba: {  	s31 =	sshll.u32 s1, $0xD;
	s1 =	sshrl.u32 s1, $0x2  }
0xbb: {  	s3 =	sand.u32 $0x4000, s31;
	s1 =	sadd.s32 s1, s30  }
0xbc: {  	s0 =	sor.u32 s3, s0;
	s1 =	sshll.u32 s1, $0x11  }
0xbd: {  	s0 =	sor.u32 s1, s0  }
0xbe: {  	s0 =	sadd.s32 $0x8F2B, s0  }
0xbf: {  	[sflag:s0] =	ssyncadd.remote.s32 $0x1  }
0xc0: {  	_ =	sfence.sel $0xFFFF  }
0xc1: {  	[dreg:$0x0] =	wrdreg $0xFFFFFFFF;
	(pc) =	sbr.abs _section_cstart, $3  }
0xc2: {  	[dreg:$0x1] =	wrdreg $0xFFFFFFFF  }
0xc3: {  	_ =	task.clear_ibuf [dreg:s7], $0x2FFFF;
	_ =	strace $0x9FFFFFFF  }
0xc4: {  	(tm) =	ssettm $0x7FFFFFFF  }
0xc5: {  	_ =	shalt  }
tec
execute0_lowered:
.L_overlay_start_1:
0x0: {  	(tag) =	ssettag $0x1  }
0x1: {  	s0 =	rddreg [dreg:$0x0]  }
0x2: {  	s3 =	rddreg [dreg:$0x2]  }
0x3: {  	s4 =	rddreg [dreg:$0x3];
	s5 =	simm.s32 $0x0  }
0x4: {  	s18 =	stileid.u32;
	s10 =	srdreg.scid;
	s20 =	simm.s32 $0x12000  }
0x5: {  	s29 =	simm.s32 $0x10000;
	s30 =	simm.s32 $0x1;
	s31 =	simm.s32 $0x2  }
0x6: {  	s8 =	simm.s32 $0x9F80;
	[smem:$0x7FF] =	sst s5;
	s1 =	smul.u32 $0xA00, s18  }
0x7: {  	s6 =	sadd.s32 $0x16000, s0;
	s7 =	sadd.s32 $0x2600, s0;
	s2 =	sadd.s32 $0x3DA00, s0  }
0x8: {  	s21 =	smul.u32 $0x13C0, s18;
	s9 =	sadd.s32 $0x3EE00, s0;
	s13 =	sadd.s32 $0x3F000, s0  }
0x9: {  	s14 =	sand.u32 $0x1, s10;
	s12 =	smul.u32 $0x9E00, s18;
	s24 =	sshll.u32 s18, $0x6  }
0xa: {  	s18 =	simm.s32 $0x5;
	_ =	strace $0x80000047;
	[dreg:$0x8] =	wrdreg s2  }
0xb: {  	s11 =	ssub.s32 $0x2, s14;
	s15 =	smul.u32 $0x9E000, s14;
	s10 =	sor.u32 $0x1C05, s24  }
0xc: {  	p0 =	sne.s32 s14, $0x0;
	s24 =	simm.s32 $0xC000;
	s14 =	simm.s32 $0x0  }
0xd: {  	s1 =	sadd.s32 s1, s0;
	s22 =	sshrl.u32 s21, $0x3;
	s23 =	sshrl.u32 s11, $0x1  }
0xe: {  	s17 =	sadd.s32 s12, s3;
	s2 =	sadd.s32 s21, s4;
	s25 =	sshrl.u32 s12, $0x3  }
0xf: {  	s21 =	simm.s32 $0x9E00;
	s0 =	sadd.s32 s22, s0;
	s16 =	ssub.s32 s11, s23  }
0x10: {  	s15 =	sadd.s32 s12, s15;
	s11 =	sadd.s32 $0x33A00, s1;
	s12 =	sadd.s32 $0x29A00, s1  }
0x11: {  	s28 =	sadd.s32 s13, s25;
	s17 =	sshrl.u32 s17, $0x3;
	s19 =	sshrl.u32 s2, $0x3  }
.Ltmp0:
0x12: {  	s22 =	simm.s32 $0x80;
	s23 =	simm.s32 $0xA000;
	(pc) =	sbr.rel .LBB2_1-.Ltmp0, $4  }
0x13: {  	s2 =	simm.s32 $0x4;
	s25 =	simm.s32 $0x9E80;
	s15 =	sshrl.u32 s15, $0x3  }
0x14: {  	[dreg:$0x6] =	wrdreg s28;
	s0 =	sadd.s32 $0x66800, s0;
	s16 =	smax.u32 s16, $0x1  }
0x15: {  	s26 =	sadd.s32 s13, s15;
	[dreg:$0x7] =	wrdreg s0;
	s0 =	simm.s32 $0x3  }
0x16: {  	s13 =	simm.s32 $0x9F00;
	[dreg:$0x5] =	wrdreg s26;
	s26 =	simm.s32 $0xE000  }
.LBB2_7:
0x17: {  	[tilespmem:s29], [sflag:$0x4] =	stream.indirect.gather [hbm4b:s7+s22], $0x40, s28, s22, $0xb8;
	[tilespmem:$0x1D5C0] =	vst v63  }
0x18: {  	_ =	swait.ge [sflag:s30], $0x2000  }
0x19: {  	[sflag:s30] =	ssyncset.done $0x0  }
0x1a: {  	[sflag:s30] =	ssyncadd.s32 $0xFFFFE000  }
0x1b: {  	[spmem:s3] =	stream.indirect.scatter.add.f32 [tilespmem:s23], [sflag:$0x5], $0x40, s21, s22, $0xb8;
	[tilespmem:$0x1D5C0] =	vst v63  }
0x1c: {  	_ =	swait.ge [sflag:s18], $0x2000  }
0x1d: {  	[sflag:s18] =	ssyncset.done $0x0  }
0x1e: {  	[sflag:s18] =	ssyncadd.s32 $0xFFFFE000  }
0x1f: {  	_ =	swait.ge [sflag:s31], $0x2000  }
0x20: {  	[sflag:s31] =	ssyncset.done $0x0  }
0x21: {  	[sflag:s31] =	ssyncadd.s32 $0xFFFFE000  }
0x22: {  	[spmem:s3] =	stream.indirect.scatter.add.f32 [tilespmem:s24], [sflag:$0x5], $0x40, s25, s22, $0xb8;
	[tilespmem:$0x1D5C0] =	vst v63  }
0x23: {  	_ =	swait.ge [sflag:s18], $0x2000  }
0x24: {  	[sflag:s18] =	ssyncset.done $0x0  }
0x25: {  	[sflag:s18] =	ssyncadd.s32 $0xFFFFE000  }
0x26: {  	_ =	swait.ge [sflag:s0], $0x2000  }
0x27: {  	[sflag:s0] =	ssyncset.done $0x0  }
0x28: {  	[sflag:s0] =	ssyncadd.s32 $0xFFFFE000  }
0x29: {  	[spmem:s3] =	stream.indirect.scatter.add.f32 [tilespmem:s26], [sflag:$0x5], $0x40, s13, s22, $0xb8;
	[tilespmem:$0x1D5C0] =	vst v63  }
0x2a: {  	_ =	swait.ge [sflag:s18], $0x2000  }
0x2b: {  	[sflag:s18] =	ssyncset.done $0x0  }
0x2c: {  	[sflag:s18] =	ssyncadd.s32 $0xFFFFE000  }
0x2d: {  	_ =	swait.ge [sflag:s2], $0x2000  }
0x2e: {  	[sflag:s2] =	ssyncset.done $0x0  }
0x2f: {  	[sflag:s2] =	ssyncadd.s32 $0xFFFFE000  }
0x30: {  	[spmem:s3] =	stream.indirect.scatter.add.f32 [tilespmem:s29], [sflag:$0x5], $0x40, s8, s22, $0xb8;
	[tilespmem:$0x1D5C0] =	vst v63  }
0x31: {  	_ =	swait.ge [sflag:s18], $0x2000  }
0x32: {  	[sflag:s18] =	ssyncset.done $0x0  }
0x33: {  	[sflag:s18] =	ssyncadd.s32 $0xFFFFE000  }
0x34: {  	[bflag:$0x0] =	sbarrier.arrive $0xFFFF  }
0x35: {  	s1 =	rddreg [dreg:$0x5]  }
0x36: {  	[hbm:s1], [sflag:s10] =	dma.local [spmem:s17], $0x13C0  }
0x37: {  	_ =	swait.ge [sflag:s18], $0x13C0  }
0x38: {  	[sflag:s18] =	ssyncset.done $0x0  }
0x39: {  	[sflag:s18] =	ssyncadd.s32 $0xFFFFEC40  }
.LBB2_8:
0x3a: {  	s14 =	sadd.s32 $0x1, s14  }
0x3b: {  	p1 =	sne.s32 s14, s16  }
.Ltmp1:
0x3c: {  	_ = 	snop;
	(pc) =	sbr.rel @!p1 .LBB2_9-.Ltmp1, $1  }
0x3d: {  	_ =	sdelay $0x3  }
.LBB2_1:
0x3e: {  	s1 =	rddreg [dreg:$0x8]  }
0x3f: {  	[spmem:s17], [sflag:s10] =	dma.local [hbm:s1], $0x13C0  }
0x40: {  	_ =	swait.ge [sflag:s18], $0x13C0  }
0x41: {  	[sflag:s18] =	ssyncset.done $0x0  }
0x42: {  	[sflag:s18] =	ssyncadd.s32 $0xFFFFEC40  }
0x43: {  	s15 =	rddreg [dreg:$0x1]  }
0x44: {  	[spmem:s19], [sflag:s10] =	dma.local [hbm:s15], $0x278  }
0x45: {  	_ =	swait.ge [sflag:s18], $0x278  }
0x46: {  	[sflag:s18] =	ssyncset.done $0x0  }
0x47: {  	[sflag:s18] =	ssyncadd.s32 $0xFFFFFD88  }
0x48: {  	[tilespmem:s20], [sflag:$0x5] =	stream.linear.gather [hbm4b:s9+s5], $0x400, $0x38;
	[tilespmem:$0x1D5C0] =	vst v63  }
0x49: {  	_ =	swait.ge [sflag:s18], $0x400  }
0x4a: {  	[sflag:s18] =	ssyncset.done $0x0  }
0x4b: {  	[sflag:s18] =	ssyncadd.s32 $0xFFFFFC00  }
0x4c: {  	[tilespmem:s5], [sflag:$0x5] =	stream.linear.gather [hbm4b:s11+s5], $0x5000, $0x38;
	[tilespmem:$0x1D5C0] =	vst v63  }
0x4d: {  	_ =	swait.ge [sflag:s18], $0x5000  }
0x4e: {  	[sflag:s18] =	ssyncset.done $0x0  }
0x4f: {  	s28 =	simm.s32 $0x5000;
	[sflag:s18] =	ssyncadd.s32 $0xFFFFB000  }
0x50: {  	[tilespmem:s28], [sflag:$0x5] =	stream.linear.gather [hbm4b:s12+s5], $0x5000, $0x38;
	[tilespmem:$0x1D5C0] =	vst v63  }
.Ltmp2:
0x51: {  	_ =	swait.ge [sflag:s18], $0x5000;
	(pc) =	sbr.rel @p0 .LBB2_5-.Ltmp2, $3  }
0x52: {  	[sflag:s18] =	ssyncset.done $0x0  }
0x53: {  	[sflag:s18] =	ssyncadd.s32 $0xFFFFB000  }
0x54: {  	[bflag:$0x0] =	sbarrier.arrive $0xFFFF;
	_ =	sdelay $0x1  }
0x55: {  	s15 =	simm.s32 $0x0  }
0x56: {  	[tilespmem:s23], [sflag:$0x1] =	stream.indirect.gather [hbm4b:s6+s22], $0x40, s15, s22, $0xb8;
	[tilespmem:$0x1D5C0] =	vst v63  }
0x57: {  	_ = 	snop  }
0x58: {  	[tilespmem:s24], [sflag:$0x2] =	stream.indirect.gather [hbm4b:s6+s22], $0x40, s22, s22, $0xb8;
	[tilespmem:$0x1D5C0] =	vst v63  }
0x59: {  	s1 =	simm.s32 $0x100  }
0x5a: {  	[tilespmem:s26], [sflag:$0x3] =	stream.indirect.gather [hbm4b:s6+s22], $0x40, s1, s22, $0xb8;
	[tilespmem:$0x1D5C0] =	vst v63  }
0x5b: {  	s15 =	simm.s32 $0x180  }
0x5c: {  	[tilespmem:s29], [sflag:$0x4] =	stream.indirect.gather [hbm4b:s6+s22], $0x40, s15, s22, $0xb8;
	[tilespmem:$0x1D5C0] =	vst v63  }
0x5d: {  	_ =	swait.ge [sflag:s30], $0x2000  }
0x5e: {  	[sflag:s30] =	ssyncset.done $0x0  }
0x5f: {  	s21 =	simm.s32 $0x5000;
	[sflag:s30] =	ssyncadd.s32 $0xFFFFE000  }
0x60: {  	[spmem:s3] =	stream.indirect.scatter.add.f32 [tilespmem:s23], [sflag:$0x5], $0x40, s21, s22, $0xb8;
	[tilespmem:$0x1D5C0] =	vst v63  }
0x61: {  	_ =	swait.ge [sflag:s18], $0x2000  }
0x62: {  	[sflag:s18] =	ssyncset.done $0x0  }
0x63: {  	[sflag:s18] =	ssyncadd.s32 $0xFFFFE000  }
0x64: {  	[spmem:s4] =	stream.indirect.scatter.add.f32 [tilespmem:s20], [sflag:$0x5], $0x8, s21, s22, $0xb8;
	[tilespmem:$0x1D5C0] =	vst v63  }
0x65: {  	_ =	swait.ge [sflag:s18], $0x400  }
0x66: {  	[sflag:s18] =	ssyncset.done $0x0  }
0x67: {  	s25 =	simm.s32 $0x200;
	[sflag:s18] =	ssyncadd.s32 $0xFFFFFC00  }
0x68: {  	[tilespmem:s23], [sflag:$0x1] =	stream.indirect.gather [hbm4b:s6+s22], $0x40, s25, s22, $0xb8;
	[tilespmem:$0x1D5C0] =	vst v63  }
0x69: {  	_ =	swait.ge [sflag:s31], $0x2000  }
0x6a: {  	[sflag:s31] =	ssyncset.done $0x0  }
0x6b: {  	s1 =	simm.s32 $0x5080;
	[sflag:s31] =	ssyncadd.s32 $0xFFFFE000  }
0x6c: {  	[spmem:s3] =	stream.indirect.scatter.add.f32 [tilespmem:s24], [sflag:$0x5], $0x40, s1, s22, $0xb8;
	[tilespmem:$0x1D5C0] =	vst v63  }
0x6d: {  	_ =	swait.ge [sflag:s18], $0x2000  }
0x6e: {  	[sflag:s18] =	ssyncset.done $0x0  }
0x6f: {  	[sflag:s18] =	ssyncadd.s32 $0xFFFFE000  }
0x70: {  	[spmem:s4] =	stream.indirect.scatter.add.f32 [tilespmem:s20], [sflag:$0x5], $0x8, s1, s22, $0xb8;
	[tilespmem:$0x1D5C0] =	vst v63  }
0x71: {  	_ =	swait.ge [sflag:s18], $0x400  }
0x72: {  	[sflag:s18] =	ssyncset.done $0x0  }
0x73: {  	s8 =	simm.s32 $0x280;
	[sflag:s18] =	ssyncadd.s32 $0xFFFFFC00  }
0x74: {  	[tilespmem:s24], [sflag:$0x2] =	stream.indirect.gather [hbm4b:s6+s22], $0x40, s8, s22, $0xb8;
	[tilespmem:$0x1D5C0] =	vst v63  }
0x75: {  	_ =	swait.ge [sflag:s0], $0x2000  }
0x76: {  	[sflag:s0] =	ssyncset.done $0x0  }
0x77: {  	s13 =	simm.s32 $0x5100;
	[sflag:s0] =	ssyncadd.s32 $0xFFFFE000  }
0x78: {  	[spmem:s3] =	stream.indirect.scatter.add.f32 [tilespmem:s26], [sflag:$0x5], $0x40, s13, s22, $0xb8;
	[tilespmem:$0x1D5C0] =	vst v63  }
0x79: {  	_ =	swait.ge [sflag:s18], $0x2000  }
0x7a: {  	[sflag:s18] =	ssyncset.done $0x0  }
0x7b: {  	[sflag:s18] =	ssyncadd.s32 $0xFFFFE000  }
0x7c: {  	[spmem:s4] =	stream.indirect.scatter.add.f32 [tilespmem:s20], [sflag:$0x5], $0x8, s13, s22, $0xb8;
	[tilespmem:$0x1D5C0] =	vst v63  }
0x7d: {  	_ =	swait.ge [sflag:s18], $0x400  }
0x7e: {  	[sflag:s18] =	ssyncset.done $0x0  }
0x7f: {  	s21 =	simm.s32 $0x300;
	[sflag:s18] =	ssyncadd.s32 $0xFFFFFC00  }
0x80: {  	[tilespmem:s26], [sflag:$0x3] =	stream.indirect.gather [hbm4b:s6+s22], $0x40, s21, s22, $0xb8;
	[tilespmem:$0x1D5C0] =	vst v63  }
0x81: {  	_ =	swait.ge [sflag:s2], $0x2000  }
0x82: {  	[sflag:s2] =	ssyncset.done $0x0  }
0x83: {  	s25 =	simm.s32 $0x5180;
	[sflag:s2] =	ssyncadd.s32 $0xFFFFE000  }
0x84: {  	[spmem:s3] =	stream.indirect.scatter.add.f32 [tilespmem:s29], [sflag:$0x5], $0x40, s25, s22, $0xb8;
	[tilespmem:$0x1D5C0] =	vst v63  }
0x85: {  	_ =	swait.ge [sflag:s18], $0x2000  }
0x86: {  	[sflag:s18] =	ssyncset.done $0x0  }
0x87: {  	[sflag:s18] =	ssyncadd.s32 $0xFFFFE000  }
0x88: {  	[spmem:s4] =	stream.indirect.scatter.add.f32 [tilespmem:s20], [sflag:$0x5], $0x8, s25, s22, $0xb8;
	[tilespmem:$0x1D5C0] =	vst v63  }
0x89: {  	_ =	swait.ge [sflag:s18], $0x400  }
0x8a: {  	[sflag:s18] =	ssyncset.done $0x0  }
0x8b: {  	s28 =	simm.s32 $0x800;
	s15 =	simm.s32 $0x380;
	[sflag:s18] =	ssyncadd.s32 $0xFFFFFC00  }
.LBB2_3:
0x8c: {  	[tilespmem:s29], [sflag:$0x4] =	stream.indirect.gather [hbm4b:s6+s22], $0x40, s15, s22, $0xb8;
	[tilespmem:$0x1D5C0] =	vst v63  }
0x8d: {  	s15 =	smov.u32 s28  }
0x8e: {  	p1 =	seq.s32 s28, $0x13000;
	s28 =	sadd.s32 $0x800, s28;
	_ =	swait.ge [sflag:s30], $0x2000  }
0x8f: {  	s15 =	sshra.s32 s15, $0x2;
	[sflag:s30] =	ssyncset.done $0x0  }
0x90: {  	s1 =	sadd.s32 $0x5000, s15;
	[sflag:s30] =	ssyncadd.s32 $0xFFFFE000  }
0x91: {  	[spmem:s3] =	stream.indirect.scatter.add.f32 [tilespmem:s23], [sflag:$0x5], $0x40, s1, s22, $0xb8;
	[tilespmem:$0x1D5C0] =	vst v63  }
0x92: {  	_ =	swait.ge [sflag:s18], $0x2000  }
0x93: {  	[sflag:s18] =	ssyncset.done $0x0  }
0x94: {  	[sflag:s18] =	ssyncadd.s32 $0xFFFFE000  }
0x95: {  	[spmem:s4] =	stream.indirect.scatter.add.f32 [tilespmem:s20], [sflag:$0x5], $0x8, s1, s22, $0xb8;
	[tilespmem:$0x1D5C0] =	vst v63  }
0x96: {  	_ =	swait.ge [sflag:s18], $0x400  }
0x97: {  	[sflag:s18] =	ssyncset.done $0x0  }
0x98: {  	s1 =	sadd.s32 $0x200, s15;
	[sflag:s18] =	ssyncadd.s32 $0xFFFFFC00  }
0x99: {  	[tilespmem:s23], [sflag:$0x1] =	stream.indirect.gather [hbm4b:s6+s22], $0x40, s1, s22, $0xb8;
	[tilespmem:$0x1D5C0] =	vst v63  }
0x9a: {  	_ =	swait.ge [sflag:s31], $0x2000  }
0x9b: {  	[sflag:s31] =	ssyncset.done $0x0  }
0x9c: {  	s1 =	sadd.s32 $0x5080, s15;
	[sflag:s31] =	ssyncadd.s32 $0xFFFFE000  }
0x9d: {  	[spmem:s3] =	stream.indirect.scatter.add.f32 [tilespmem:s24], [sflag:$0x5], $0x40, s1, s22, $0xb8;
	[tilespmem:$0x1D5C0] =	vst v63  }
0x9e: {  	_ =	swait.ge [sflag:s18], $0x2000  }
0x9f: {  	[sflag:s18] =	ssyncset.done $0x0  }
0xa0: {  	[sflag:s18] =	ssyncadd.s32 $0xFFFFE000  }
0xa1: {  	[spmem:s4] =	stream.indirect.scatter.add.f32 [tilespmem:s20], [sflag:$0x5], $0x8, s1, s22, $0xb8;
	[tilespmem:$0x1D5C0] =	vst v63  }
0xa2: {  	_ =	swait.ge [sflag:s18], $0x400  }
0xa3: {  	[sflag:s18] =	ssyncset.done $0x0  }
0xa4: {  	s1 =	sadd.s32 $0x280, s15;
	[sflag:s18] =	ssyncadd.s32 $0xFFFFFC00  }
0xa5: {  	[tilespmem:s24], [sflag:$0x2] =	stream.indirect.gather [hbm4b:s6+s22], $0x40, s1, s22, $0xb8;
	[tilespmem:$0x1D5C0] =	vst v63  }
0xa6: {  	_ =	swait.ge [sflag:s0], $0x2000  }
0xa7: {  	[sflag:s0] =	ssyncset.done $0x0  }
0xa8: {  	s1 =	sadd.s32 $0x5100, s15;
	[sflag:s0] =	ssyncadd.s32 $0xFFFFE000  }
0xa9: {  	[spmem:s3] =	stream.indirect.scatter.add.f32 [tilespmem:s26], [sflag:$0x5], $0x40, s1, s22, $0xb8;
	[tilespmem:$0x1D5C0] =	vst v63  }
0xaa: {  	_ =	swait.ge [sflag:s18], $0x2000  }
0xab: {  	[sflag:s18] =	ssyncset.done $0x0  }
0xac: {  	[sflag:s18] =	ssyncadd.s32 $0xFFFFE000  }
0xad: {  	[spmem:s4] =	stream.indirect.scatter.add.f32 [tilespmem:s20], [sflag:$0x5], $0x8, s1, s22, $0xb8;
	[tilespmem:$0x1D5C0] =	vst v63  }
0xae: {  	_ =	swait.ge [sflag:s18], $0x400  }
0xaf: {  	[sflag:s18] =	ssyncset.done $0x0  }
0xb0: {  	s1 =	sadd.s32 $0x300, s15;
	[sflag:s18] =	ssyncadd.s32 $0xFFFFFC00  }
0xb1: {  	[tilespmem:s26], [sflag:$0x3] =	stream.indirect.gather [hbm4b:s6+s22], $0x40, s1, s22, $0xb8;
	[tilespmem:$0x1D5C0] =	vst v63  }
0xb2: {  	_ =	swait.ge [sflag:s2], $0x2000  }
0xb3: {  	[sflag:s2] =	ssyncset.done $0x0  }
0xb4: {  	s1 =	sadd.s32 $0x5180, s15;
	[sflag:s2] =	ssyncadd.s32 $0xFFFFE000  }
0xb5: {  	[spmem:s3] =	stream.indirect.scatter.add.f32 [tilespmem:s29], [sflag:$0x5], $0x40, s1, s22, $0xb8;
	[tilespmem:$0x1D5C0] =	vst v63  }
0xb6: {  	_ =	swait.ge [sflag:s18], $0x2000  }
0xb7: {  	[sflag:s18] =	ssyncset.done $0x0  }
.Ltmp3:
0xb8: {  	[sflag:s18] =	ssyncadd.s32 $0xFFFFE000;
	(pc) =	sbr.rel @!p1 .LBB2_3-.Ltmp3, $4  }
0xb9: {  	[spmem:s4] =	stream.indirect.scatter.add.f32 [tilespmem:s20], [sflag:$0x5], $0x8, s1, s22, $0xb8;
	[tilespmem:$0x1D5C0] =	vst v63  }
0xba: {  	_ =	swait.ge [sflag:s18], $0x400  }
0xbb: {  	[sflag:s18] =	ssyncset.done $0x0  }
0xbc: {  	s15 =	sadd.s32 $0x380, s15;
	[sflag:s18] =	ssyncadd.s32 $0xFFFFFC00  }
0xbd: {  	[tilespmem:s29], [sflag:$0x4] =	stream.indirect.gather [hbm4b:s6+s22], $0x40, s15, s22, $0xb8;
	[tilespmem:$0x1D5C0] =	vst v63  }
0xbe: {  	_ =	swait.ge [sflag:s30], $0x2000  }
0xbf: {  	[sflag:s30] =	ssyncset.done $0x0  }
0xc0: {  	s1 =	simm.s32 $0x9E00;
	[sflag:s30] =	ssyncadd.s32 $0xFFFFE000  }
0xc1: {  	[spmem:s3] =	stream.indirect.scatter.add.f32 [tilespmem:s23], [sflag:$0x5], $0x40, s1, s22, $0xb8;
	[tilespmem:$0x1D5C0] =	vst v63  }
0xc2: {  	_ =	swait.ge [sflag:s18], $0x2000  }
0xc3: {  	[sflag:s18] =	ssyncset.done $0x0  }
0xc4: {  	[sflag:s18] =	ssyncadd.s32 $0xFFFFE000  }
0xc5: {  	[spmem:s4] =	stream.indirect.scatter.add.f32 [tilespmem:s20], [sflag:$0x5], $0x8, s1, s22, $0xb8;
	[tilespmem:$0x1D5C0] =	vst v63  }
0xc6: {  	_ =	swait.ge [sflag:s18], $0x400  }
0xc7: {  	[sflag:s18] =	ssyncset.done $0x0  }
0xc8: {  	[sflag:s18] =	ssyncadd.s32 $0xFFFFFC00  }
0xc9: {  	_ =	swait.ge [sflag:s31], $0x2000  }
0xca: {  	[sflag:s31] =	ssyncset.done $0x0  }
0xcb: {  	s13 =	simm.s32 $0x9E80;
	[sflag:s31] =	ssyncadd.s32 $0xFFFFE000  }
0xcc: {  	[spmem:s3] =	stream.indirect.scatter.add.f32 [tilespmem:s24], [sflag:$0x5], $0x40, s13, s22, $0xb8;
	[tilespmem:$0x1D5C0] =	vst v63  }
0xcd: {  	_ =	swait.ge [sflag:s18], $0x2000  }
0xce: {  	[sflag:s18] =	ssyncset.done $0x0  }
0xcf: {  	[sflag:s18] =	ssyncadd.s32 $0xFFFFE000  }
0xd0: {  	[spmem:s4] =	stream.indirect.scatter.add.f32 [tilespmem:s20], [sflag:$0x5], $0x8, s13, s22, $0xb8;
	[tilespmem:$0x1D5C0] =	vst v63  }
0xd1: {  	_ =	swait.ge [sflag:s18], $0x400  }
0xd2: {  	[sflag:s18] =	ssyncset.done $0x0  }
0xd3: {  	[sflag:s18] =	ssyncadd.s32 $0xFFFFFC00  }
0xd4: {  	_ =	swait.ge [sflag:s0], $0x2000  }
0xd5: {  	[sflag:s0] =	ssyncset.done $0x0  }
0xd6: {  	s15 =	simm.s32 $0x9F00;
	[sflag:s0] =	ssyncadd.s32 $0xFFFFE000  }
0xd7: {  	[spmem:s3] =	stream.indirect.scatter.add.f32 [tilespmem:s26], [sflag:$0x5], $0x40, s15, s22, $0xb8;
	[tilespmem:$0x1D5C0] =	vst v63  }
0xd8: {  	_ =	swait.ge [sflag:s18], $0x2000  }
0xd9: {  	[sflag:s18] =	ssyncset.done $0x0  }
0xda: {  	[sflag:s18] =	ssyncadd.s32 $0xFFFFE000  }
0xdb: {  	[spmem:s4] =	stream.indirect.scatter.add.f32 [tilespmem:s20], [sflag:$0x5], $0x8, s15, s22, $0xb8;
	[tilespmem:$0x1D5C0] =	vst v63  }
0xdc: {  	_ =	swait.ge [sflag:s18], $0x400  }
0xdd: {  	[sflag:s18] =	ssyncset.done $0x0  }
0xde: {  	[sflag:s18] =	ssyncadd.s32 $0xFFFFFC00  }
0xdf: {  	_ =	swait.ge [sflag:s2], $0x2000  }
0xe0: {  	[sflag:s2] =	ssyncset.done $0x0  }
0xe1: {  	s28 =	simm.s32 $0x9F80;
	[sflag:s2] =	ssyncadd.s32 $0xFFFFE000  }
0xe2: {  	[spmem:s3] =	stream.indirect.scatter.add.f32 [tilespmem:s29], [sflag:$0x5], $0x40, s28, s22, $0xb8;
	[tilespmem:$0x1D5C0] =	vst v63  }
0xe3: {  	_ =	swait.ge [sflag:s18], $0x2000  }
0xe4: {  	[sflag:s18] =	ssyncset.done $0x0  }
0xe5: {  	[sflag:s18] =	ssyncadd.s32 $0xFFFFE000  }
0xe6: {  	[spmem:s4] =	stream.indirect.scatter.add.f32 [tilespmem:s20], [sflag:$0x5], $0x8, s28, s22, $0xb8;
	[tilespmem:$0x1D5C0] =	vst v63  }
0xe7: {  	_ =	swait.ge [sflag:s18], $0x400  }
0xe8: {  	[sflag:s18] =	ssyncset.done $0x0  }
0xe9: {  	[sflag:s18] =	ssyncadd.s32 $0xFFFFFC00  }
0xea: {  	[bflag:$0x0] =	sbarrier.arrive $0xFFFF  }
0xeb: {  	s15 =	rddreg [dreg:$0x6]  }
0xec: {  	[hbm:s15], [sflag:s10] =	dma.local [spmem:s17], $0x13C0  }
0xed: {  	_ =	swait.ge [sflag:s18], $0x13C0  }
0xee: {  	[sflag:s18] =	ssyncset.done $0x0  }
.Ltmp4:
0xef: {  	s28 =	rddreg [dreg:$0x7];
	[sflag:s18] =	ssyncadd.s32 $0xFFFFEC40;
	(pc) =	sbr.rel .LBB2_8-.Ltmp4, $4  }
0xf0: {  	[hbm:s28], [sflag:s10] =	dma.local [spmem:s19], $0x278  }
0xf1: {  	_ =	swait.ge [sflag:s18], $0x278  }
0xf2: {  	s21 =	simm.s32 $0x9E00;
	s25 =	simm.s32 $0x9E80;
	[sflag:s18] =	ssyncset.done $0x0  }
0xf3: {  	s8 =	simm.s32 $0x9F80;
	s13 =	simm.s32 $0x9F00;
	[sflag:s18] =	ssyncadd.s32 $0xFFFFFD88  }
.LBB2_5:
0xf4: {  	s1 =	simm.s32 $0x0  }
0xf5: {  	[tilespmem:s23], [sflag:$0x1] =	stream.indirect.gather [hbm4b:s7+s22], $0x40, s1, s22, $0xb8;
	[tilespmem:$0x1D5C0] =	vst v63  }
0xf6: {  	_ = 	snop  }
0xf7: {  	[tilespmem:s24], [sflag:$0x2] =	stream.indirect.gather [hbm4b:s7+s22], $0x40, s22, s22, $0xb8;
	[tilespmem:$0x1D5C0] =	vst v63  }
0xf8: {  	s15 =	simm.s32 $0x100  }
0xf9: {  	[tilespmem:s26], [sflag:$0x3] =	stream.indirect.gather [hbm4b:s7+s22], $0x40, s15, s22, $0xb8;
	[tilespmem:$0x1D5C0] =	vst v63  }
0xfa: {  	s15 =	simm.s32 $0x180  }
0xfb: {  	[tilespmem:s29], [sflag:$0x4] =	stream.indirect.gather [hbm4b:s7+s22], $0x40, s15, s22, $0xb8;
	[tilespmem:$0x1D5C0] =	vst v63  }
0xfc: {  	_ =	swait.ge [sflag:s30], $0x2000  }
0xfd: {  	[sflag:s30] =	ssyncset.done $0x0  }
0xfe: {  	s15 =	simm.s32 $0x5000;
	[sflag:s30] =	ssyncadd.s32 $0xFFFFE000  }
0xff: {  	[spmem:s3] =	stream.indirect.scatter.add.f32 [tilespmem:s23], [sflag:$0x5], $0x40, s15, s22, $0xb8;
	[tilespmem:$0x1D5C0] =	vst v63  }
0x100: {  	_ =	swait.ge [sflag:s18], $0x2000  }
0x101: {  	[sflag:s18] =	ssyncset.done $0x0  }
0x102: {  	s15 =	simm.s32 $0x200;
	[sflag:s18] =	ssyncadd.s32 $0xFFFFE000  }
0x103: {  	[tilespmem:s23], [sflag:$0x1] =	stream.indirect.gather [hbm4b:s7+s22], $0x40, s15, s22, $0xb8;
	[tilespmem:$0x1D5C0] =	vst v63  }
0x104: {  	_ =	swait.ge [sflag:s31], $0x2000  }
0x105: {  	[sflag:s31] =	ssyncset.done $0x0  }
0x106: {  	s15 =	simm.s32 $0x5080;
	[sflag:s31] =	ssyncadd.s32 $0xFFFFE000  }
0x107: {  	[spmem:s3] =	stream.indirect.scatter.add.f32 [tilespmem:s24], [sflag:$0x5], $0x40, s15, s22, $0xb8;
	[tilespmem:$0x1D5C0] =	vst v63  }
0x108: {  	_ =	swait.ge [sflag:s18], $0x2000  }
0x109: {  	[sflag:s18] =	ssyncset.done $0x0  }
0x10a: {  	s15 =	simm.s32 $0x280;
	[sflag:s18] =	ssyncadd.s32 $0xFFFFE000  }
0x10b: {  	[tilespmem:s24], [sflag:$0x2] =	stream.indirect.gather [hbm4b:s7+s22], $0x40, s15, s22, $0xb8;
	[tilespmem:$0x1D5C0] =	vst v63  }
0x10c: {  	_ =	swait.ge [sflag:s0], $0x2000  }
0x10d: {  	[sflag:s0] =	ssyncset.done $0x0  }
0x10e: {  	s15 =	simm.s32 $0x5100;
	[sflag:s0] =	ssyncadd.s32 $0xFFFFE000  }
0x10f: {  	[spmem:s3] =	stream.indirect.scatter.add.f32 [tilespmem:s26], [sflag:$0x5], $0x40, s15, s22, $0xb8;
	[tilespmem:$0x1D5C0] =	vst v63  }
0x110: {  	_ =	swait.ge [sflag:s18], $0x2000  }
0x111: {  	[sflag:s18] =	ssyncset.done $0x0  }
0x112: {  	s15 =	simm.s32 $0x300;
	[sflag:s18] =	ssyncadd.s32 $0xFFFFE000  }
0x113: {  	[tilespmem:s26], [sflag:$0x3] =	stream.indirect.gather [hbm4b:s7+s22], $0x40, s15, s22, $0xb8;
	[tilespmem:$0x1D5C0] =	vst v63  }
0x114: {  	_ =	swait.ge [sflag:s2], $0x2000  }
0x115: {  	[sflag:s2] =	ssyncset.done $0x0  }
0x116: {  	s15 =	simm.s32 $0x5180;
	[sflag:s2] =	ssyncadd.s32 $0xFFFFE000  }
0x117: {  	[spmem:s3] =	stream.indirect.scatter.add.f32 [tilespmem:s29], [sflag:$0x5], $0x40, s15, s22, $0xb8;
	[tilespmem:$0x1D5C0] =	vst v63  }
0x118: {  	_ =	swait.ge [sflag:s18], $0x2000  }
0x119: {  	[sflag:s18] =	ssyncset.done $0x0  }
0x11a: {  	s28 =	simm.s32 $0x380;
	s15 =	simm.s32 $0x800;
	[sflag:s18] =	ssyncadd.s32 $0xFFFFE000  }
.LBB2_6:
0x11b: {  	[tilespmem:s29], [sflag:$0x4] =	stream.indirect.gather [hbm4b:s7+s22], $0x40, s28, s22, $0xb8;
	[tilespmem:$0x1D5C0] =	vst v63  }
0x11c: {  	s1 =	smov.u32 s15  }
0x11d: {  	p1 =	sne.s32 s15, $0x13000;
	s15 =	sadd.s32 $0x800, s15;
	_ =	swait.ge [sflag:s30], $0x2000  }
0x11e: {  	s28 =	sshra.s32 s1, $0x2;
	[sflag:s30] =	ssyncset.done $0x0  }
0x11f: {  	s1 =	sadd.s32 $0x5000, s28;
	[sflag:s30] =	ssyncadd.s32 $0xFFFFE000  }
0x120: {  	[spmem:s3] =	stream.indirect.scatter.add.f32 [tilespmem:s23], [sflag:$0x5], $0x40, s1, s22, $0xb8;
	[tilespmem:$0x1D5C0] =	vst v63  }
0x121: {  	_ =	swait.ge [sflag:s18], $0x2000  }
0x122: {  	[sflag:s18] =	ssyncset.done $0x0  }
0x123: {  	s1 =	sadd.s32 $0x200, s28;
	[sflag:s18] =	ssyncadd.s32 $0xFFFFE000  }
0x124: {  	[tilespmem:s23], [sflag:$0x1] =	stream.indirect.gather [hbm4b:s7+s22], $0x40, s1, s22, $0xb8;
	[tilespmem:$0x1D5C0] =	vst v63  }
0x125: {  	_ =	swait.ge [sflag:s31], $0x2000  }
0x126: {  	[sflag:s31] =	ssyncset.done $0x0  }
0x127: {  	s1 =	sadd.s32 $0x5080, s28;
	[sflag:s31] =	ssyncadd.s32 $0xFFFFE000  }
0x128: {  	[spmem:s3] =	stream.indirect.scatter.add.f32 [tilespmem:s24], [sflag:$0x5], $0x40, s1, s22, $0xb8;
	[tilespmem:$0x1D5C0] =	vst v63  }
0x129: {  	_ =	swait.ge [sflag:s18], $0x2000  }
0x12a: {  	[sflag:s18] =	ssyncset.done $0x0  }
0x12b: {  	s1 =	sadd.s32 $0x280, s28;
	[sflag:s18] =	ssyncadd.s32 $0xFFFFE000  }
0x12c: {  	[tilespmem:s24], [sflag:$0x2] =	stream.indirect.gather [hbm4b:s7+s22], $0x40, s1, s22, $0xb8;
	[tilespmem:$0x1D5C0] =	vst v63  }
0x12d: {  	_ =	swait.ge [sflag:s0], $0x2000  }
0x12e: {  	[sflag:s0] =	ssyncset.done $0x0  }
0x12f: {  	s1 =	sadd.s32 $0x5100, s28;
	[sflag:s0] =	ssyncadd.s32 $0xFFFFE000  }
0x130: {  	[spmem:s3] =	stream.indirect.scatter.add.f32 [tilespmem:s26], [sflag:$0x5], $0x40, s1, s22, $0xb8;
	[tilespmem:$0x1D5C0] =	vst v63  }
0x131: {  	_ =	swait.ge [sflag:s18], $0x2000  }
0x132: {  	[sflag:s18] =	ssyncset.done $0x0  }
0x133: {  	s1 =	sadd.s32 $0x300, s28;
	[sflag:s18] =	ssyncadd.s32 $0xFFFFE000  }
0x134: {  	[tilespmem:s26], [sflag:$0x3] =	stream.indirect.gather [hbm4b:s7+s22], $0x40, s1, s22, $0xb8;
	[tilespmem:$0x1D5C0] =	vst v63  }
0x135: {  	_ =	swait.ge [sflag:s2], $0x2000  }
0x136: {  	[sflag:s2] =	ssyncset.done $0x0  }
.Ltmp5:
0x137: {  	s1 =	sadd.s32 $0x5180, s28;
	[sflag:s2] =	ssyncadd.s32 $0xFFFFE000;
	(pc) =	sbr.rel @p1 .LBB2_6-.Ltmp5, $4  }
0x138: {  	[spmem:s3] =	stream.indirect.scatter.add.f32 [tilespmem:s29], [sflag:$0x5], $0x40, s1, s22, $0xb8;
	[tilespmem:$0x1D5C0] =	vst v63  }
0x139: {  	_ =	swait.ge [sflag:s18], $0x2000  }
0x13a: {  	[sflag:s18] =	ssyncset.done $0x0  }
0x13b: {  	s28 =	sadd.s32 $0x380, s28;
	[sflag:s18] =	ssyncadd.s32 $0xFFFFE000  }
.Ltmp6:
0x13c: {  	_ = 	snop;
	(pc) =	sbr.rel .LBB2_7-.Ltmp6, $1  }
0x13d: {  	_ =	sdelay $0x3  }
.LBB2_9:
0x13e: {  	_ =	sfence.sel $0x180000  }
0x13f: {  	[bflag:$0x0] =	sbarrier.arrive $0xFFFF  }
0x140: {  	_ =	strace $0x90000047  }
0x141: {  	s0 =	stileid.u32;
	[bflag:$0x2] =	sbarrier.arrive $0xFFFF  }
0x142: {  	p0 =	sne.s32 s0, $0x0;
	s0 =	rddreg [dreg:$0x4]  }
0x143: {  	s0 =	sadd.s32 @!p0 $0x100000, s0  }
0x144: {  	[sflag:s0] =	ssyncadd.tile.s32 @!p0 $0x1;
	_ =	shalt  }
.Lfunc_end2:
_tile_overlayer_lowered:
.L_overlay_start_2:
0x145: {  	(tag) =	ssettag $0x2  }
0x146: {  	s0 =	rddreg [dreg:$0x0];
	s2 =	stileid.u32  }
0x147: {  	s1 =	rddreg [dreg:$0x1];
	p0 =	sne.s32 s2, $0x0  }
0x148: {  	s3 =	rddreg [dreg:$0x2];
	[bflag:$0x3] =	sbarrier.arrive $0xFFFF;
	s2 =	simm.s32 @!p0 $0x1C05  }
0x149: {  	[timem:s3], [sflag:s2] =	dma.local @!p0 [hbm:s0], s1  }
0x14a: {  	s0 =	simm.s32 @!p0 $0x5  }
0x14b: {  	_ =	swait.ge @!p0 [sflag:s0], s1  }
0x14c: {  	s1 =	ssub.s32 @!p0 $0x0, s1;
	[sflag:s0] =	ssyncset.done @!p0 $0x0  }
0x14d: {  	[sflag:s0] =	ssyncadd.s32 @!p0 s1  }
0x14e: {  	[bflag:$0x3] =	sbarrier.arrive $0xFFFF  }
0x14f: {  	_ =	shalt  }

// kernel: kernel.9.cloned.1.call-start
scs
__scs_entry_jumppad:
0x0: {  	(pc) =	sbr.rel $0x88, $3  }
0x1: {  	(tag) =	ssettag $0x0;
	lr =	simm.s32 $0x1  }
0x2: {  	[smem:$0x3F94] =	sst lr;
	_ =	strace $0xD0000000  }
0x3: {  	_ = 	snop  }
0x4: {  	_ = 	snop  }
0x5: {  	_ = 	snop  }
0x6: {  	_ = 	snop  }
0x7: {  	_ = 	snop  }
__scs_overlays_trampoline_lowered:
0x8: {  	[smem:$0x3FA3] =	sst s0  }
0x9: {  	[smem:$0x3FA4] =	sst s1  }
0xa: {  	[smem:$0x3FA5] =	sst s2  }
0xb: {  	[smem:$0x3FA6] =	sst s3  }
0xc: {  	[smem:$0x3FA7] =	sst s4  }
0xd: {  	[smem:$0x3FA8] =	sst s5  }
0xe: {  	[smem:$0x3FA9] =	sst s6  }
0xf: {  	[smem:$0x3FAA] =	sst s7  }
0x10: {  	[smem:$0x3FAB] =	sst s8  }
0x11: {  	[smem:$0x3FAC] =	sst s9;
	s0 =	simm.s32 @!p0 $0x0  }
0x12: {  	s1 =	sld [smem:$0x3F92];
	s0 =	simm.s32 @p0 $0x1  }
0x13: {  	[smem:$0x3FAD] =	sst s0;
	s0 =	simm.s32 @!p1 $0x0  }
0x14: {  	s2 =	sld [smem:$0x3F91];
	s0 =	simm.s32 @p1 $0x1  }
0x15: {  	[smem:$0x3FAE] =	sst s0;
	s0 =	simm.s32 @!p2 $0x0  }
0x16: {  	s3 =	sld [smem:$0x3FDB];
	s0 =	simm.s32 @p2 $0x1  }
0x17: {  	s4 =	simm.s32 $0x1BF5;
	[smem:$0x3FB0] =	sst s0  }
0x18: {  	s0 =	sld [smem:$0x3F93];
	_ =	swait.ge [sflag:s4], $0x0  }
0x19: {  	s7 =	sld [smem:$0x3F94]  }
0x1a: {  	s8 =	sadd.s32 $0xFFFFE003, lr  }
0x1b: {  	s9 =	sadd.s32 $0xFFFFFEF7, lr;
	s5 =	simm.s32 $0xFFFFFFFF;
	p2 =	slt.u32 s8, $0xFFFFF086  }
0x1c: {  	p1 =	slt.u32 s9, $0xF7A;
	s5 =	simm.s32 @!p2 $0x0  }
0x1d: {  	s5 =	simm.s32 @p1 $0x1;
	p0 =	seq.s32 s7, s2  }
0x1e: {  	s7 =	smul.u32 @!p0 $0xF7A, s2;
	p2 =	seq.s32 @!p0 s5, $0x0  }
0x1f: {  	s9 =	smul.u32 $0xF7A, s1;
	s8 =	simm.s32 @!p0 $0x1BF5;
	p2 =	por !p2, p0  }
0x20: {  	[sflag:s8] =	ssyncset.s32 @!p0 $0xFFFFF086;
	s6 =	sadd.s32 @!p0 s3, s7;
	s7 =	simm.s32 @!p0 $0x108  }
0x21: {  	s3 =	sadd.s32 s3, s9;
	s6 =	sadd.s32 @!p0 $0x88, s6;
	s7 =	simm.s32 @p2 $0x1082  }
0x22: {  	[simem:s7], [sflag:s8] =	dma.local @!p0 [hbm:s6], $0xF7A  }
0x23: {  	s9 =	sor.u32 $0xD0000000, s2;
	s6 =	simm.s32 $0x108;
	_ =	swait.ge @!p0 [sflag:s8], $0x0  }
0x24: {  	s3 =	sadd.s32 $0x88, s3;
	s6 =	simm.s32 @!p1 $0x1082;
	[sflag:s4] =	ssyncset.s32 $0xFFFFF086  }
0x25: {  	[simem:s6], [sflag:s4] =	dma.local [hbm:s3], $0xF7A  }
0x26: {  	[smem:$0x3F94] =	sst s1;
	(tag) =	ssettag s2;
	_ =	strace s9  }
0x27: {  	s1 =	sld [smem:$0x3FA4]  }
0x28: {  	s2 =	sld [smem:$0x3FA5]  }
0x29: {  	s4 =	sld [smem:$0x3FA7]  }
0x2a: {  	p0 =	seq.s32 s5, $0x0;
	s5 =	sld [smem:$0x3FA8]  }
0x2b: {  	s6 =	sld [smem:$0x3FA9]  }
0x2c: {  	s7 =	sld [smem:$0x3FAA]  }
0x2d: {  	s3 =	simm.s32 $0x108;
	s8 =	sld [smem:$0x3FAB]  }
0x2e: {  	s3 =	simm.s32 @!p0 $0x1082;
	s9 =	sld [smem:$0x3FAC]  }
0x2f: {  	lr =	sadd.s32 s0, s3;
	s0 =	sld [smem:$0x3FA3]  }
0x30: {  	s3 =	sld [smem:$0x3FA6]  }
0x31: {  	[smem:$0x3FAF] =	sst s10  }
0x32: {  	s10 =	sld [smem:$0x3FAD];
	_ =	sdelay $0x3  }
0x33: {  	p0 =	seq.s32 s10, $0x1;
	s10 =	sld [smem:$0x3FAF];
	_ =	sdelay $0x3  }
0x34: {  	[smem:$0x3FAF] =	sst s10  }
0x35: {  	s10 =	sld [smem:$0x3FAE];
	_ =	sdelay $0x3  }
0x36: {  	p1 =	seq.s32 s10, $0x1;
	s10 =	sld [smem:$0x3FAF];
	_ =	sdelay $0x3  }
0x37: {  	[smem:$0x3FAF] =	sst s10  }
0x38: {  	s10 =	sld [smem:$0x3FB0]  }
0x39: {  	_ = 	snop;
	(pc) =	sbr.ind lr, $3  }
0x3a: {  	_ = 	snop  }
0x3b: {  	_ = 	snop  }
0x3c: {  	p2 =	seq.s32 s10, $0x1;
	s10 =	sld [smem:$0x3FAF]  }
0x3d: {  	_ =	shalt  }
0x3e: {  	_ =	shalt  }
0x3f: {  	_ =	shalt  }
0x40: {  	_ =	shalt  }
0x41: {  	_ =	shalt  }
0x42: {  	_ =	shalt  }
0x43: {  	_ =	shalt  }
0x44: {  	_ =	shalt  }
0x45: {  	_ =	shalt  }
0x46: {  	_ =	shalt  }
0x47: {  	_ =	shalt  }
0x48: {  	_ =	shalt  }
0x49: {  	_ =	shalt  }
0x4a: {  	_ =	shalt  }
0x4b: {  	_ =	shalt  }
0x4c: {  	_ =	shalt  }
0x4d: {  	_ =	shalt  }
0x4e: {  	_ =	shalt  }
0x4f: {  	_ =	shalt  }
0x50: {  	_ =	shalt  }
0x51: {  	_ =	shalt  }
0x52: {  	_ =	shalt  }
0x53: {  	_ =	shalt  }
0x54: {  	_ =	shalt  }
0x55: {  	_ =	shalt  }
0x56: {  	_ =	shalt  }
0x57: {  	_ =	shalt  }
0x58: {  	_ =	shalt  }
0x59: {  	_ =	shalt  }
0x5a: {  	_ =	shalt  }
0x5b: {  	_ =	shalt  }
0x5c: {  	_ =	shalt  }
0x5d: {  	_ =	shalt  }
0x5e: {  	_ =	shalt  }
0x5f: {  	_ =	shalt  }
0x60: {  	_ =	shalt  }
0x61: {  	_ =	shalt  }
0x62: {  	_ =	shalt  }
0x63: {  	_ =	shalt  }
0x64: {  	_ =	shalt  }
0x65: {  	_ =	shalt  }
0x66: {  	_ =	shalt  }
0x67: {  	_ =	shalt  }
0x68: {  	_ =	shalt  }
0x69: {  	_ =	shalt  }
0x6a: {  	_ =	shalt  }
0x6b: {  	_ =	shalt  }
0x6c: {  	_ =	shalt  }
0x6d: {  	_ =	shalt  }
0x6e: {  	_ =	shalt  }
0x6f: {  	_ =	shalt  }
0x70: {  	_ =	shalt  }
0x71: {  	_ =	shalt  }
0x72: {  	_ =	shalt  }
0x73: {  	_ =	shalt  }
0x74: {  	_ =	shalt  }
0x75: {  	_ =	shalt  }
0x76: {  	_ =	shalt  }
0x77: {  	_ =	shalt  }
0x78: {  	_ =	shalt  }
0x79: {  	_ =	shalt  }
0x7a: {  	_ =	shalt  }
0x7b: {  	_ =	shalt  }
0x7c: {  	_ =	shalt  }
0x7d: {  	_ =	shalt  }
0x7e: {  	_ =	shalt  }
0x7f: {  	_ =	shalt  }
0x80: {  	_ =	shalt  }
0x81: {  	_ =	shalt  }
0x82: {  	_ =	shalt  }
0x83: {  	_ =	shalt  }
0x84: {  	_ =	shalt  }
0x85: {  	_ =	shalt  }
0x86: {  	_ =	shalt  }
0x87: {  	_ =	shalt  }
.Lfunc_end0:
.L_simem_size_0:
called_computation.1_lowered:
.L_overlay_start_0:
0x88: {  	s2 =	sld [smem:$0x3FD9]  }
0x89: {  	s3 =	sld [smem:$0x3FFE];
	_ =	sdelay $0x1  }
0x8a: {  	s1 =	srdreg.scid  }
0x8b: {  	s0 =	sand.u32 $0x1, s1  }
0x8c: {  	s16 =	sshll.u32 s0, $0xA;
	s2 =	sadd.s32 s3, s2  }
0x8d: {  	s2 =	sadd.s32 s2, s16  }
0x8e: {  	[smem:$0x3FBB] =	sst s2  }
0x8f: {  	_ = 	snop  }
0x90: {  	(tm) =	ssettm $0x1  }
0x91: {  	s17 =	sld [smem:$0x3FFB];
	_ =	sdelay $0x3  }
0x92: {  	_ =	strace s17  }
0x93: {  	s2 =	sld [smem:$0x3FFC];
	_ =	sdelay $0x3  }
0x94: {  	_ =	strace s2  }
0x95: {  	s2 =	sld [smem:$0x3FFD];
	_ =	sdelay $0x3  }
0x96: {  	_ =	strace s2  }
0x97: {  	_ =	strace $0x8FFFFFFF  }
0x98: {  	s18 =	sld [smem:$0x3FDB];
	_ =	sdelay $0x1  }
0x99: {  	s19 =	simm.s32 $_scs_section_size  }
0x9a: {  	s4 =	simm.s32 $_size__tile_overlayer_lowered;
	s5 =	simm.s32 $_tile_overlayer_lowered  }
0x9b: {  	s22 =	simm.s32 $0x1BFF;
	s21 =	sshll.u32 s5, $0x1;
	s2 =	sadd.s32 s19, s18  }
0x9c: {  	s6 =	simm.s32 $0x0;
	s20 =	sshll.u32 s4, $0x1;
	s4 =	sadd.s32 s21, s2  }
0x9d: {  	[timem:s6], [sflag:s22] =	dma.local [hbm:s4], s20  }
0x9e: {  	_ =	swait.ge [sflag:s22], s20  }
0x9f: {  	s3 =	ssub.s32 $0x0, s20;
	[sflag:s22] =	ssyncset.done $0x0  }
0xa0: {  	[sflag:s22] =	ssyncadd.s32 s3;
	_ =	sdelay $0x1  }
0xa1: {  	s23 =	simm.s32 $0x1B8B  }
0xa2: {  	_ =	swait.ge [sflag:s23], $0x1  }
0xa3: {  	[sflag:s23] =	ssyncset.done $0x0  }
0xa4: {  	s25 =	simm.s32 $0x1B8E;
	s24 =	sld [smem:$0x3FFE];
	[sflag:s23] =	ssyncadd.s32 $0xFFFFFFFF  }
0xa5: {  	s26 =	simm.s32 $execute0_lowered;
	[smem:$0x3FD2] =	sst s25  }
0xa6: {  	s4 =	sshll.u32 s26, $0x1;
	_ =	strace $0x80000049;
	[dreg:$0x1] =	wrdreg $0xFFFFFFFF  }
0xa7: {  	s28 =	simm.s32 $_size_execute0_lowered;
	s2 =	sadd.s32 s2, s4;
	[dreg:$0x0] =	wrdreg $0x0  }
0xa8: {  	s4 =	sshll.u32 s28, $0x1;
	[dreg:$0x2] =	wrdreg s2  }
0xa9: {  	[dreg:$0x3] =	wrdreg s4  }
0xaa: {  	[dreg:$0x4] =	wrdreg $0xC0  }
0xab: {  	_ =	task [dreg:s6], $0x5FFFF  }
0xac: {  	[dreg:$0x1] =	wrdreg $0xFFFFFFFF  }
0xad: {  	[dreg:$0x0] =	wrdreg $0x60  }
0xae: {  	[dreg:$0x2] =	wrdreg s24  }
0xaf: {  	[dreg:$0x3] =	wrdreg $0x120000  }
0xb0: {  	[dreg:$0x4] =	wrdreg $0x9  }
0xb1: {  	_ =	task.clear_ibuf [dreg:s6], $0x5FFFF;
	_ =	strace $0x90000049  }
0xb2: {  	s29 =	simm.s32 $0x9;
	_ =	strace $0x8000004B  }
0xb3: {  	_ =	swait.ge [sflag:s29], $0x1  }
0xb4: {  	[sflag:s29] =	ssyncadd.s32 $0xFFFFFFFF  }
0xb5: {  	_ =	strace $0x9000004B  }
0xb6: {  	_ =	sfence  }
0xb7: {  	s30 =	sld [smem:$0x0];
	_ =	sdelay $0x2  }
0xb8: {  	s31 =	sshll.u32 s1, $0xD;
	s1 =	sshrl.u32 s1, $0x2  }
0xb9: {  	s3 =	sand.u32 $0x4000, s31;
	s1 =	sadd.s32 s1, s30  }
0xba: {  	s0 =	sor.u32 s3, s0;
	s1 =	sshll.u32 s1, $0x11  }
0xbb: {  	s0 =	sor.u32 s1, s0  }
0xbc: {  	s0 =	sadd.s32 $0x8F2B, s0  }
0xbd: {  	[sflag:s0] =	ssyncadd.remote.s32 $0x1  }
0xbe: {  	_ =	sfence.sel $0xFFFF  }
0xbf: {  	[dreg:$0x0] =	wrdreg $0xFFFFFFFF;
	(pc) =	sbr.abs _section_cstart, $3  }
0xc0: {  	[dreg:$0x1] =	wrdreg $0xFFFFFFFF  }
0xc1: {  	_ =	task.clear_ibuf [dreg:s6], $0x2FFFF;
	_ =	strace $0x9FFFFFFF  }
0xc2: {  	(tm) =	ssettm $0x7FFFFFFF  }
0xc3: {  	_ =	shalt  }
tec
execute0_lowered:
.L_overlay_start_1:
0x0: {  	(tag) =	ssettag $0x1  }
0x1: {  	s0 =	rddreg [dreg:$0x0]  }
0x2: {  	s2 =	rddreg [dreg:$0x1];
	s11 =	stileid.u32  }
0x3: {  	s4 =	srdreg.scid;
	s3 =	simm.s32 $0x0;
	s15 =	simm.s32 $0x80  }
0x4: {  	s16 =	simm.s32 $0xA000;
	s17 =	simm.s32 $0xC000;
	s18 =	simm.s32 $0x100  }
0x5: {  	s19 =	simm.s32 $0xE000;
	s20 =	simm.s32 $0x180;
	s21 =	simm.s32 $0x10000  }
0x6: {  	s22 =	simm.s32 $0x1;
	s23 =	simm.s32 $0x2;
	s24 =	simm.s32 $0x3  }
0x7: {  	s25 =	simm.s32 $0x4;
	s28 =	simm.s32 $0x9E80;
	s29 =	simm.s32 $0x9F00  }
0x8: {  	s30 =	simm.s32 $0x9F80;
	s31 =	simm.s32 $0x0;
	s1 =	smul.u32 $0xA00, s11  }
0x9: {  	s10 =	sand.u32 $0x1, s4;
	s7 =	smul.u32 $0x9E00, s11;
	[smem:$0x7FF] =	sst s3  }
0xa: {  	s4 =	sadd.s32 $0x16000, s0;
	s5 =	sadd.s32 $0x2600, s0;
	s11 =	sshll.u32 s11, $0x6  }
0xb: {  	s6 =	smul.u32 $0x9E000, s10;
	_ =	strace $0x8000004A;
	s9 =	ssub.s32 $0x2, s10  }
0xc: {  	p0 =	seq.s32 s10, $0x1;
	s1 =	sadd.s32 s1, s0;
	s26 =	sshrl.u32 s9, $0x1  }
.Ltmp0:
0xd: {  	s13 =	sadd.s32 s7, s2;
	s8 =	sadd.s32 s7, s6;
	(pc) =	sbr.rel .LBB2_1-.Ltmp0, $4  }
0xe: {  	s6 =	sadd.s32 $0x3DA00, s0;
	s12 =	ssub.s32 s9, s26;
	s7 =	sor.u32 $0x1C05, s11  }
0xf: {  	s9 =	sadd.s32 $0x29A00, s1;
	s26 =	simm.s32 $0x9E00;
	s8 =	sshrl.u32 s8, $0x3  }
0x10: {  	s11 =	smax.u32 s12, $0x1;
	s12 =	sshrl.u32 s13, $0x3;
	s0 =	sadd.s32 s8, s0  }
0x11: {  	s13 =	simm.s32 $0x5;
	s8 =	sadd.s32 $0x33A00, s1;
	s10 =	sadd.s32 $0x3F000, s0  }
.LBB2_7:
0x12: {  	[tilespmem:s21], [sflag:$0x4] =	stream.indirect.gather [hbm4b:s5+s15], $0x40, s1, s15, $0xb8;
	[tilespmem:$0x1BE00] =	vst v63  }
.LBB2_8:
0x13: {  	_ =	swait.ge [sflag:s22], $0x2000  }
0x14: {  	[sflag:s22] =	ssyncset.done $0x0  }
0x15: {  	[sflag:s22] =	ssyncadd.s32 $0xFFFFE000  }
0x16: {  	[spmem:s2] =	stream.indirect.scatter.add.f32 [tilespmem:s16], [sflag:$0x5], $0x40, s26, s15, $0xb8;
	[tilespmem:$0x1BE00] =	vst v63  }
0x17: {  	_ =	swait.ge [sflag:s13], $0x2000  }
0x18: {  	[sflag:s13] =	ssyncset.done $0x0  }
0x19: {  	[sflag:s13] =	ssyncadd.s32 $0xFFFFE000  }
0x1a: {  	_ =	swait.ge [sflag:s23], $0x2000  }
0x1b: {  	[sflag:s23] =	ssyncset.done $0x0  }
0x1c: {  	[sflag:s23] =	ssyncadd.s32 $0xFFFFE000  }
0x1d: {  	[spmem:s2] =	stream.indirect.scatter.add.f32 [tilespmem:s17], [sflag:$0x5], $0x40, s28, s15, $0xb8;
	[tilespmem:$0x1BE00] =	vst v63  }
0x1e: {  	_ =	swait.ge [sflag:s13], $0x2000  }
0x1f: {  	[sflag:s13] =	ssyncset.done $0x0  }
0x20: {  	[sflag:s13] =	ssyncadd.s32 $0xFFFFE000  }
0x21: {  	_ =	swait.ge [sflag:s24], $0x2000  }
0x22: {  	[sflag:s24] =	ssyncset.done $0x0  }
0x23: {  	[sflag:s24] =	ssyncadd.s32 $0xFFFFE000  }
0x24: {  	[spmem:s2] =	stream.indirect.scatter.add.f32 [tilespmem:s19], [sflag:$0x5], $0x40, s29, s15, $0xb8;
	[tilespmem:$0x1BE00] =	vst v63  }
0x25: {  	_ =	swait.ge [sflag:s13], $0x2000  }
0x26: {  	[sflag:s13] =	ssyncset.done $0x0  }
0x27: {  	[sflag:s13] =	ssyncadd.s32 $0xFFFFE000  }
0x28: {  	_ =	swait.ge [sflag:s25], $0x2000  }
0x29: {  	[sflag:s25] =	ssyncset.done $0x0  }
0x2a: {  	[sflag:s25] =	ssyncadd.s32 $0xFFFFE000  }
0x2b: {  	[spmem:s2] =	stream.indirect.scatter.add.f32 [tilespmem:s21], [sflag:$0x5], $0x40, s30, s15, $0xb8;
	[tilespmem:$0x1BE00] =	vst v63  }
0x2c: {  	_ =	swait.ge [sflag:s13], $0x2000  }
0x2d: {  	s31 =	sadd.s32 $0x1, s31;
	[sflag:s13] =	ssyncset.done $0x0  }
0x2e: {  	p1 =	sne.s32 s31, s11;
	[sflag:s13] =	ssyncadd.s32 $0xFFFFE000  }
.Ltmp1:
0x2f: {  	[bflag:$0x0] =	sbarrier.arrive $0xFFFF;
	(pc) =	sbr.rel @!p1 .LBB2_9-.Ltmp1, $4  }
0x30: {  	[hbm:s10], [sflag:s7] =	dma.local [spmem:s12], $0x13C0  }
0x31: {  	_ =	swait.ge [sflag:s13], $0x13C0  }
0x32: {  	[sflag:s13] =	ssyncset.done $0x0  }
0x33: {  	[sflag:s13] =	ssyncadd.s32 $0xFFFFEC40  }
.LBB2_1:
0x34: {  	[spmem:s12], [sflag:s7] =	dma.local [hbm:s6], $0x13C0  }
0x35: {  	_ =	swait.ge [sflag:s13], $0x13C0  }
0x36: {  	[sflag:s13] =	ssyncset.done $0x0  }
0x37: {  	[sflag:s13] =	ssyncadd.s32 $0xFFFFEC40  }
0x38: {  	[tilespmem:s3], [sflag:$0x5] =	stream.linear.gather [hbm4b:s8+s3], $0x5000, $0x38;
	[tilespmem:$0x1BE00] =	vst v63  }
0x39: {  	_ =	swait.ge [sflag:s13], $0x5000  }
0x3a: {  	[sflag:s13] =	ssyncset.done $0x0  }
0x3b: {  	s0 =	simm.s32 $0x5000;
	[sflag:s13] =	ssyncadd.s32 $0xFFFFB000  }
0x3c: {  	[tilespmem:s0], [sflag:$0x5] =	stream.linear.gather [hbm4b:s9+s3], $0x5000, $0x38;
	[tilespmem:$0x1BE00] =	vst v63  }
.Ltmp2:
0x3d: {  	_ =	swait.ge [sflag:s13], $0x5000;
	(pc) =	sbr.rel @!p0 .LBB2_2-.Ltmp2, $4  }
0x3e: {  	[sflag:s13] =	ssyncset.done $0x0  }
0x3f: {  	[sflag:s13] =	ssyncadd.s32 $0xFFFFB000  }
0x40: {  	[bflag:$0x0] =	sbarrier.arrive $0xFFFF  }
0x41: {  	s0 =	simm.s32 $0x0  }
0x42: {  	[tilespmem:s16], [sflag:$0x1] =	stream.indirect.gather [hbm4b:s5+s15], $0x40, s0, s15, $0xb8;
	[tilespmem:$0x1BE00] =	vst v63  }
0x43: {  	_ = 	snop  }
0x44: {  	[tilespmem:s17], [sflag:$0x2] =	stream.indirect.gather [hbm4b:s5+s15], $0x40, s15, s15, $0xb8;
	[tilespmem:$0x1BE00] =	vst v63  }
0x45: {  	_ = 	snop  }
0x46: {  	[tilespmem:s19], [sflag:$0x3] =	stream.indirect.gather [hbm4b:s5+s15], $0x40, s18, s15, $0xb8;
	[tilespmem:$0x1BE00] =	vst v63  }
0x47: {  	_ = 	snop  }
0x48: {  	[tilespmem:s21], [sflag:$0x4] =	stream.indirect.gather [hbm4b:s5+s15], $0x40, s20, s15, $0xb8;
	[tilespmem:$0x1BE00] =	vst v63  }
0x49: {  	_ =	swait.ge [sflag:s22], $0x2000  }
0x4a: {  	[sflag:s22] =	ssyncset.done $0x0  }
0x4b: {  	s14 =	simm.s32 $0x5000;
	[sflag:s22] =	ssyncadd.s32 $0xFFFFE000  }
0x4c: {  	[spmem:s2] =	stream.indirect.scatter.add.f32 [tilespmem:s16], [sflag:$0x5], $0x40, s14, s15, $0xb8;
	[tilespmem:$0x1BE00] =	vst v63  }
0x4d: {  	_ =	swait.ge [sflag:s13], $0x2000  }
0x4e: {  	[sflag:s13] =	ssyncset.done $0x0  }
0x4f: {  	s1 =	simm.s32 $0x200;
	[sflag:s13] =	ssyncadd.s32 $0xFFFFE000  }
0x50: {  	[tilespmem:s16], [sflag:$0x1] =	stream.indirect.gather [hbm4b:s5+s15], $0x40, s1, s15, $0xb8;
	[tilespmem:$0x1BE00] =	vst v63  }
0x51: {  	_ =	swait.ge [sflag:s23], $0x2000  }
0x52: {  	[sflag:s23] =	ssyncset.done $0x0  }
0x53: {  	s14 =	simm.s32 $0x5080;
	[sflag:s23] =	ssyncadd.s32 $0xFFFFE000  }
0x54: {  	[spmem:s2] =	stream.indirect.scatter.add.f32 [tilespmem:s17], [sflag:$0x5], $0x40, s14, s15, $0xb8;
	[tilespmem:$0x1BE00] =	vst v63  }
0x55: {  	_ =	swait.ge [sflag:s13], $0x2000  }
0x56: {  	[sflag:s13] =	ssyncset.done $0x0  }
0x57: {  	s1 =	simm.s32 $0x280;
	[sflag:s13] =	ssyncadd.s32 $0xFFFFE000  }
0x58: {  	[tilespmem:s17], [sflag:$0x2] =	stream.indirect.gather [hbm4b:s5+s15], $0x40, s1, s15, $0xb8;
	[tilespmem:$0x1BE00] =	vst v63  }
0x59: {  	_ =	swait.ge [sflag:s24], $0x2000  }
0x5a: {  	[sflag:s24] =	ssyncset.done $0x0  }
0x5b: {  	s14 =	simm.s32 $0x5100;
	[sflag:s24] =	ssyncadd.s32 $0xFFFFE000  }
0x5c: {  	[spmem:s2] =	stream.indirect.scatter.add.f32 [tilespmem:s19], [sflag:$0x5], $0x40, s14, s15, $0xb8;
	[tilespmem:$0x1BE00] =	vst v63  }
0x5d: {  	_ =	swait.ge [sflag:s13], $0x2000  }
0x5e: {  	[sflag:s13] =	ssyncset.done $0x0  }
0x5f: {  	s1 =	simm.s32 $0x300;
	[sflag:s13] =	ssyncadd.s32 $0xFFFFE000  }
0x60: {  	[tilespmem:s19], [sflag:$0x3] =	stream.indirect.gather [hbm4b:s5+s15], $0x40, s1, s15, $0xb8;
	[tilespmem:$0x1BE00] =	vst v63  }
0x61: {  	_ =	swait.ge [sflag:s25], $0x2000  }
0x62: {  	[sflag:s25] =	ssyncset.done $0x0  }
0x63: {  	s14 =	simm.s32 $0x5180;
	[sflag:s25] =	ssyncadd.s32 $0xFFFFE000  }
0x64: {  	[spmem:s2] =	stream.indirect.scatter.add.f32 [tilespmem:s21], [sflag:$0x5], $0x40, s14, s15, $0xb8;
	[tilespmem:$0x1BE00] =	vst v63  }
0x65: {  	_ =	swait.ge [sflag:s13], $0x2000  }
0x66: {  	[sflag:s13] =	ssyncset.done $0x0  }
0x67: {  	s0 =	simm.s32 $0x800;
	s1 =	simm.s32 $0x380;
	[sflag:s13] =	ssyncadd.s32 $0xFFFFE000  }
.LBB2_6:
0x68: {  	[tilespmem:s21], [sflag:$0x4] =	stream.indirect.gather [hbm4b:s5+s15], $0x40, s1, s15, $0xb8;
	[tilespmem:$0x1BE00] =	vst v63  }
0x69: {  	s1 =	smov.u32 s0  }
0x6a: {  	p1 =	sne.s32 s0, $0x13000;
	s0 =	sadd.s32 $0x800, s0;
	_ =	swait.ge [sflag:s22], $0x2000  }
0x6b: {  	s1 =	sshra.s32 s1, $0x2;
	[sflag:s22] =	ssyncset.done $0x0  }
0x6c: {  	s14 =	sadd.s32 $0x5000, s1;
	[sflag:s22] =	ssyncadd.s32 $0xFFFFE000  }
0x6d: {  	[spmem:s2] =	stream.indirect.scatter.add.f32 [tilespmem:s16], [sflag:$0x5], $0x40, s14, s15, $0xb8;
	[tilespmem:$0x1BE00] =	vst v63  }
0x6e: {  	_ =	swait.ge [sflag:s13], $0x2000  }
0x6f: {  	[sflag:s13] =	ssyncset.done $0x0  }
0x70: {  	s14 =	sadd.s32 $0x200, s1;
	[sflag:s13] =	ssyncadd.s32 $0xFFFFE000  }
0x71: {  	[tilespmem:s16], [sflag:$0x1] =	stream.indirect.gather [hbm4b:s5+s15], $0x40, s14, s15, $0xb8;
	[tilespmem:$0x1BE00] =	vst v63  }
0x72: {  	_ =	swait.ge [sflag:s23], $0x2000  }
0x73: {  	[sflag:s23] =	ssyncset.done $0x0  }
0x74: {  	s14 =	sadd.s32 $0x5080, s1;
	[sflag:s23] =	ssyncadd.s32 $0xFFFFE000  }
0x75: {  	[spmem:s2] =	stream.indirect.scatter.add.f32 [tilespmem:s17], [sflag:$0x5], $0x40, s14, s15, $0xb8;
	[tilespmem:$0x1BE00] =	vst v63  }
0x76: {  	_ =	swait.ge [sflag:s13], $0x2000  }
0x77: {  	[sflag:s13] =	ssyncset.done $0x0  }
0x78: {  	s14 =	sadd.s32 $0x280, s1;
	[sflag:s13] =	ssyncadd.s32 $0xFFFFE000  }
0x79: {  	[tilespmem:s17], [sflag:$0x2] =	stream.indirect.gather [hbm4b:s5+s15], $0x40, s14, s15, $0xb8;
	[tilespmem:$0x1BE00] =	vst v63  }
0x7a: {  	_ =	swait.ge [sflag:s24], $0x2000  }
0x7b: {  	[sflag:s24] =	ssyncset.done $0x0  }
0x7c: {  	s14 =	sadd.s32 $0x5100, s1;
	[sflag:s24] =	ssyncadd.s32 $0xFFFFE000  }
0x7d: {  	[spmem:s2] =	stream.indirect.scatter.add.f32 [tilespmem:s19], [sflag:$0x5], $0x40, s14, s15, $0xb8;
	[tilespmem:$0x1BE00] =	vst v63  }
0x7e: {  	_ =	swait.ge [sflag:s13], $0x2000  }
0x7f: {  	[sflag:s13] =	ssyncset.done $0x0  }
0x80: {  	s14 =	sadd.s32 $0x300, s1;
	[sflag:s13] =	ssyncadd.s32 $0xFFFFE000  }
0x81: {  	[tilespmem:s19], [sflag:$0x3] =	stream.indirect.gather [hbm4b:s5+s15], $0x40, s14, s15, $0xb8;
	[tilespmem:$0x1BE00] =	vst v63  }
0x82: {  	_ =	swait.ge [sflag:s25], $0x2000  }
0x83: {  	[sflag:s25] =	ssyncset.done $0x0  }
.Ltmp3:
0x84: {  	s14 =	sadd.s32 $0x5180, s1;
	[sflag:s25] =	ssyncadd.s32 $0xFFFFE000;
	(pc) =	sbr.rel @p1 .LBB2_6-.Ltmp3, $4  }
0x85: {  	[spmem:s2] =	stream.indirect.scatter.add.f32 [tilespmem:s21], [sflag:$0x5], $0x40, s14, s15, $0xb8;
	[tilespmem:$0x1BE00] =	vst v63  }
0x86: {  	_ =	swait.ge [sflag:s13], $0x2000  }
0x87: {  	[sflag:s13] =	ssyncset.done $0x0  }
0x88: {  	s1 =	sadd.s32 $0x380, s1;
	[sflag:s13] =	ssyncadd.s32 $0xFFFFE000  }
.Ltmp4:
0x89: {  	_ = 	snop;
	(pc) =	sbr.rel .LBB2_7-.Ltmp4, $1  }
0x8a: {  	_ =	sdelay $0x3  }
.LBB2_2:
0x8b: {  	[tilespmem:s16], [sflag:$0x1] =	stream.indirect.gather [hbm4b:s4+s15], $0x40, s0, s15, $0xb8;
	[tilespmem:$0x1BE00] =	vst v63  }
0x8c: {  	_ = 	snop  }
0x8d: {  	[tilespmem:s17], [sflag:$0x2] =	stream.indirect.gather [hbm4b:s4+s15], $0x40, s15, s15, $0xb8;
	[tilespmem:$0x1BE00] =	vst v63  }
0x8e: {  	_ = 	snop  }
0x8f: {  	[tilespmem:s19], [sflag:$0x3] =	stream.indirect.gather [hbm4b:s4+s15], $0x40, s18, s15, $0xb8;
	[tilespmem:$0x1BE00] =	vst v63  }
0x90: {  	_ = 	snop  }
0x91: {  	[tilespmem:s21], [sflag:$0x4] =	stream.indirect.gather [hbm4b:s4+s15], $0x40, s20, s15, $0xb8;
	[tilespmem:$0x1BE00] =	vst v63  }
0x92: {  	_ =	swait.ge [sflag:s22], $0x2000  }
0x93: {  	[sflag:s22] =	ssyncset.done $0x0  }
0x94: {  	s14 =	simm.s32 $0x5000;
	[sflag:s22] =	ssyncadd.s32 $0xFFFFE000  }
0x95: {  	[spmem:s2] =	stream.indirect.scatter.add.f32 [tilespmem:s16], [sflag:$0x5], $0x40, s14, s15, $0xb8;
	[tilespmem:$0x1BE00] =	vst v63  }
0x96: {  	_ =	swait.ge [sflag:s13], $0x2000  }
0x97: {  	[sflag:s13] =	ssyncset.done $0x0  }
0x98: {  	s1 =	simm.s32 $0x200;
	[sflag:s13] =	ssyncadd.s32 $0xFFFFE000  }
0x99: {  	[tilespmem:s16], [sflag:$0x1] =	stream.indirect.gather [hbm4b:s4+s15], $0x40, s1, s15, $0xb8;
	[tilespmem:$0x1BE00] =	vst v63  }
0x9a: {  	_ =	swait.ge [sflag:s23], $0x2000  }
0x9b: {  	[sflag:s23] =	ssyncset.done $0x0  }
0x9c: {  	s14 =	simm.s32 $0x5080;
	[sflag:s23] =	ssyncadd.s32 $0xFFFFE000  }
0x9d: {  	[spmem:s2] =	stream.indirect.scatter.add.f32 [tilespmem:s17], [sflag:$0x5], $0x40, s14, s15, $0xb8;
	[tilespmem:$0x1BE00] =	vst v63  }
0x9e: {  	_ =	swait.ge [sflag:s13], $0x2000  }
0x9f: {  	[sflag:s13] =	ssyncset.done $0x0  }
0xa0: {  	s1 =	simm.s32 $0x280;
	[sflag:s13] =	ssyncadd.s32 $0xFFFFE000  }
0xa1: {  	[tilespmem:s17], [sflag:$0x2] =	stream.indirect.gather [hbm4b:s4+s15], $0x40, s1, s15, $0xb8;
	[tilespmem:$0x1BE00] =	vst v63  }
0xa2: {  	_ =	swait.ge [sflag:s24], $0x2000  }
0xa3: {  	[sflag:s24] =	ssyncset.done $0x0  }
0xa4: {  	s14 =	simm.s32 $0x5100;
	[sflag:s24] =	ssyncadd.s32 $0xFFFFE000  }
0xa5: {  	[spmem:s2] =	stream.indirect.scatter.add.f32 [tilespmem:s19], [sflag:$0x5], $0x40, s14, s15, $0xb8;
	[tilespmem:$0x1BE00] =	vst v63  }
0xa6: {  	_ =	swait.ge [sflag:s13], $0x2000  }
0xa7: {  	[sflag:s13] =	ssyncset.done $0x0  }
0xa8: {  	s1 =	simm.s32 $0x300;
	[sflag:s13] =	ssyncadd.s32 $0xFFFFE000  }
0xa9: {  	[tilespmem:s19], [sflag:$0x3] =	stream.indirect.gather [hbm4b:s4+s15], $0x40, s1, s15, $0xb8;
	[tilespmem:$0x1BE00] =	vst v63  }
0xaa: {  	_ =	swait.ge [sflag:s25], $0x2000  }
0xab: {  	[sflag:s25] =	ssyncset.done $0x0  }
0xac: {  	s14 =	simm.s32 $0x5180;
	[sflag:s25] =	ssyncadd.s32 $0xFFFFE000  }
0xad: {  	[spmem:s2] =	stream.indirect.scatter.add.f32 [tilespmem:s21], [sflag:$0x5], $0x40, s14, s15, $0xb8;
	[tilespmem:$0x1BE00] =	vst v63  }
0xae: {  	_ =	swait.ge [sflag:s13], $0x2000  }
0xaf: {  	[sflag:s13] =	ssyncset.done $0x0  }
0xb0: {  	s0 =	simm.s32 $0x800;
	s1 =	simm.s32 $0x380;
	[sflag:s13] =	ssyncadd.s32 $0xFFFFE000  }
.LBB2_3:
0xb1: {  	[tilespmem:s21], [sflag:$0x4] =	stream.indirect.gather [hbm4b:s4+s15], $0x40, s1, s15, $0xb8;
	[tilespmem:$0x1BE00] =	vst v63  }
0xb2: {  	s1 =	smov.u32 s0  }
0xb3: {  	p1 =	seq.s32 s0, $0x13000;
	s0 =	sadd.s32 $0x800, s0;
	_ =	swait.ge [sflag:s22], $0x2000  }
0xb4: {  	s1 =	sshra.s32 s1, $0x2;
	[sflag:s22] =	ssyncset.done $0x0  }
0xb5: {  	s14 =	sadd.s32 $0x5000, s1;
	[sflag:s22] =	ssyncadd.s32 $0xFFFFE000  }
0xb6: {  	[spmem:s2] =	stream.indirect.scatter.add.f32 [tilespmem:s16], [sflag:$0x5], $0x40, s14, s15, $0xb8;
	[tilespmem:$0x1BE00] =	vst v63  }
0xb7: {  	_ =	swait.ge [sflag:s13], $0x2000  }
0xb8: {  	[sflag:s13] =	ssyncset.done $0x0  }
0xb9: {  	s14 =	sadd.s32 $0x200, s1;
	[sflag:s13] =	ssyncadd.s32 $0xFFFFE000  }
0xba: {  	[tilespmem:s16], [sflag:$0x1] =	stream.indirect.gather [hbm4b:s4+s15], $0x40, s14, s15, $0xb8;
	[tilespmem:$0x1BE00] =	vst v63  }
0xbb: {  	_ =	swait.ge [sflag:s23], $0x2000  }
0xbc: {  	[sflag:s23] =	ssyncset.done $0x0  }
0xbd: {  	s14 =	sadd.s32 $0x5080, s1;
	[sflag:s23] =	ssyncadd.s32 $0xFFFFE000  }
0xbe: {  	[spmem:s2] =	stream.indirect.scatter.add.f32 [tilespmem:s17], [sflag:$0x5], $0x40, s14, s15, $0xb8;
	[tilespmem:$0x1BE00] =	vst v63  }
0xbf: {  	_ =	swait.ge [sflag:s13], $0x2000  }
0xc0: {  	[sflag:s13] =	ssyncset.done $0x0  }
0xc1: {  	s14 =	sadd.s32 $0x280, s1;
	[sflag:s13] =	ssyncadd.s32 $0xFFFFE000  }
0xc2: {  	[tilespmem:s17], [sflag:$0x2] =	stream.indirect.gather [hbm4b:s4+s15], $0x40, s14, s15, $0xb8;
	[tilespmem:$0x1BE00] =	vst v63  }
0xc3: {  	_ =	swait.ge [sflag:s24], $0x2000  }
0xc4: {  	[sflag:s24] =	ssyncset.done $0x0  }
0xc5: {  	s14 =	sadd.s32 $0x5100, s1;
	[sflag:s24] =	ssyncadd.s32 $0xFFFFE000  }
0xc6: {  	[spmem:s2] =	stream.indirect.scatter.add.f32 [tilespmem:s19], [sflag:$0x5], $0x40, s14, s15, $0xb8;
	[tilespmem:$0x1BE00] =	vst v63  }
0xc7: {  	_ =	swait.ge [sflag:s13], $0x2000  }
0xc8: {  	[sflag:s13] =	ssyncset.done $0x0  }
0xc9: {  	s14 =	sadd.s32 $0x300, s1;
	[sflag:s13] =	ssyncadd.s32 $0xFFFFE000  }
0xca: {  	[tilespmem:s19], [sflag:$0x3] =	stream.indirect.gather [hbm4b:s4+s15], $0x40, s14, s15, $0xb8;
	[tilespmem:$0x1BE00] =	vst v63  }
0xcb: {  	_ =	swait.ge [sflag:s25], $0x2000  }
0xcc: {  	[sflag:s25] =	ssyncset.done $0x0  }
.Ltmp5:
0xcd: {  	s14 =	sadd.s32 $0x5180, s1;
	[sflag:s25] =	ssyncadd.s32 $0xFFFFE000;
	(pc) =	sbr.rel @!p1 .LBB2_3-.Ltmp5, $4  }
0xce: {  	[spmem:s2] =	stream.indirect.scatter.add.f32 [tilespmem:s21], [sflag:$0x5], $0x40, s14, s15, $0xb8;
	[tilespmem:$0x1BE00] =	vst v63  }
0xcf: {  	_ =	swait.ge [sflag:s13], $0x2000  }
0xd0: {  	[sflag:s13] =	ssyncset.done $0x0  }
0xd1: {  	s1 =	sadd.s32 $0x380, s1;
	[sflag:s13] =	ssyncadd.s32 $0xFFFFE000  }
.Ltmp6:
0xd2: {  	(pc) =	sbr.rel .LBB2_8-.Ltmp6, $2  }
0xd3: {  	_ =	sdelay $0x2  }
0xd4: {  	[tilespmem:s21], [sflag:$0x4] =	stream.indirect.gather [hbm4b:s4+s15], $0x40, s1, s15, $0xb8;
	[tilespmem:$0x1BE00] =	vst v63  }
.LBB2_9:
0xd5: {  	_ =	sfence.sel $0x180000  }
0xd6: {  	[bflag:$0x0] =	sbarrier.arrive $0xFFFF  }
0xd7: {  	_ =	strace $0x9000004A  }
0xd8: {  	s0 =	stileid.u32;
	[bflag:$0x2] =	sbarrier.arrive $0xFFFF  }
0xd9: {  	p0 =	sne.s32 s0, $0x0;
	s0 =	rddreg [dreg:$0x2]  }
0xda: {  	s0 =	sadd.s32 @!p0 $0x100000, s0  }
0xdb: {  	[sflag:s0] =	ssyncadd.tile.s32 @!p0 $0x1;
	_ =	shalt  }
.Lfunc_end2:
_tile_overlayer_lowered:
.L_overlay_start_2:
0xdc: {  	(tag) =	ssettag $0x2  }
0xdd: {  	s0 =	rddreg [dreg:$0x0];
	s2 =	stileid.u32  }
0xde: {  	s1 =	rddreg [dreg:$0x1];
	p0 =	sne.s32 s2, $0x0  }
0xdf: {  	s3 =	rddreg [dreg:$0x2];
	[bflag:$0x3] =	sbarrier.arrive $0xFFFF;
	s2 =	simm.s32 @!p0 $0x1C05  }
0xe0: {  	[timem:s3], [sflag:s2] =	dma.local @!p0 [hbm:s0], s1  }
0xe1: {  	s0 =	simm.s32 @!p0 $0x5  }
0xe2: {  	_ =	swait.ge @!p0 [sflag:s0], s1  }
0xe3: {  	s1 =	ssub.s32 @!p0 $0x0, s1;
	[sflag:s0] =	ssyncset.done @!p0 $0x0  }
0xe4: {  	[sflag:s0] =	ssyncadd.s32 @!p0 s1  }
0xe5: {  	[bflag:$0x3] =	sbarrier.arrive $0xFFFF  }
0xe6: {  	_ =	shalt  }

</sc_bundles>
